<compile_context>
chip_gen: v7x
topology: tpu7x:2x2x1
jax: 0.10.2.dev20260603
libtpu: 0.0.44.dev20260713+nightly
codegen_flags: <defaults>
</compile_context>

<pallas_src>
import functools

import jax
import jax.numpy as jnp
from jax import lax
from jax.experimental import pallas as pl
from jax.experimental.pallas import tpu as pltpu
from jax.experimental.pallas import tpu_sc as plsc

N = 10000
E = 320000
D_IN = 128
HID = 128
CLS = 16

NC = 2
NS = 16
NW = NC * NS
EPW = E // NW
K = 64
NBUF = 3
NCHUNK = 159
EPW_PAD = NCHUNK * K
TRASH_PER_TILE = 1
NPAD = NS * TRASH_PER_TILE

RPT = 640
RPT_LAST = N - (NS - 1) * RPT


def _rows_copy(src_of, dst_of, sid):
  start = pl.multiple_of(sid * RPT, 8)

  @pl.when(sid < NS - 1)
  def _():
    pltpu.sync_copy(src_of(start, RPT), dst_of(start, RPT))

  @pl.when(sid == NS - 1)
  def _():
    pltpu.sync_copy(src_of(start, RPT_LAST), dst_of(start, RPT_LAST))

_MESH = plsc.VectorSubcoreMesh(
    core_axis_name="c", subcore_axis_name="s", num_cores=NC, num_subcores=NS
)
_SC_PARAMS = pltpu.CompilerParams(use_tc_tiling_on_sc=False)


def _make_sc_agg(F):

  @functools.partial(
      pl.kernel,
      out_type=jax.ShapeDtypeStruct((NC, N, F), jnp.float32),
      mesh=_MESH,
      compiler_params=_SC_PARAMS,
      scratch_types=[
          pltpu.VMEM((NCHUNK, K), jnp.int32),
          pltpu.VMEM((NCHUNK, K), jnp.int32),
          pltpu.VMEM((NBUF, K, F), jnp.float32),
          pltpu.VMEM_SHARED((N + NPAD, F), jnp.float32),
      ] + [pltpu.SemaphoreType.DMA] * NBUF,
  )
  def agg(h_hbm, src_hbm, dst_hbm, zero_hbm, out_hbm,
          src_v, dst_v, rows_v, acc_sh, *sems):
    cid = lax.axis_index("c")
    sid = lax.axis_index("s")
    wid = cid * NS + sid
    pltpu.sync_copy(src_hbm.at[wid], src_v)
    pltpu.sync_copy(dst_hbm.at[wid], dst_v)
    _rows_copy(lambda s, n: zero_hbm.at[pl.ds(s, n)],
               lambda s, n: acc_sh.at[pl.ds(s, n)], sid)
    plsc.subcore_barrier()

    dummy = h_hbm.at[pl.ds(0, K)]
    for b in range(NBUF):
      pltpu.async_copy(h_hbm.at[src_v.at[b]], rows_v.at[b], sems[b])

    def body(i, carry):
      j0 = NBUF * i
      for b in range(NBUF):
        j = j0 + b
        pltpu.make_async_copy(dummy, rows_v.at[b], sems[b]).wait()
        pltpu.sync_copy(rows_v.at[b], acc_sh.at[dst_v.at[j]], add=True)

        @pl.when(j + NBUF < NCHUNK)
        def _(b=b, j=j):
          pltpu.async_copy(h_hbm.at[src_v.at[j + NBUF]], rows_v.at[b], sems[b])

      return carry

    lax.fori_loop(0, NCHUNK // NBUF, body, 0)
    plsc.subcore_barrier()
    _rows_copy(lambda s, n: acc_sh.at[pl.ds(s, n)],
               lambda s, n: out_hbm.at[cid].at[pl.ds(s, n)], sid)

  return agg


_sc_agg128 = _make_sc_agg(HID)
_sc_agg16 = _make_sc_agg(CLS)


@functools.partial(
    pl.kernel,
    out_type=jax.ShapeDtypeStruct((NC, N, 16), jnp.float32),
    mesh=_MESH,
    compiler_params=_SC_PARAMS,
    scratch_types=[
        pltpu.VMEM((NCHUNK, K), jnp.int32),
        pltpu.VMEM((K, 16), jnp.float32),
        pltpu.VMEM_SHARED((N + NPAD, 16), jnp.float32),
    ],
)
def _sc_deg(dst_hbm, zero_hbm, out_hbm, dst_v, ones_v, acc_sh):
  cid = lax.axis_index("c")
  sid = lax.axis_index("s")
  wid = cid * NS + sid
  pltpu.sync_copy(dst_hbm.at[wid], dst_v)
  _rows_copy(lambda s, n: zero_hbm.at[pl.ds(s, n)],
             lambda s, n: acc_sh.at[pl.ds(s, n)], sid)
  for j in range(K):
    ones_v[j, :] = jnp.full((16,), 1.0, jnp.float32)
  plsc.subcore_barrier()

  def body(j, carry):
    pltpu.sync_copy(ones_v, acc_sh.at[dst_v.at[j]], add=True)
    return carry

  lax.fori_loop(0, NCHUNK, body, 0)
  plsc.subcore_barrier()
  _rows_copy(lambda s, n: acc_sh.at[pl.ds(s, n)],
             lambda s, n: out_hbm.at[cid].at[pl.ds(s, n)], sid)


_B = 1000


def _tc1_body(x_ref, w_ref, deg_ref, z_ref, dinv_ref):
  deg = deg_ref[0] + deg_ref[1] + 1.0
  dinv = lax.rsqrt(deg)
  dinv_ref[...] = dinv
  z = jnp.dot(x_ref[...], w_ref[...], preferred_element_type=jnp.float32)
  z_ref[...] = z * dinv[:, :1]


def _tc1(x, W1, degs):
  return pl.pallas_call(
      _tc1_body,
      grid=(N // _B,),
      in_specs=[
          pl.BlockSpec((_B, D_IN), lambda i: (i, 0)),
          pl.BlockSpec((D_IN, HID), lambda i: (0, 0)),
          pl.BlockSpec((NC, _B, 16), lambda i: (0, i, 0)),
      ],
      out_specs=[
          pl.BlockSpec((_B, HID), lambda i: (i, 0)),
          pl.BlockSpec((_B, 16), lambda i: (i, 0)),
      ],
      out_shape=[
          jax.ShapeDtypeStruct((N, HID), jnp.float32),
          jax.ShapeDtypeStruct((N, 16), jnp.float32),
      ],
  )(x, W1, degs)


def _tc_mid_body(acc_ref, zp_ref, dinv_ref, w_ref, b_ref, out_ref):
  dinv = dinv_ref[...][:, :1]
  s = acc_ref[0] + acc_ref[1] + zp_ref[...]
  y = jnp.maximum(s * dinv + b_ref[...], 0.0)
  z = jnp.dot(y, w_ref[...], preferred_element_type=jnp.float32)
  out_ref[...] = z * dinv


def _tc_mid(acc, zp, dinv, W, b, f_out):
  return pl.pallas_call(
      _tc_mid_body,
      grid=(N // _B,),
      in_specs=[
          pl.BlockSpec((NC, _B, HID), lambda i: (0, i, 0)),
          pl.BlockSpec((_B, HID), lambda i: (i, 0)),
          pl.BlockSpec((_B, 16), lambda i: (i, 0)),
          pl.BlockSpec((HID, f_out), lambda i: (0, 0)),
          pl.BlockSpec((1, HID), lambda i: (0, 0)),
      ],
      out_specs=pl.BlockSpec((_B, f_out), lambda i: (i, 0)),
      out_shape=jax.ShapeDtypeStruct((N, f_out), jnp.float32),
  )(acc, zp, dinv, W, b)


def _tc_fin_body(acc_ref, zp_ref, dinv_ref, b_ref, out_ref):
  dinv = dinv_ref[...][:, :1]
  s = acc_ref[0] + acc_ref[1] + zp_ref[...]
  out_ref[...] = jnp.maximum(s * dinv + b_ref[...], 0.0)


def _tc_fin(acc, zp, dinv, b):
  return pl.pallas_call(
      _tc_fin_body,
      grid=(N // _B,),
      in_specs=[
          pl.BlockSpec((NC, _B, CLS), lambda i: (0, i, 0)),
          pl.BlockSpec((_B, CLS), lambda i: (i, 0)),
          pl.BlockSpec((_B, 16), lambda i: (i, 0)),
          pl.BlockSpec((1, CLS), lambda i: (0, 0)),
      ],
      out_specs=pl.BlockSpec((_B, CLS), lambda i: (i, 0)),
      out_shape=jax.ShapeDtypeStruct((N, CLS), jnp.float32),
  )(acc, zp, dinv, b)


def kernel(x, edge_index, W1, b1, W2, b2, W3, b3):
  pad_n = EPW_PAD - EPW
  src_pad = jnp.broadcast_to(
      jnp.arange(pad_n, dtype=jnp.int32)[None, :] * 37 % N, (NW, pad_n))
  dst_pad = (N + (jnp.arange(NW, dtype=jnp.int32) % NS)[:, None] * TRASH_PER_TILE
             + jnp.arange(pad_n, dtype=jnp.int32)[None, :] % TRASH_PER_TILE)
  src = jnp.concatenate(
      [edge_index[0].reshape(NW, EPW), src_pad], 1).reshape(NW, NCHUNK, K)
  dst = jnp.concatenate(
      [edge_index[1].reshape(NW, EPW), dst_pad], 1).reshape(NW, NCHUNK, K)
  zeros128 = jnp.zeros((N, HID), jnp.float32)
  zeros16 = jnp.zeros((N, 16), jnp.float32)

  degs = _sc_deg(dst, zeros16)
  z1p, dinv = _tc1(x, W1, degs)
  acc1 = _sc_agg128(z1p, src, dst, zeros128)
  z2p = _tc_mid(acc1, z1p, dinv, W2, b1.reshape(1, HID), HID)
  acc2 = _sc_agg128(z2p, src, dst, zeros128)
  z3p = _tc_mid(acc2, z2p, dinv, W3, b2.reshape(1, HID), CLS)
  acc3 = _sc_agg16(z3p, src, dst, zeros16)
  return _tc_fin(acc3, z3p, dinv, b3.reshape(1, CLS))

# --- scband reference (transcript-rebuilt; emitter-appended) ---
"""Pipeline reference for scband-gcn-22256520527890 (READ-ONLY COPY).

The authoritative reference and input builder live on the scoring server;
editing this copy changes nothing except your own understanding.
"""

import jax, jax.numpy as jnp
import numpy as np

N = 10000
E = 320000
D_IN = 128
HID = 128
CLS = 16


def gcn_conv(x, src, dst, W, b, num_nodes):
    # symmetric-normalized GCN aggregation with self-loops (already appended)
    ones = jnp.ones(src.shape[0], dtype=x.dtype)
    deg = jnp.zeros((num_nodes,), dtype=x.dtype).at[dst].add(ones)
    dinv = jnp.where(deg > 0, 1.0 / jnp.sqrt(deg), 0.0)
    norm = dinv[src] * dinv[dst]
    h = x @ W
    msg = h[src] * norm[:, None]
    out = jnp.zeros((num_nodes, W.shape[1]), dtype=x.dtype).at[dst].add(msg)
    return out + b


def setup_inputs(seed: int = 0) -> dict:
    key = jax.random.key(seed)
    ks = jax.random.split(key, 8)
    x = jax.random.normal(ks[0], (N, D_IN), dtype=jnp.float32)
    edge_index = jax.random.randint(ks[1], (2, E), 0, N, dtype=jnp.int32)
    W1 = jax.random.normal(ks[2], (D_IN, HID), dtype=jnp.float32) * 0.05
    b1 = jnp.zeros((HID,), dtype=jnp.float32)
    W2 = jax.random.normal(ks[3], (HID, HID), dtype=jnp.float32) * 0.05
    b2 = jnp.zeros((HID,), dtype=jnp.float32)
    W3 = jax.random.normal(ks[4], (HID, CLS), dtype=jnp.float32) * 0.05
    b3 = jnp.zeros((CLS,), dtype=jnp.float32)
    return {"x": x, "edge_index": edge_index, "W1": W1, "b1": b1, "W2": W2, "b2": b2, "W3": W3, "b3": b3}


def reference(x, edge_index, W1, b1, W2, b2, W3, b3):
    # add self-loops once (same edges used by all 3 layers)
    loop = jnp.arange(N, dtype=edge_index.dtype)
    src = jnp.concatenate([edge_index[0], loop])
    dst = jnp.concatenate([edge_index[1], loop])
    h = gcn_conv(x, src, dst, W1, b1, N)
    h = jax.nn.relu(h)
    # dropout is identity in eval mode
    h = gcn_conv(h, src, dst, W2, b2, N)
    h = jax.nn.relu(h)
    h = gcn_conv(h, src, dst, W3, b3, N)
    h = jax.nn.relu(h)
    return h

if __name__ == "__main__":
    import jax
    _d = setup_inputs()
    print(jax.jit(kernel)(*tuple(_d.values())))

</pallas_src>

<mosaic_0001>
#map = affine_map<(d0, d1) -> (0, 0)>
#map1 = affine_map<(d0, d1) -> (0, 0, 0)>
module attributes {stable_mosaic.version = 14 : i64} {
  func.func @agg(%arg0: i32, %arg1: i32, %arg2: memref<10000x128xf32, #tpu.memory_space<hbm>>, %arg3: memref<32x159x64xi32, #tpu.memory_space<hbm>>, %arg4: memref<32x159x64xi32, #tpu.memory_space<hbm>>, %arg5: memref<10000x128xf32, #tpu.memory_space<hbm>>, %arg6: memref<2x10000x128xf32, #tpu.memory_space<hbm>>, %arg7: memref<159x64xi32, #tpu.memory_space<vmem>>, %arg8: memref<159x64xi32, #tpu.memory_space<vmem>>, %arg9: memref<3x64x128xf32, #tpu.memory_space<vmem>>, %arg10: memref<10016x128xf32, #tpu.memory_space<vmem_shared>>, %arg11: memref<!tpu.dma_semaphore, #tpu.memory_space<semaphore_mem>>, %arg12: memref<!tpu.dma_semaphore, #tpu.memory_space<semaphore_mem>>, %arg13: memref<!tpu.dma_semaphore, #tpu.memory_space<semaphore_mem>>) attributes {dimension_semantics = [#tpu.dimension_semantics<core_parallel>, #tpu.dimension_semantics<subcore_parallel>], iteration_bounds = array<i64: 2, 16>, scalar_prefetch = 0 : i64, scratch_operands = 7 : i64, tpu.core_type = #tpu.core_type<sc_vector_subcore>, window_params = [{transform_indices = #map}, {transform_indices = #map1}, {transform_indices = #map1}, {transform_indices = #map}, {transform_indices = #map1}]} {
    %mul3A = arith.constant 16 : i32
    %mul3A_0 = arith.muli %arg0, %mul3A : i32
    %add3A = arith.addi %mul3A_0, %arg1 : i32
    "tpu.region"() ({
      %run_scoped3A = tpu.sem_alloc : memref<!tpu.dma_semaphore, #tpu.memory_space<semaphore_mem>>
      %dma_start3A_63 = arith.constant 0 : i32
      %dma_start3A_64 = arith.constant 0 : i32
      %dma_start3A_65 = tpu.memref_slice %arg3[%add3A, %dma_start3A_63, %dma_start3A_64] : memref<32x159x64xi32, #tpu.memory_space<hbm>> -> memref<1x159x64xi32, #tpu.memory_space<hbm>>
      %dma_start3A_66 = tpu.memref_squeeze %dma_start3A_65 : memref<1x159x64xi32, #tpu.memory_space<hbm>> -> memref<159x64xi32, #tpu.memory_space<hbm>>
      %dma_start3A_67 = arith.constant 0 : i32
      %dma_start3A_68 = arith.constant 0 : i32
      %dma_start3A_69 = tpu.memref_slice %arg3[%add3A, %dma_start3A_67, %dma_start3A_68] : memref<32x159x64xi32, #tpu.memory_space<hbm>> -> memref<1x159x64xi32, #tpu.memory_space<hbm>>
      %dma_start3A_70 = tpu.memref_squeeze %dma_start3A_69 : memref<1x159x64xi32, #tpu.memory_space<hbm>> -> memref<159x64xi32, #tpu.memory_space<hbm>>
      tpu.enqueue_dma source(%dma_start3A_70 : memref<159x64xi32, #tpu.memory_space<hbm>>) target(%arg7 : memref<159x64xi32, #tpu.memory_space<vmem>>) target_semaphore(%run_scoped3A : memref<!tpu.dma_semaphore, #tpu.memory_space<semaphore_mem>>)
      %dma_wait3A = arith.constant 0 : i32
      %dma_wait3A_71 = arith.constant 0 : i32
      %dma_wait3A_72 = tpu.memref_slice %arg3[%add3A, %dma_wait3A, %dma_wait3A_71] : memref<32x159x64xi32, #tpu.memory_space<hbm>> -> memref<1x159x64xi32, #tpu.memory_space<hbm>>
      %dma_wait3A_73 = tpu.memref_squeeze %dma_wait3A_72 : memref<1x159x64xi32, #tpu.memory_space<hbm>> -> memref<159x64xi32, #tpu.memory_space<hbm>>
      %dma_wait3A_74 = arith.constant 0 : i32
      %dma_wait3A_75 = arith.constant 0 : i32
      %dma_wait3A_76 = tpu.memref_slice %arg3[%add3A, %dma_wait3A_74, %dma_wait3A_75] : memref<32x159x64xi32, #tpu.memory_space<hbm>> -> memref<1x159x64xi32, #tpu.memory_space<hbm>>
      %dma_wait3A_77 = tpu.memref_squeeze %dma_wait3A_76 : memref<1x159x64xi32, #tpu.memory_space<hbm>> -> memref<159x64xi32, #tpu.memory_space<hbm>>
      tpu.wait_dma2 semaphore(%run_scoped3A : memref<!tpu.dma_semaphore, #tpu.memory_space<semaphore_mem>>) src(%dma_wait3A_77 : memref<159x64xi32, #tpu.memory_space<hbm>>) dst(%arg7 : memref<159x64xi32, #tpu.memory_space<vmem>>)
      tpu.yield
    }) : () -> ()
    "tpu.region"() ({
      %run_scoped3A = tpu.sem_alloc : memref<!tpu.dma_semaphore, #tpu.memory_space<semaphore_mem>>
      %dma_start3A_63 = arith.constant 0 : i32
      %dma_start3A_64 = arith.constant 0 : i32
      %dma_start3A_65 = tpu.memref_slice %arg4[%add3A, %dma_start3A_63, %dma_start3A_64] : memref<32x159x64xi32, #tpu.memory_space<hbm>> -> memref<1x159x64xi32, #tpu.memory_space<hbm>>
      %dma_start3A_66 = tpu.memref_squeeze %dma_start3A_65 : memref<1x159x64xi32, #tpu.memory_space<hbm>> -> memref<159x64xi32, #tpu.memory_space<hbm>>
      %dma_start3A_67 = arith.constant 0 : i32
      %dma_start3A_68 = arith.constant 0 : i32
      %dma_start3A_69 = tpu.memref_slice %arg4[%add3A, %dma_start3A_67, %dma_start3A_68] : memref<32x159x64xi32, #tpu.memory_space<hbm>> -> memref<1x159x64xi32, #tpu.memory_space<hbm>>
      %dma_start3A_70 = tpu.memref_squeeze %dma_start3A_69 : memref<1x159x64xi32, #tpu.memory_space<hbm>> -> memref<159x64xi32, #tpu.memory_space<hbm>>
      tpu.enqueue_dma source(%dma_start3A_70 : memref<159x64xi32, #tpu.memory_space<hbm>>) target(%arg8 : memref<159x64xi32, #tpu.memory_space<vmem>>) target_semaphore(%run_scoped3A : memref<!tpu.dma_semaphore, #tpu.memory_space<semaphore_mem>>)
      %dma_wait3A = arith.constant 0 : i32
      %dma_wait3A_71 = arith.constant 0 : i32
      %dma_wait3A_72 = tpu.memref_slice %arg4[%add3A, %dma_wait3A, %dma_wait3A_71] : memref<32x159x64xi32, #tpu.memory_space<hbm>> -> memref<1x159x64xi32, #tpu.memory_space<hbm>>
      %dma_wait3A_73 = tpu.memref_squeeze %dma_wait3A_72 : memref<1x159x64xi32, #tpu.memory_space<hbm>> -> memref<159x64xi32, #tpu.memory_space<hbm>>
      %dma_wait3A_74 = arith.constant 0 : i32
      %dma_wait3A_75 = arith.constant 0 : i32
      %dma_wait3A_76 = tpu.memref_slice %arg4[%add3A, %dma_wait3A_74, %dma_wait3A_75] : memref<32x159x64xi32, #tpu.memory_space<hbm>> -> memref<1x159x64xi32, #tpu.memory_space<hbm>>
      %dma_wait3A_77 = tpu.memref_squeeze %dma_wait3A_76 : memref<1x159x64xi32, #tpu.memory_space<hbm>> -> memref<159x64xi32, #tpu.memory_space<hbm>>
      tpu.wait_dma2 semaphore(%run_scoped3A : memref<!tpu.dma_semaphore, #tpu.memory_space<semaphore_mem>>) src(%dma_wait3A_77 : memref<159x64xi32, #tpu.memory_space<hbm>>) dst(%arg8 : memref<159x64xi32, #tpu.memory_space<vmem>>)
      tpu.yield
    }) : () -> ()
    %mul3A_1 = arith.constant 640 : i32
    %mul3A_2 = arith.muli %arg1, %mul3A_1 : i32
    %multiple_of3A = tpu.assume_multiple %mul3A_2, 8 : i32
    %lt3A = arith.constant 15 : i32
    %lt3A_3 = arith.cmpi slt, %arg1, %lt3A : i32
    %convert_element_type3A = arith.extui %lt3A_3 : i1 to i32
    %cond3A = arith.constant 0 : i32
    %cond3A_4 = arith.cmpi ne, %convert_element_type3A, %cond3A : i32
    scf.if %cond3A_4 {
      "tpu.region"() ({
        %run_scoped3A = tpu.sem_alloc : memref<!tpu.dma_semaphore, #tpu.memory_space<semaphore_mem>>
        %dma_start3A_63 = arith.constant 0 : i32
        %dma_start3A_64 = tpu.memref_slice %arg10[%multiple_of3A, %dma_start3A_63] : memref<10016x128xf32, #tpu.memory_space<vmem_shared>> -> memref<640x128xf32, #tpu.memory_space<vmem_shared>>
        %dma_start3A_65 = arith.constant 0 : i32
        %dma_start3A_66 = tpu.memref_slice %arg5[%multiple_of3A, %dma_start3A_65] : memref<10000x128xf32, #tpu.memory_space<hbm>> -> memref<640x128xf32, #tpu.memory_space<hbm>>
        tpu.enqueue_dma source(%dma_start3A_66 : memref<640x128xf32, #tpu.memory_space<hbm>>) target(%dma_start3A_64 : memref<640x128xf32, #tpu.memory_space<vmem_shared>>) target_semaphore(%run_scoped3A : memref<!tpu.dma_semaphore, #tpu.memory_space<semaphore_mem>>)
        %dma_wait3A = arith.constant 0 : i32
        %dma_wait3A_67 = tpu.memref_slice %arg10[%multiple_of3A, %dma_wait3A] : memref<10016x128xf32, #tpu.memory_space<vmem_shared>> -> memref<640x128xf32, #tpu.memory_space<vmem_shared>>
        %dma_wait3A_68 = arith.constant 0 : i32
        %dma_wait3A_69 = tpu.memref_slice %arg5[%multiple_of3A, %dma_wait3A_68] : memref<10000x128xf32, #tpu.memory_space<hbm>> -> memref<640x128xf32, #tpu.memory_space<hbm>>
        tpu.wait_dma2 semaphore(%run_scoped3A : memref<!tpu.dma_semaphore, #tpu.memory_space<semaphore_mem>>) src(%dma_wait3A_69 : memref<640x128xf32, #tpu.memory_space<hbm>>) dst(%dma_wait3A_67 : memref<640x128xf32, #tpu.memory_space<vmem_shared>>)
        tpu.yield
      }) : () -> ()
    } else {
    }
    %eq3A = arith.constant 15 : i32
    %eq3A_5 = arith.cmpi eq, %arg1, %eq3A : i32
    %convert_element_type3A_6 = arith.extui %eq3A_5 : i1 to i32
    %cond3A_7 = arith.constant 0 : i32
    %cond3A_8 = arith.cmpi ne, %convert_element_type3A_6, %cond3A_7 : i32
    scf.if %cond3A_8 {
      "tpu.region"() ({
        %run_scoped3A = tpu.sem_alloc : memref<!tpu.dma_semaphore, #tpu.memory_space<semaphore_mem>>
        %dma_start3A_63 = arith.constant 0 : i32
        %dma_start3A_64 = tpu.memref_slice %arg10[%multiple_of3A, %dma_start3A_63] : memref<10016x128xf32, #tpu.memory_space<vmem_shared>> -> memref<400x128xf32, #tpu.memory_space<vmem_shared>>
        %dma_start3A_65 = arith.constant 0 : i32
        %dma_start3A_66 = tpu.memref_slice %arg5[%multiple_of3A, %dma_start3A_65] : memref<10000x128xf32, #tpu.memory_space<hbm>> -> memref<400x128xf32, #tpu.memory_space<hbm>>
        tpu.enqueue_dma source(%dma_start3A_66 : memref<400x128xf32, #tpu.memory_space<hbm>>) target(%dma_start3A_64 : memref<400x128xf32, #tpu.memory_space<vmem_shared>>) target_semaphore(%run_scoped3A : memref<!tpu.dma_semaphore, #tpu.memory_space<semaphore_mem>>)
        %dma_wait3A = arith.constant 0 : i32
        %dma_wait3A_67 = tpu.memref_slice %arg10[%multiple_of3A, %dma_wait3A] : memref<10016x128xf32, #tpu.memory_space<vmem_shared>> -> memref<400x128xf32, #tpu.memory_space<vmem_shared>>
        %dma_wait3A_68 = arith.constant 0 : i32
        %dma_wait3A_69 = tpu.memref_slice %arg5[%multiple_of3A, %dma_wait3A_68] : memref<10000x128xf32, #tpu.memory_space<hbm>> -> memref<400x128xf32, #tpu.memory_space<hbm>>
        tpu.wait_dma2 semaphore(%run_scoped3A : memref<!tpu.dma_semaphore, #tpu.memory_space<semaphore_mem>>) src(%dma_wait3A_69 : memref<400x128xf32, #tpu.memory_space<hbm>>) dst(%dma_wait3A_67 : memref<400x128xf32, #tpu.memory_space<vmem_shared>>)
        tpu.yield
      }) : () -> ()
    } else {
    }
    %barrier3A = arith.constant 0 : index
    tpu.barrier barrier_id(%barrier3A)
    %dma_start3A = arith.constant 0 : i32
    %dma_start3A_9 = arith.constant 0 : i32
    %dma_start3A_10 = arith.constant 0 : i32
    %dma_start3A_11 = arith.constant 0 : i32
    %dma_start3A_12 = tpu.memref_slice %arg9[%dma_start3A_9, %dma_start3A_10, %dma_start3A_11] : memref<3x64x128xf32, #tpu.memory_space<vmem>> -> memref<1x64x128xf32, #tpu.memory_space<vmem>>
    %dma_start3A_13 = tpu.memref_squeeze %dma_start3A_12 : memref<1x64x128xf32, #tpu.memory_space<vmem>> -> memref<64x128xf32, #tpu.memory_space<vmem>>
    %dma_start3A_14 = arith.constant 0 : i32
    %dma_start3A_15 = tpu.memref_slice %arg7[%dma_start3A, %dma_start3A_14] : memref<159x64xi32, #tpu.memory_space<vmem>> -> memref<1x64xi32, #tpu.memory_space<vmem>>
    %dma_start3A_16 = tpu.memref_squeeze %dma_start3A_15 : memref<1x64xi32, #tpu.memory_space<vmem>> -> memref<64xi32, #tpu.memory_space<vmem>>
    %dma_start3A_17 = arith.constant 0 : i32
    %dma_start3A_18 = arith.constant 0 : i32
    %dma_start3A_19 = tpu.memref_slice %arg2[%dma_start3A_17, %dma_start3A_18] : memref<10000x128xf32, #tpu.memory_space<hbm>> -> memref<10000x128xf32, #tpu.memory_space<hbm>>
    tpu.enqueue_indirect_dma source(%dma_start3A_19 : memref<10000x128xf32, #tpu.memory_space<hbm>>) target(%dma_start3A_13 : memref<64x128xf32, #tpu.memory_space<vmem>>) offsets(%dma_start3A_16 : memref<64xi32, #tpu.memory_space<vmem>>) semaphore(%arg11 : memref<!tpu.dma_semaphore, #tpu.memory_space<semaphore_mem>>)
    %dma_start3A_20 = arith.constant 1 : i32
    %dma_start3A_21 = arith.constant 1 : i32
    %dma_start3A_22 = arith.constant 0 : i32
    %dma_start3A_23 = arith.constant 0 : i32
    %dma_start3A_24 = tpu.memref_slice %arg9[%dma_start3A_21, %dma_start3A_22, %dma_start3A_23] : memref<3x64x128xf32, #tpu.memory_space<vmem>> -> memref<1x64x128xf32, #tpu.memory_space<vmem>>
    %dma_start3A_25 = tpu.memref_squeeze %dma_start3A_24 : memref<1x64x128xf32, #tpu.memory_space<vmem>> -> memref<64x128xf32, #tpu.memory_space<vmem>>
    %dma_start3A_26 = arith.constant 0 : i32
    %dma_start3A_27 = tpu.memref_slice %arg7[%dma_start3A_20, %dma_start3A_26] : memref<159x64xi32, #tpu.memory_space<vmem>> -> memref<1x64xi32, #tpu.memory_space<vmem>>
    %dma_start3A_28 = tpu.memref_squeeze %dma_start3A_27 : memref<1x64xi32, #tpu.memory_space<vmem>> -> memref<64xi32, #tpu.memory_space<vmem>>
    %dma_start3A_29 = arith.constant 0 : i32
    %dma_start3A_30 = arith.constant 0 : i32
    %dma_start3A_31 = tpu.memref_slice %arg2[%dma_start3A_29, %dma_start3A_30] : memref<10000x128xf32, #tpu.memory_space<hbm>> -> memref<10000x128xf32, #tpu.memory_space<hbm>>
    tpu.enqueue_indirect_dma source(%dma_start3A_31 : memref<10000x128xf32, #tpu.memory_space<hbm>>) target(%dma_start3A_25 : memref<64x128xf32, #tpu.memory_space<vmem>>) offsets(%dma_start3A_28 : memref<64xi32, #tpu.memory_space<vmem>>) semaphore(%arg12 : memref<!tpu.dma_semaphore, #tpu.memory_space<semaphore_mem>>)
    %dma_start3A_32 = arith.constant 2 : i32
    %dma_start3A_33 = arith.constant 2 : i32
    %dma_start3A_34 = arith.constant 0 : i32
    %dma_start3A_35 = arith.constant 0 : i32
    %dma_start3A_36 = tpu.memref_slice %arg9[%dma_start3A_33, %dma_start3A_34, %dma_start3A_35] : memref<3x64x128xf32, #tpu.memory_space<vmem>> -> memref<1x64x128xf32, #tpu.memory_space<vmem>>
    %dma_start3A_37 = tpu.memref_squeeze %dma_start3A_36 : memref<1x64x128xf32, #tpu.memory_space<vmem>> -> memref<64x128xf32, #tpu.memory_space<vmem>>
    %dma_start3A_38 = arith.constant 0 : i32
    %dma_start3A_39 = tpu.memref_slice %arg7[%dma_start3A_32, %dma_start3A_38] : memref<159x64xi32, #tpu.memory_space<vmem>> -> memref<1x64xi32, #tpu.memory_space<vmem>>
    %dma_start3A_40 = tpu.memref_squeeze %dma_start3A_39 : memref<1x64xi32, #tpu.memory_space<vmem>> -> memref<64xi32, #tpu.memory_space<vmem>>
    %dma_start3A_41 = arith.constant 0 : i32
    %dma_start3A_42 = arith.constant 0 : i32
    %dma_start3A_43 = tpu.memref_slice %arg2[%dma_start3A_41, %dma_start3A_42] : memref<10000x128xf32, #tpu.memory_space<hbm>> -> memref<10000x128xf32, #tpu.memory_space<hbm>>
    tpu.enqueue_indirect_dma source(%dma_start3A_43 : memref<10000x128xf32, #tpu.memory_space<hbm>>) target(%dma_start3A_37 : memref<64x128xf32, #tpu.memory_space<vmem>>) offsets(%dma_start3A_40 : memref<64xi32, #tpu.memory_space<vmem>>) semaphore(%arg13 : memref<!tpu.dma_semaphore, #tpu.memory_space<semaphore_mem>>)
    %scan3A = arith.constant 0 : i32
    %scan3A_44 = arith.constant 0 : i32
    %scan3A_45 = arith.constant 53 : i32
    %scan3A_46 = arith.addi %scan3A_44, %scan3A_45 : i32
    %scan3A_47 = arith.constant 1 : i32
    scf.for %scan3A_63 = %scan3A_44 to %scan3A_46 step %scan3A_47  : i32 {
      %mul3A_64 = arith.constant 3 : i32
      %mul3A_65 = arith.muli %mul3A_64, %scan3A_63 : i32
      %add3A_66 = arith.constant 0 : i32
      %add3A_67 = arith.addi %mul3A_65, %add3A_66 : i32
      %dma_wait3A = arith.constant 0 : i32
      %dma_wait3A_68 = arith.constant 0 : i32
      %dma_wait3A_69 = arith.constant 0 : i32
      %dma_wait3A_70 = tpu.memref_slice %arg9[%dma_wait3A, %dma_wait3A_68, %dma_wait3A_69] : memref<3x64x128xf32, #tpu.memory_space<vmem>> -> memref<1x64x128xf32, #tpu.memory_space<vmem>>
      %dma_wait3A_71 = tpu.memref_squeeze %dma_wait3A_70 : memref<1x64x128xf32, #tpu.memory_space<vmem>> -> memref<64x128xf32, #tpu.memory_space<vmem>>
      %dma_wait3A_72 = arith.constant 0 : i32
      %dma_wait3A_73 = arith.constant 0 : i32
      %dma_wait3A_74 = tpu.memref_slice %arg2[%dma_wait3A_72, %dma_wait3A_73] : memref<10000x128xf32, #tpu.memory_space<hbm>> -> memref<64x128xf32, #tpu.memory_space<hbm>>
      %dma_wait3A_75 = arith.constant 0 : i32
      %dma_wait3A_76 = arith.constant 0 : i32
      %dma_wait3A_77 = tpu.memref_slice %arg9[%dma_wait3A, %dma_wait3A_75, %dma_wait3A_76] : memref<3x64x128xf32, #tpu.memory_space<vmem>> -> memref<1x64x128xf32, #tpu.memory_space<vmem>>
      %dma_wait3A_78 = tpu.memref_squeeze %dma_wait3A_77 : memref<1x64x128xf32, #tpu.memory_space<vmem>> -> memref<64x128xf32, #tpu.memory_space<vmem>>
      %dma_wait3A_79 = arith.constant 0 : i32
      %dma_wait3A_80 = arith.constant 0 : i32
      %dma_wait3A_81 = tpu.memref_slice %arg2[%dma_wait3A_79, %dma_wait3A_80] : memref<10000x128xf32, #tpu.memory_space<hbm>> -> memref<64x128xf32, #tpu.memory_space<hbm>>
      tpu.wait_dma2 semaphore(%arg11 : memref<!tpu.dma_semaphore, #tpu.memory_space<semaphore_mem>>) src(%dma_wait3A_81 : memref<64x128xf32, #tpu.memory_space<hbm>>) dst(%dma_wait3A_78 : memref<64x128xf32, #tpu.memory_space<vmem>>)
      %run_scoped3A = arith.constant 0 : i32
      "tpu.region"() ({
        %run_scoped3A_139 = tpu.sem_alloc : memref<!tpu.dma_semaphore, #tpu.memory_space<semaphore_mem>>
        %dma_start3A_140 = arith.constant 0 : i32
        %dma_start3A_141 = arith.constant 0 : i32
        %dma_start3A_142 = tpu.memref_slice %arg9[%run_scoped3A, %dma_start3A_140, %dma_start3A_141] : memref<3x64x128xf32, #tpu.memory_space<vmem>> -> memref<1x64x128xf32, #tpu.memory_space<vmem>>
        %dma_start3A_143 = tpu.memref_squeeze %dma_start3A_142 : memref<1x64x128xf32, #tpu.memory_space<vmem>> -> memref<64x128xf32, #tpu.memory_space<vmem>>
        %dma_start3A_144 = arith.constant 0 : i32
        %dma_start3A_145 = tpu.memref_slice %arg8[%add3A_67, %dma_start3A_144] : memref<159x64xi32, #tpu.memory_space<vmem>> -> memref<1x64xi32, #tpu.memory_space<vmem>>
        %dma_start3A_146 = tpu.memref_squeeze %dma_start3A_145 : memref<1x64xi32, #tpu.memory_space<vmem>> -> memref<64xi32, #tpu.memory_space<vmem>>
        %dma_start3A_147 = arith.constant 0 : i32
        %dma_start3A_148 = arith.constant 0 : i32
        %dma_start3A_149 = tpu.memref_slice %arg10[%dma_start3A_147, %dma_start3A_148] : memref<10016x128xf32, #tpu.memory_space<vmem_shared>> -> memref<10016x128xf32, #tpu.memory_space<vmem_shared>>
        tpu.enqueue_indirect_dma source(%dma_start3A_143 : memref<64x128xf32, #tpu.memory_space<vmem>>) target(%dma_start3A_149 : memref<10016x128xf32, #tpu.memory_space<vmem_shared>>) offsets(%dma_start3A_146 : memref<64xi32, #tpu.memory_space<vmem>>) semaphore(%run_scoped3A_139 : memref<!tpu.dma_semaphore, #tpu.memory_space<semaphore_mem>>) {add = true}
        %dma_wait3A_150 = arith.constant 0 : i32
        %dma_wait3A_151 = arith.constant 0 : i32
        %dma_wait3A_152 = tpu.memref_slice %arg9[%run_scoped3A, %dma_wait3A_150, %dma_wait3A_151] : memref<3x64x128xf32, #tpu.memory_space<vmem>> -> memref<1x64x128xf32, #tpu.memory_space<vmem>>
        %dma_wait3A_153 = tpu.memref_squeeze %dma_wait3A_152 : memref<1x64x128xf32, #tpu.memory_space<vmem>> -> memref<64x128xf32, #tpu.memory_space<vmem>>
        %dma_wait3A_154 = arith.constant 0 : i32
        %dma_wait3A_155 = tpu.memref_slice %arg8[%add3A_67, %dma_wait3A_154] : memref<159x64xi32, #tpu.memory_space<vmem>> -> memref<1x64xi32, #tpu.memory_space<vmem>>
        %dma_wait3A_156 = tpu.memref_squeeze %dma_wait3A_155 : memref<1x64xi32, #tpu.memory_space<vmem>> -> memref<64xi32, #tpu.memory_space<vmem>>
        %dma_wait3A_157 = arith.constant 0 : i32
        %dma_wait3A_158 = arith.constant 0 : i32
        %dma_wait3A_159 = tpu.memref_slice %arg10[%dma_wait3A_157, %dma_wait3A_158] : memref<10016x128xf32, #tpu.memory_space<vmem_shared>> -> memref<10016x128xf32, #tpu.memory_space<vmem_shared>>
        tpu.wait_indirect_dma semaphore(%run_scoped3A_139 : memref<!tpu.dma_semaphore, #tpu.memory_space<semaphore_mem>>) src(%dma_wait3A_153 : memref<64x128xf32, #tpu.memory_space<vmem>>) dst(%dma_wait3A_159 : memref<10016x128xf32, #tpu.memory_space<vmem_shared>>)
        tpu.yield
      }) : () -> ()
      %add3A_82 = arith.constant 3 : i32
      %add3A_83 = arith.addi %add3A_67, %add3A_82 : i32
      %lt3A_84 = arith.constant 159 : i32
      %lt3A_85 = arith.cmpi slt, %add3A_83, %lt3A_84 : i32
      %convert_element_type3A_86 = arith.extui %lt3A_85 : i1 to i32
      %cond3A_87 = arith.constant 0 : i32
      %cond3A_88 = arith.cmpi ne, %convert_element_type3A_86, %cond3A_87 : i32
      scf.if %cond3A_88 {
        %add3A_139 = arith.constant 3 : i32
        %add3A_140 = arith.addi %add3A_67, %add3A_139 : i32
        %dma_start3A_141 = arith.constant 0 : i32
        %dma_start3A_142 = arith.constant 0 : i32
        %dma_start3A_143 = arith.constant 0 : i32
        %dma_start3A_144 = tpu.memref_slice %arg9[%dma_start3A_141, %dma_start3A_142, %dma_start3A_143] : memref<3x64x128xf32, #tpu.memory_space<vmem>> -> memref<1x64x128xf32, #tpu.memory_space<vmem>>
        %dma_start3A_145 = tpu.memref_squeeze %dma_start3A_144 : memref<1x64x128xf32, #tpu.memory_space<vmem>> -> memref<64x128xf32, #tpu.memory_space<vmem>>
        %dma_start3A_146 = arith.constant 0 : i32
        %dma_start3A_147 = tpu.memref_slice %arg7[%add3A_140, %dma_start3A_146] : memref<159x64xi32, #tpu.memory_space<vmem>> -> memref<1x64xi32, #tpu.memory_space<vmem>>
        %dma_start3A_148 = tpu.memref_squeeze %dma_start3A_147 : memref<1x64xi32, #tpu.memory_space<vmem>> -> memref<64xi32, #tpu.memory_space<vmem>>
        %dma_start3A_149 = arith.constant 0 : i32
        %dma_start3A_150 = arith.constant 0 : i32
        %dma_start3A_151 = tpu.memref_slice %arg2[%dma_start3A_149, %dma_start3A_150] : memref<10000x128xf32, #tpu.memory_space<hbm>> -> memref<10000x128xf32, #tpu.memory_space<hbm>>
        tpu.enqueue_indirect_dma source(%dma_start3A_151 : memref<10000x128xf32, #tpu.memory_space<hbm>>) target(%dma_start3A_145 : memref<64x128xf32, #tpu.memory_space<vmem>>) offsets(%dma_start3A_148 : memref<64xi32, #tpu.memory_space<vmem>>) semaphore(%arg11 : memref<!tpu.dma_semaphore, #tpu.memory_space<semaphore_mem>>)
      } else {
      }
      %add3A_89 = arith.constant 1 : i32
      %add3A_90 = arith.addi %mul3A_65, %add3A_89 : i32
      %dma_wait3A_91 = arith.constant 1 : i32
      %dma_wait3A_92 = arith.constant 0 : i32
      %dma_wait3A_93 = arith.constant 0 : i32
      %dma_wait3A_94 = tpu.memref_slice %arg9[%dma_wait3A_91, %dma_wait3A_92, %dma_wait3A_93] : memref<3x64x128xf32, #tpu.memory_space<vmem>> -> memref<1x64x128xf32, #tpu.memory_space<vmem>>
      %dma_wait3A_95 = tpu.memref_squeeze %dma_wait3A_94 : memref<1x64x128xf32, #tpu.memory_space<vmem>> -> memref<64x128xf32, #tpu.memory_space<vmem>>
      %dma_wait3A_96 = arith.constant 0 : i32
      %dma_wait3A_97 = arith.constant 0 : i32
      %dma_wait3A_98 = tpu.memref_slice %arg2[%dma_wait3A_96, %dma_wait3A_97] : memref<10000x128xf32, #tpu.memory_space<hbm>> -> memref<64x128xf32, #tpu.memory_space<hbm>>
      %dma_wait3A_99 = arith.constant 0 : i32
      %dma_wait3A_100 = arith.constant 0 : i32
      %dma_wait3A_101 = tpu.memref_slice %arg9[%dma_wait3A_91, %dma_wait3A_99, %dma_wait3A_100] : memref<3x64x128xf32, #tpu.memory_space<vmem>> -> memref<1x64x128xf32, #tpu.memory_space<vmem>>
      %dma_wait3A_102 = tpu.memref_squeeze %dma_wait3A_101 : memref<1x64x128xf32, #tpu.memory_space<vmem>> -> memref<64x128xf32, #tpu.memory_space<vmem>>
      %dma_wait3A_103 = arith.constant 0 : i32
      %dma_wait3A_104 = arith.constant 0 : i32
      %dma_wait3A_105 = tpu.memref_slice %arg2[%dma_wait3A_103, %dma_wait3A_104] : memref<10000x128xf32, #tpu.memory_space<hbm>> -> memref<64x128xf32, #tpu.memory_space<hbm>>
      tpu.wait_dma2 semaphore(%arg12 : memref<!tpu.dma_semaphore, #tpu.memory_space<semaphore_mem>>) src(%dma_wait3A_105 : memref<64x128xf32, #tpu.memory_space<hbm>>) dst(%dma_wait3A_102 : memref<64x128xf32, #tpu.memory_space<vmem>>)
      %run_scoped3A_106 = arith.constant 1 : i32
      "tpu.region"() ({
        %run_scoped3A_139 = tpu.sem_alloc : memref<!tpu.dma_semaphore, #tpu.memory_space<semaphore_mem>>
        %dma_start3A_140 = arith.constant 0 : i32
        %dma_start3A_141 = arith.constant 0 : i32
        %dma_start3A_142 = tpu.memref_slice %arg9[%run_scoped3A_106, %dma_start3A_140, %dma_start3A_141] : memref<3x64x128xf32, #tpu.memory_space<vmem>> -> memref<1x64x128xf32, #tpu.memory_space<vmem>>
        %dma_start3A_143 = tpu.memref_squeeze %dma_start3A_142 : memref<1x64x128xf32, #tpu.memory_space<vmem>> -> memref<64x128xf32, #tpu.memory_space<vmem>>
        %dma_start3A_144 = arith.constant 0 : i32
        %dma_start3A_145 = tpu.memref_slice %arg8[%add3A_90, %dma_start3A_144] : memref<159x64xi32, #tpu.memory_space<vmem>> -> memref<1x64xi32, #tpu.memory_space<vmem>>
        %dma_start3A_146 = tpu.memref_squeeze %dma_start3A_145 : memref<1x64xi32, #tpu.memory_space<vmem>> -> memref<64xi32, #tpu.memory_space<vmem>>
        %dma_start3A_147 = arith.constant 0 : i32
        %dma_start3A_148 = arith.constant 0 : i32
        %dma_start3A_149 = tpu.memref_slice %arg10[%dma_start3A_147, %dma_start3A_148] : memref<10016x128xf32, #tpu.memory_space<vmem_shared>> -> memref<10016x128xf32, #tpu.memory_space<vmem_shared>>
        tpu.enqueue_indirect_dma source(%dma_start3A_143 : memref<64x128xf32, #tpu.memory_space<vmem>>) target(%dma_start3A_149 : memref<10016x128xf32, #tpu.memory_space<vmem_shared>>) offsets(%dma_start3A_146 : memref<64xi32, #tpu.memory_space<vmem>>) semaphore(%run_scoped3A_139 : memref<!tpu.dma_semaphore, #tpu.memory_space<semaphore_mem>>) {add = true}
        %dma_wait3A_150 = arith.constant 0 : i32
        %dma_wait3A_151 = arith.constant 0 : i32
        %dma_wait3A_152 = tpu.memref_slice %arg9[%run_scoped3A_106, %dma_wait3A_150, %dma_wait3A_151] : memref<3x64x128xf32, #tpu.memory_space<vmem>> -> memref<1x64x128xf32, #tpu.memory_space<vmem>>
        %dma_wait3A_153 = tpu.memref_squeeze %dma_wait3A_152 : memref<1x64x128xf32, #tpu.memory_space<vmem>> -> memref<64x128xf32, #tpu.memory_space<vmem>>
        %dma_wait3A_154 = arith.constant 0 : i32
        %dma_wait3A_155 = tpu.memref_slice %arg8[%add3A_90, %dma_wait3A_154] : memref<159x64xi32, #tpu.memory_space<vmem>> -> memref<1x64xi32, #tpu.memory_space<vmem>>
        %dma_wait3A_156 = tpu.memref_squeeze %dma_wait3A_155 : memref<1x64xi32, #tpu.memory_space<vmem>> -> memref<64xi32, #tpu.memory_space<vmem>>
        %dma_wait3A_157 = arith.constant 0 : i32
        %dma_wait3A_158 = arith.constant 0 : i32
        %dma_wait3A_159 = tpu.memref_slice %arg10[%dma_wait3A_157, %dma_wait3A_158] : memref<10016x128xf32, #tpu.memory_space<vmem_shared>> -> memref<10016x128xf32, #tpu.memory_space<vmem_shared>>
        tpu.wait_indirect_dma semaphore(%run_scoped3A_139 : memref<!tpu.dma_semaphore, #tpu.memory_space<semaphore_mem>>) src(%dma_wait3A_153 : memref<64x128xf32, #tpu.memory_space<vmem>>) dst(%dma_wait3A_159 : memref<10016x128xf32, #tpu.memory_space<vmem_shared>>)
        tpu.yield
      }) : () -> ()
      %add3A_107 = arith.constant 3 : i32
      %add3A_108 = arith.addi %add3A_90, %add3A_107 : i32
      %lt3A_109 = arith.constant 159 : i32
      %lt3A_110 = arith.cmpi slt, %add3A_108, %lt3A_109 : i32
      %convert_element_type3A_111 = arith.extui %lt3A_110 : i1 to i32
      %cond3A_112 = arith.constant 0 : i32
      %cond3A_113 = arith.cmpi ne, %convert_element_type3A_111, %cond3A_112 : i32
      scf.if %cond3A_113 {
        %add3A_139 = arith.constant 3 : i32
        %add3A_140 = arith.addi %add3A_90, %add3A_139 : i32
        %dma_start3A_141 = arith.constant 1 : i32
        %dma_start3A_142 = arith.constant 0 : i32
        %dma_start3A_143 = arith.constant 0 : i32
        %dma_start3A_144 = tpu.memref_slice %arg9[%dma_start3A_141, %dma_start3A_142, %dma_start3A_143] : memref<3x64x128xf32, #tpu.memory_space<vmem>> -> memref<1x64x128xf32, #tpu.memory_space<vmem>>
        %dma_start3A_145 = tpu.memref_squeeze %dma_start3A_144 : memref<1x64x128xf32, #tpu.memory_space<vmem>> -> memref<64x128xf32, #tpu.memory_space<vmem>>
        %dma_start3A_146 = arith.constant 0 : i32
        %dma_start3A_147 = tpu.memref_slice %arg7[%add3A_140, %dma_start3A_146] : memref<159x64xi32, #tpu.memory_space<vmem>> -> memref<1x64xi32, #tpu.memory_space<vmem>>
        %dma_start3A_148 = tpu.memref_squeeze %dma_start3A_147 : memref<1x64xi32, #tpu.memory_space<vmem>> -> memref<64xi32, #tpu.memory_space<vmem>>
        %dma_start3A_149 = arith.constant 0 : i32
        %dma_start3A_150 = arith.constant 0 : i32
        %dma_start3A_151 = tpu.memref_slice %arg2[%dma_start3A_149, %dma_start3A_150] : memref<10000x128xf32, #tpu.memory_space<hbm>> -> memref<10000x128xf32, #tpu.memory_space<hbm>>
        tpu.enqueue_indirect_dma source(%dma_start3A_151 : memref<10000x128xf32, #tpu.memory_space<hbm>>) target(%dma_start3A_145 : memref<64x128xf32, #tpu.memory_space<vmem>>) offsets(%dma_start3A_148 : memref<64xi32, #tpu.memory_space<vmem>>) semaphore(%arg12 : memref<!tpu.dma_semaphore, #tpu.memory_space<semaphore_mem>>)
      } else {
      }
      %add3A_114 = arith.constant 2 : i32
      %add3A_115 = arith.addi %mul3A_65, %add3A_114 : i32
      %dma_wait3A_116 = arith.constant 2 : i32
      %dma_wait3A_117 = arith.constant 0 : i32
      %dma_wait3A_118 = arith.constant 0 : i32
      %dma_wait3A_119 = tpu.memref_slice %arg9[%dma_wait3A_116, %dma_wait3A_117, %dma_wait3A_118] : memref<3x64x128xf32, #tpu.memory_space<vmem>> -> memref<1x64x128xf32, #tpu.memory_space<vmem>>
      %dma_wait3A_120 = tpu.memref_squeeze %dma_wait3A_119 : memref<1x64x128xf32, #tpu.memory_space<vmem>> -> memref<64x128xf32, #tpu.memory_space<vmem>>
      %dma_wait3A_121 = arith.constant 0 : i32
      %dma_wait3A_122 = arith.constant 0 : i32
      %dma_wait3A_123 = tpu.memref_slice %arg2[%dma_wait3A_121, %dma_wait3A_122] : memref<10000x128xf32, #tpu.memory_space<hbm>> -> memref<64x128xf32, #tpu.memory_space<hbm>>
      %dma_wait3A_124 = arith.constant 0 : i32
      %dma_wait3A_125 = arith.constant 0 : i32
      %dma_wait3A_126 = tpu.memref_slice %arg9[%dma_wait3A_116, %dma_wait3A_124, %dma_wait3A_125] : memref<3x64x128xf32, #tpu.memory_space<vmem>> -> memref<1x64x128xf32, #tpu.memory_space<vmem>>
      %dma_wait3A_127 = tpu.memref_squeeze %dma_wait3A_126 : memref<1x64x128xf32, #tpu.memory_space<vmem>> -> memref<64x128xf32, #tpu.memory_space<vmem>>
      %dma_wait3A_128 = arith.constant 0 : i32
      %dma_wait3A_129 = arith.constant 0 : i32
      %dma_wait3A_130 = tpu.memref_slice %arg2[%dma_wait3A_128, %dma_wait3A_129] : memref<10000x128xf32, #tpu.memory_space<hbm>> -> memref<64x128xf32, #tpu.memory_space<hbm>>
      tpu.wait_dma2 semaphore(%arg13 : memref<!tpu.dma_semaphore, #tpu.memory_space<semaphore_mem>>) src(%dma_wait3A_130 : memref<64x128xf32, #tpu.memory_space<hbm>>) dst(%dma_wait3A_127 : memref<64x128xf32, #tpu.memory_space<vmem>>)
      %run_scoped3A_131 = arith.constant 2 : i32
      "tpu.region"() ({
        %run_scoped3A_139 = tpu.sem_alloc : memref<!tpu.dma_semaphore, #tpu.memory_space<semaphore_mem>>
        %dma_start3A_140 = arith.constant 0 : i32
        %dma_start3A_141 = arith.constant 0 : i32
        %dma_start3A_142 = tpu.memref_slice %arg9[%run_scoped3A_131, %dma_start3A_140, %dma_start3A_141] : memref<3x64x128xf32, #tpu.memory_space<vmem>> -> memref<1x64x128xf32, #tpu.memory_space<vmem>>
        %dma_start3A_143 = tpu.memref_squeeze %dma_start3A_142 : memref<1x64x128xf32, #tpu.memory_space<vmem>> -> memref<64x128xf32, #tpu.memory_space<vmem>>
        %dma_start3A_144 = arith.constant 0 : i32
        %dma_start3A_145 = tpu.memref_slice %arg8[%add3A_115, %dma_start3A_144] : memref<159x64xi32, #tpu.memory_space<vmem>> -> memref<1x64xi32, #tpu.memory_space<vmem>>
        %dma_start3A_146 = tpu.memref_squeeze %dma_start3A_145 : memref<1x64xi32, #tpu.memory_space<vmem>> -> memref<64xi32, #tpu.memory_space<vmem>>
        %dma_start3A_147 = arith.constant 0 : i32
        %dma_start3A_148 = arith.constant 0 : i32
        %dma_start3A_149 = tpu.memref_slice %arg10[%dma_start3A_147, %dma_start3A_148] : memref<10016x128xf32, #tpu.memory_space<vmem_shared>> -> memref<10016x128xf32, #tpu.memory_space<vmem_shared>>
        tpu.enqueue_indirect_dma source(%dma_start3A_143 : memref<64x128xf32, #tpu.memory_space<vmem>>) target(%dma_start3A_149 : memref<10016x128xf32, #tpu.memory_space<vmem_shared>>) offsets(%dma_start3A_146 : memref<64xi32, #tpu.memory_space<vmem>>) semaphore(%run_scoped3A_139 : memref<!tpu.dma_semaphore, #tpu.memory_space<semaphore_mem>>) {add = true}
        %dma_wait3A_150 = arith.constant 0 : i32
        %dma_wait3A_151 = arith.constant 0 : i32
        %dma_wait3A_152 = tpu.memref_slice %arg9[%run_scoped3A_131, %dma_wait3A_150, %dma_wait3A_151] : memref<3x64x128xf32, #tpu.memory_space<vmem>> -> memref<1x64x128xf32, #tpu.memory_space<vmem>>
        %dma_wait3A_153 = tpu.memref_squeeze %dma_wait3A_152 : memref<1x64x128xf32, #tpu.memory_space<vmem>> -> memref<64x128xf32, #tpu.memory_space<vmem>>
        %dma_wait3A_154 = arith.constant 0 : i32
        %dma_wait3A_155 = tpu.memref_slice %arg8[%add3A_115, %dma_wait3A_154] : memref<159x64xi32, #tpu.memory_space<vmem>> -> memref<1x64xi32, #tpu.memory_space<vmem>>
        %dma_wait3A_156 = tpu.memref_squeeze %dma_wait3A_155 : memref<1x64xi32, #tpu.memory_space<vmem>> -> memref<64xi32, #tpu.memory_space<vmem>>
        %dma_wait3A_157 = arith.constant 0 : i32
        %dma_wait3A_158 = arith.constant 0 : i32
        %dma_wait3A_159 = tpu.memref_slice %arg10[%dma_wait3A_157, %dma_wait3A_158] : memref<10016x128xf32, #tpu.memory_space<vmem_shared>> -> memref<10016x128xf32, #tpu.memory_space<vmem_shared>>
        tpu.wait_indirect_dma semaphore(%run_scoped3A_139 : memref<!tpu.dma_semaphore, #tpu.memory_space<semaphore_mem>>) src(%dma_wait3A_153 : memref<64x128xf32, #tpu.memory_space<vmem>>) dst(%dma_wait3A_159 : memref<10016x128xf32, #tpu.memory_space<vmem_shared>>)
        tpu.yield
      }) : () -> ()
      %add3A_132 = arith.constant 3 : i32
      %add3A_133 = arith.addi %add3A_115, %add3A_132 : i32
      %lt3A_134 = arith.constant 159 : i32
      %lt3A_135 = arith.cmpi slt, %add3A_133, %lt3A_134 : i32
      %convert_element_type3A_136 = arith.extui %lt3A_135 : i1 to i32
      %cond3A_137 = arith.constant 0 : i32
      %cond3A_138 = arith.cmpi ne, %convert_element_type3A_136, %cond3A_137 : i32
      scf.if %cond3A_138 {
        %add3A_139 = arith.constant 3 : i32
        %add3A_140 = arith.addi %add3A_115, %add3A_139 : i32
        %dma_start3A_141 = arith.constant 2 : i32
        %dma_start3A_142 = arith.constant 0 : i32
        %dma_start3A_143 = arith.constant 0 : i32
        %dma_start3A_144 = tpu.memref_slice %arg9[%dma_start3A_141, %dma_start3A_142, %dma_start3A_143] : memref<3x64x128xf32, #tpu.memory_space<vmem>> -> memref<1x64x128xf32, #tpu.memory_space<vmem>>
        %dma_start3A_145 = tpu.memref_squeeze %dma_start3A_144 : memref<1x64x128xf32, #tpu.memory_space<vmem>> -> memref<64x128xf32, #tpu.memory_space<vmem>>
        %dma_start3A_146 = arith.constant 0 : i32
        %dma_start3A_147 = tpu.memref_slice %arg7[%add3A_140, %dma_start3A_146] : memref<159x64xi32, #tpu.memory_space<vmem>> -> memref<1x64xi32, #tpu.memory_space<vmem>>
        %dma_start3A_148 = tpu.memref_squeeze %dma_start3A_147 : memref<1x64xi32, #tpu.memory_space<vmem>> -> memref<64xi32, #tpu.memory_space<vmem>>
        %dma_start3A_149 = arith.constant 0 : i32
        %dma_start3A_150 = arith.constant 0 : i32
        %dma_start3A_151 = tpu.memref_slice %arg2[%dma_start3A_149, %dma_start3A_150] : memref<10000x128xf32, #tpu.memory_space<hbm>> -> memref<10000x128xf32, #tpu.memory_space<hbm>>
        tpu.enqueue_indirect_dma source(%dma_start3A_151 : memref<10000x128xf32, #tpu.memory_space<hbm>>) target(%dma_start3A_145 : memref<64x128xf32, #tpu.memory_space<vmem>>) offsets(%dma_start3A_148 : memref<64xi32, #tpu.memory_space<vmem>>) semaphore(%arg13 : memref<!tpu.dma_semaphore, #tpu.memory_space<semaphore_mem>>)
      } else {
      }
    }
    %scan3A_48 = arith.constant 53 : i32
    %barrier3A_49 = arith.constant 0 : index
    tpu.barrier barrier_id(%barrier3A_49)
    %mul3A_50 = arith.constant 640 : i32
    %mul3A_51 = arith.muli %arg1, %mul3A_50 : i32
    %multiple_of3A_52 = tpu.assume_multiple %mul3A_51, 8 : i32
    %lt3A_53 = arith.constant 15 : i32
    %lt3A_54 = arith.cmpi slt, %arg1, %lt3A_53 : i32
    %convert_element_type3A_55 = arith.extui %lt3A_54 : i1 to i32
    %cond3A_56 = arith.constant 0 : i32
    %cond3A_57 = arith.cmpi ne, %convert_element_type3A_55, %cond3A_56 : i32
    scf.if %cond3A_57 {
      "tpu.region"() ({
        %run_scoped3A = tpu.sem_alloc : memref<!tpu.dma_semaphore, #tpu.memory_space<semaphore_mem>>
        %dma_start3A_63 = arith.constant 0 : i32
        %dma_start3A_64 = arith.constant 0 : i32
        %dma_start3A_65 = tpu.memref_slice %arg6[%arg0, %dma_start3A_63, %dma_start3A_64] : memref<2x10000x128xf32, #tpu.memory_space<hbm>> -> memref<1x10000x128xf32, #tpu.memory_space<hbm>>
        %dma_start3A_66 = tpu.memref_squeeze %dma_start3A_65 : memref<1x10000x128xf32, #tpu.memory_space<hbm>> -> memref<10000x128xf32, #tpu.memory_space<hbm>>
        %dma_start3A_67 = arith.constant 0 : i32
        %dma_start3A_68 = tpu.memref_slice %dma_start3A_66[%multiple_of3A_52, %dma_start3A_67] : memref<10000x128xf32, #tpu.memory_space<hbm>> -> memref<640x128xf32, #tpu.memory_space<hbm>>
        %dma_start3A_69 = arith.constant 0 : i32
        %dma_start3A_70 = tpu.memref_slice %arg10[%multiple_of3A_52, %dma_start3A_69] : memref<10016x128xf32, #tpu.memory_space<vmem_shared>> -> memref<640x128xf32, #tpu.memory_space<vmem_shared>>
        tpu.enqueue_dma source(%dma_start3A_70 : memref<640x128xf32, #tpu.memory_space<vmem_shared>>) target(%dma_start3A_68 : memref<640x128xf32, #tpu.memory_space<hbm>>) target_semaphore(%run_scoped3A : memref<!tpu.dma_semaphore, #tpu.memory_space<semaphore_mem>>)
        %dma_wait3A = arith.constant 0 : i32
        %dma_wait3A_71 = arith.constant 0 : i32
        %dma_wait3A_72 = tpu.memref_slice %arg6[%arg0, %dma_wait3A, %dma_wait3A_71] : memref<2x10000x128xf32, #tpu.memory_space<hbm>> -> memref<1x10000x128xf32, #tpu.memory_space<hbm>>
        %dma_wait3A_73 = tpu.memref_squeeze %dma_wait3A_72 : memref<1x10000x128xf32, #tpu.memory_space<hbm>> -> memref<10000x128xf32, #tpu.memory_space<hbm>>
        %dma_wait3A_74 = arith.constant 0 : i32
        %dma_wait3A_75 = tpu.memref_slice %dma_wait3A_73[%multiple_of3A_52, %dma_wait3A_74] : memref<10000x128xf32, #tpu.memory_space<hbm>> -> memref<640x128xf32, #tpu.memory_space<hbm>>
        %dma_wait3A_76 = arith.constant 0 : i32
        %dma_wait3A_77 = tpu.memref_slice %arg10[%multiple_of3A_52, %dma_wait3A_76] : memref<10016x128xf32, #tpu.memory_space<vmem_shared>> -> memref<640x128xf32, #tpu.memory_space<vmem_shared>>
        tpu.wait_dma2 semaphore(%run_scoped3A : memref<!tpu.dma_semaphore, #tpu.memory_space<semaphore_mem>>) src(%dma_wait3A_77 : memref<640x128xf32, #tpu.memory_space<vmem_shared>>) dst(%dma_wait3A_75 : memref<640x128xf32, #tpu.memory_space<hbm>>)
        tpu.yield
      }) : () -> ()
    } else {
    }
    %eq3A_58 = arith.constant 15 : i32
    %eq3A_59 = arith.cmpi eq, %arg1, %eq3A_58 : i32
    %convert_element_type3A_60 = arith.extui %eq3A_59 : i1 to i32
    %cond3A_61 = arith.constant 0 : i32
    %cond3A_62 = arith.cmpi ne, %convert_element_type3A_60, %cond3A_61 : i32
    scf.if %cond3A_62 {
      "tpu.region"() ({
        %run_scoped3A = tpu.sem_alloc : memref<!tpu.dma_semaphore, #tpu.memory_space<semaphore_mem>>
        %dma_start3A_63 = arith.constant 0 : i32
        %dma_start3A_64 = arith.constant 0 : i32
        %dma_start3A_65 = tpu.memref_slice %arg6[%arg0, %dma_start3A_63, %dma_start3A_64] : memref<2x10000x128xf32, #tpu.memory_space<hbm>> -> memref<1x10000x128xf32, #tpu.memory_space<hbm>>
        %dma_start3A_66 = tpu.memref_squeeze %dma_start3A_65 : memref<1x10000x128xf32, #tpu.memory_space<hbm>> -> memref<10000x128xf32, #tpu.memory_space<hbm>>
        %dma_start3A_67 = arith.constant 0 : i32
        %dma_start3A_68 = tpu.memref_slice %dma_start3A_66[%multiple_of3A_52, %dma_start3A_67] : memref<10000x128xf32, #tpu.memory_space<hbm>> -> memref<400x128xf32, #tpu.memory_space<hbm>>
        %dma_start3A_69 = arith.constant 0 : i32
        %dma_start3A_70 = tpu.memref_slice %arg10[%multiple_of3A_52, %dma_start3A_69] : memref<10016x128xf32, #tpu.memory_space<vmem_shared>> -> memref<400x128xf32, #tpu.memory_space<vmem_shared>>
        tpu.enqueue_dma source(%dma_start3A_70 : memref<400x128xf32, #tpu.memory_space<vmem_shared>>) target(%dma_start3A_68 : memref<400x128xf32, #tpu.memory_space<hbm>>) target_semaphore(%run_scoped3A : memref<!tpu.dma_semaphore, #tpu.memory_space<semaphore_mem>>)
        %dma_wait3A = arith.constant 0 : i32
        %dma_wait3A_71 = arith.constant 0 : i32
        %dma_wait3A_72 = tpu.memref_slice %arg6[%arg0, %dma_wait3A, %dma_wait3A_71] : memref<2x10000x128xf32, #tpu.memory_space<hbm>> -> memref<1x10000x128xf32, #tpu.memory_space<hbm>>
        %dma_wait3A_73 = tpu.memref_squeeze %dma_wait3A_72 : memref<1x10000x128xf32, #tpu.memory_space<hbm>> -> memref<10000x128xf32, #tpu.memory_space<hbm>>
        %dma_wait3A_74 = arith.constant 0 : i32
        %dma_wait3A_75 = tpu.memref_slice %dma_wait3A_73[%multiple_of3A_52, %dma_wait3A_74] : memref<10000x128xf32, #tpu.memory_space<hbm>> -> memref<400x128xf32, #tpu.memory_space<hbm>>
        %dma_wait3A_76 = arith.constant 0 : i32
        %dma_wait3A_77 = tpu.memref_slice %arg10[%multiple_of3A_52, %dma_wait3A_76] : memref<10016x128xf32, #tpu.memory_space<vmem_shared>> -> memref<400x128xf32, #tpu.memory_space<vmem_shared>>
        tpu.wait_dma2 semaphore(%run_scoped3A : memref<!tpu.dma_semaphore, #tpu.memory_space<semaphore_mem>>) src(%dma_wait3A_77 : memref<400x128xf32, #tpu.memory_space<vmem_shared>>) dst(%dma_wait3A_75 : memref<400x128xf32, #tpu.memory_space<hbm>>)
        tpu.yield
      }) : () -> ()
    } else {
    }
    return
  }
}

#map = affine_map<(d0, d1) -> (0, 0, 0)>
#map1 = affine_map<(d0, d1) -> (0, 0)>
module attributes {stable_mosaic.version = 14 : i64} {
  func.func @_sc_deg(%arg0: i32, %arg1: i32, %arg2: memref<32x159x64xi32, #tpu.memory_space<hbm>>, %arg3: memref<10000x16xf32, #tpu.memory_space<hbm>>, %arg4: memref<2x10000x16xf32, #tpu.memory_space<hbm>>, %arg5: memref<159x64xi32, #tpu.memory_space<vmem>>, %arg6: memref<64x16xf32, #tpu.memory_space<vmem>>, %arg7: memref<10016x16xf32, #tpu.memory_space<vmem_shared>>) attributes {dimension_semantics = [#tpu.dimension_semantics<core_parallel>, #tpu.dimension_semantics<subcore_parallel>], iteration_bounds = array<i64: 2, 16>, scalar_prefetch = 0 : i64, scratch_operands = 3 : i64, tpu.core_type = #tpu.core_type<sc_vector_subcore>, window_params = [{transform_indices = #map}, {transform_indices = #map1}, {transform_indices = #map}]} {
    %mul3A = arith.constant 16 : i32
    %mul3A_0 = arith.muli %arg0, %mul3A : i32
    %add3A = arith.addi %mul3A_0, %arg1 : i32
    "tpu.region"() ({
      %run_scoped3A = tpu.sem_alloc : memref<!tpu.dma_semaphore, #tpu.memory_space<semaphore_mem>>
      %dma_start3A = arith.constant 0 : i32
      %dma_start3A_538 = arith.constant 0 : i32
      %dma_start3A_539 = tpu.memref_slice %arg2[%add3A, %dma_start3A, %dma_start3A_538] : memref<32x159x64xi32, #tpu.memory_space<hbm>> -> memref<1x159x64xi32, #tpu.memory_space<hbm>>
      %dma_start3A_540 = tpu.memref_squeeze %dma_start3A_539 : memref<1x159x64xi32, #tpu.memory_space<hbm>> -> memref<159x64xi32, #tpu.memory_space<hbm>>
      %dma_start3A_541 = arith.constant 0 : i32
      %dma_start3A_542 = arith.constant 0 : i32
      %dma_start3A_543 = tpu.memref_slice %arg2[%add3A, %dma_start3A_541, %dma_start3A_542] : memref<32x159x64xi32, #tpu.memory_space<hbm>> -> memref<1x159x64xi32, #tpu.memory_space<hbm>>
      %dma_start3A_544 = tpu.memref_squeeze %dma_start3A_543 : memref<1x159x64xi32, #tpu.memory_space<hbm>> -> memref<159x64xi32, #tpu.memory_space<hbm>>
      tpu.enqueue_dma source(%dma_start3A_544 : memref<159x64xi32, #tpu.memory_space<hbm>>) target(%arg5 : memref<159x64xi32, #tpu.memory_space<vmem>>) target_semaphore(%run_scoped3A : memref<!tpu.dma_semaphore, #tpu.memory_space<semaphore_mem>>)
      %dma_wait3A = arith.constant 0 : i32
      %dma_wait3A_545 = arith.constant 0 : i32
      %dma_wait3A_546 = tpu.memref_slice %arg2[%add3A, %dma_wait3A, %dma_wait3A_545] : memref<32x159x64xi32, #tpu.memory_space<hbm>> -> memref<1x159x64xi32, #tpu.memory_space<hbm>>
      %dma_wait3A_547 = tpu.memref_squeeze %dma_wait3A_546 : memref<1x159x64xi32, #tpu.memory_space<hbm>> -> memref<159x64xi32, #tpu.memory_space<hbm>>
      %dma_wait3A_548 = arith.constant 0 : i32
      %dma_wait3A_549 = arith.constant 0 : i32
      %dma_wait3A_550 = tpu.memref_slice %arg2[%add3A, %dma_wait3A_548, %dma_wait3A_549] : memref<32x159x64xi32, #tpu.memory_space<hbm>> -> memref<1x159x64xi32, #tpu.memory_space<hbm>>
      %dma_wait3A_551 = tpu.memref_squeeze %dma_wait3A_550 : memref<1x159x64xi32, #tpu.memory_space<hbm>> -> memref<159x64xi32, #tpu.memory_space<hbm>>
      tpu.wait_dma2 semaphore(%run_scoped3A : memref<!tpu.dma_semaphore, #tpu.memory_space<semaphore_mem>>) src(%dma_wait3A_551 : memref<159x64xi32, #tpu.memory_space<hbm>>) dst(%arg5 : memref<159x64xi32, #tpu.memory_space<vmem>>)
      tpu.yield
    }) : () -> ()
    %mul3A_1 = arith.constant 640 : i32
    %mul3A_2 = arith.muli %arg1, %mul3A_1 : i32
    %multiple_of3A = tpu.assume_multiple %mul3A_2, 8 : i32
    %lt3A = arith.constant 15 : i32
    %lt3A_3 = arith.cmpi slt, %arg1, %lt3A : i32
    %convert_element_type3A = arith.extui %lt3A_3 : i1 to i32
    %cond3A = arith.constant 0 : i32
    %cond3A_4 = arith.cmpi ne, %convert_element_type3A, %cond3A : i32
    scf.if %cond3A_4 {
      "tpu.region"() ({
        %run_scoped3A = tpu.sem_alloc : memref<!tpu.dma_semaphore, #tpu.memory_space<semaphore_mem>>
        %dma_start3A = arith.constant 0 : i32
        %dma_start3A_538 = tpu.memref_slice %arg7[%multiple_of3A, %dma_start3A] : memref<10016x16xf32, #tpu.memory_space<vmem_shared>> -> memref<640x16xf32, #tpu.memory_space<vmem_shared>>
        %dma_start3A_539 = arith.constant 0 : i32
        %dma_start3A_540 = tpu.memref_slice %arg3[%multiple_of3A, %dma_start3A_539] : memref<10000x16xf32, #tpu.memory_space<hbm>> -> memref<640x16xf32, #tpu.memory_space<hbm>>
        tpu.enqueue_dma source(%dma_start3A_540 : memref<640x16xf32, #tpu.memory_space<hbm>>) target(%dma_start3A_538 : memref<640x16xf32, #tpu.memory_space<vmem_shared>>) target_semaphore(%run_scoped3A : memref<!tpu.dma_semaphore, #tpu.memory_space<semaphore_mem>>)
        %dma_wait3A = arith.constant 0 : i32
        %dma_wait3A_541 = tpu.memref_slice %arg7[%multiple_of3A, %dma_wait3A] : memref<10016x16xf32, #tpu.memory_space<vmem_shared>> -> memref<640x16xf32, #tpu.memory_space<vmem_shared>>
        %dma_wait3A_542 = arith.constant 0 : i32
        %dma_wait3A_543 = tpu.memref_slice %arg3[%multiple_of3A, %dma_wait3A_542] : memref<10000x16xf32, #tpu.memory_space<hbm>> -> memref<640x16xf32, #tpu.memory_space<hbm>>
        tpu.wait_dma2 semaphore(%run_scoped3A : memref<!tpu.dma_semaphore, #tpu.memory_space<semaphore_mem>>) src(%dma_wait3A_543 : memref<640x16xf32, #tpu.memory_space<hbm>>) dst(%dma_wait3A_541 : memref<640x16xf32, #tpu.memory_space<vmem_shared>>)
        tpu.yield
      }) : () -> ()
    } else {
    }
    %eq3A = arith.constant 15 : i32
    %eq3A_5 = arith.cmpi eq, %arg1, %eq3A : i32
    %convert_element_type3A_6 = arith.extui %eq3A_5 : i1 to i32
    %cond3A_7 = arith.constant 0 : i32
    %cond3A_8 = arith.cmpi ne, %convert_element_type3A_6, %cond3A_7 : i32
    scf.if %cond3A_8 {
      "tpu.region"() ({
        %run_scoped3A = tpu.sem_alloc : memref<!tpu.dma_semaphore, #tpu.memory_space<semaphore_mem>>
        %dma_start3A = arith.constant 0 : i32
        %dma_start3A_538 = tpu.memref_slice %arg7[%multiple_of3A, %dma_start3A] : memref<10016x16xf32, #tpu.memory_space<vmem_shared>> -> memref<400x16xf32, #tpu.memory_space<vmem_shared>>
        %dma_start3A_539 = arith.constant 0 : i32
        %dma_start3A_540 = tpu.memref_slice %arg3[%multiple_of3A, %dma_start3A_539] : memref<10000x16xf32, #tpu.memory_space<hbm>> -> memref<400x16xf32, #tpu.memory_space<hbm>>
        tpu.enqueue_dma source(%dma_start3A_540 : memref<400x16xf32, #tpu.memory_space<hbm>>) target(%dma_start3A_538 : memref<400x16xf32, #tpu.memory_space<vmem_shared>>) target_semaphore(%run_scoped3A : memref<!tpu.dma_semaphore, #tpu.memory_space<semaphore_mem>>)
        %dma_wait3A = arith.constant 0 : i32
        %dma_wait3A_541 = tpu.memref_slice %arg7[%multiple_of3A, %dma_wait3A] : memref<10016x16xf32, #tpu.memory_space<vmem_shared>> -> memref<400x16xf32, #tpu.memory_space<vmem_shared>>
        %dma_wait3A_542 = arith.constant 0 : i32
        %dma_wait3A_543 = tpu.memref_slice %arg3[%multiple_of3A, %dma_wait3A_542] : memref<10000x16xf32, #tpu.memory_space<hbm>> -> memref<400x16xf32, #tpu.memory_space<hbm>>
        tpu.wait_dma2 semaphore(%run_scoped3A : memref<!tpu.dma_semaphore, #tpu.memory_space<semaphore_mem>>) src(%dma_wait3A_543 : memref<400x16xf32, #tpu.memory_space<hbm>>) dst(%dma_wait3A_541 : memref<400x16xf32, #tpu.memory_space<vmem_shared>>)
        tpu.yield
      }) : () -> ()
    } else {
    }
    %broadcast_in_dim3A = arith.constant 1.000000e+00 : f32
    %broadcast_in_dim3A_9 = vector.broadcast %broadcast_in_dim3A : f32 to vector<16xf32>
    %swap3A = arith.constant 0 : i32
    %swap3A_10 = arith.index_cast %swap3A : i32 to index
    %swap3A_11 = arith.constant 0 : index
    %swap3A_12 = tpu.vector_load %arg6[%swap3A_10, %swap3A_11] {strides = array<i32>} : memref<64x16xf32, #tpu.memory_space<vmem>>, vector<1x16xf32>,
    %swap3A_13 = vector.shape_cast %swap3A_12 : vector<1x16xf32> to vector<16xf32>
    %swap3A_14 = vector.shape_cast %broadcast_in_dim3A_9 : vector<16xf32> to vector<1x16xf32>
    tpu.vector_store %arg6[%swap3A_10, %swap3A_11], %swap3A_14 {strides = array<i32>} : memref<64x16xf32, #tpu.memory_space<vmem>>, vector<1x16xf32>,
    %broadcast_in_dim3A_15 = arith.constant 1.000000e+00 : f32
    %broadcast_in_dim3A_16 = vector.broadcast %broadcast_in_dim3A_15 : f32 to vector<16xf32>
    %swap3A_17 = arith.constant 1 : i32
    %swap3A_18 = arith.index_cast %swap3A_17 : i32 to index
    %swap3A_19 = arith.constant 0 : index
    %swap3A_20 = tpu.vector_load %arg6[%swap3A_18, %swap3A_19] {strides = array<i32>} : memref<64x16xf32, #tpu.memory_space<vmem>>, vector<1x16xf32>,
    %swap3A_21 = vector.shape_cast %swap3A_20 : vector<1x16xf32> to vector<16xf32>
    %swap3A_22 = vector.shape_cast %broadcast_in_dim3A_16 : vector<16xf32> to vector<1x16xf32>
    tpu.vector_store %arg6[%swap3A_18, %swap3A_19], %swap3A_22 {strides = array<i32>} : memref<64x16xf32, #tpu.memory_space<vmem>>, vector<1x16xf32>,
    %broadcast_in_dim3A_23 = arith.constant 1.000000e+00 : f32
    %broadcast_in_dim3A_24 = vector.broadcast %broadcast_in_dim3A_23 : f32 to vector<16xf32>
    %swap3A_25 = arith.constant 2 : i32
    %swap3A_26 = arith.index_cast %swap3A_25 : i32 to index
    %swap3A_27 = arith.constant 0 : index
    %swap3A_28 = tpu.vector_load %arg6[%swap3A_26, %swap3A_27] {strides = array<i32>} : memref<64x16xf32, #tpu.memory_space<vmem>>, vector<1x16xf32>,
    %swap3A_29 = vector.shape_cast %swap3A_28 : vector<1x16xf32> to vector<16xf32>
    %swap3A_30 = vector.shape_cast %broadcast_in_dim3A_24 : vector<16xf32> to vector<1x16xf32>
    tpu.vector_store %arg6[%swap3A_26, %swap3A_27], %swap3A_30 {strides = array<i32>} : memref<64x16xf32, #tpu.memory_space<vmem>>, vector<1x16xf32>,
    %broadcast_in_dim3A_31 = arith.constant 1.000000e+00 : f32
    %broadcast_in_dim3A_32 = vector.broadcast %broadcast_in_dim3A_31 : f32 to vector<16xf32>
    %swap3A_33 = arith.constant 3 : i32
    %swap3A_34 = arith.index_cast %swap3A_33 : i32 to index
    %swap3A_35 = arith.constant 0 : index
    %swap3A_36 = tpu.vector_load %arg6[%swap3A_34, %swap3A_35] {strides = array<i32>} : memref<64x16xf32, #tpu.memory_space<vmem>>, vector<1x16xf32>,
    %swap3A_37 = vector.shape_cast %swap3A_36 : vector<1x16xf32> to vector<16xf32>
    %swap3A_38 = vector.shape_cast %broadcast_in_dim3A_32 : vector<16xf32> to vector<1x16xf32>
    tpu.vector_store %arg6[%swap3A_34, %swap3A_35], %swap3A_38 {strides = array<i32>} : memref<64x16xf32, #tpu.memory_space<vmem>>, vector<1x16xf32>,
    %broadcast_in_dim3A_39 = arith.constant 1.000000e+00 : f32
    %broadcast_in_dim3A_40 = vector.broadcast %broadcast_in_dim3A_39 : f32 to vector<16xf32>
    %swap3A_41 = arith.constant 4 : i32
    %swap3A_42 = arith.index_cast %swap3A_41 : i32 to index
    %swap3A_43 = arith.constant 0 : index
    %swap3A_44 = tpu.vector_load %arg6[%swap3A_42, %swap3A_43] {strides = array<i32>} : memref<64x16xf32, #tpu.memory_space<vmem>>, vector<1x16xf32>,
    %swap3A_45 = vector.shape_cast %swap3A_44 : vector<1x16xf32> to vector<16xf32>
    %swap3A_46 = vector.shape_cast %broadcast_in_dim3A_40 : vector<16xf32> to vector<1x16xf32>
    tpu.vector_store %arg6[%swap3A_42, %swap3A_43], %swap3A_46 {strides = array<i32>} : memref<64x16xf32, #tpu.memory_space<vmem>>, vector<1x16xf32>,
    %broadcast_in_dim3A_47 = arith.constant 1.000000e+00 : f32
    %broadcast_in_dim3A_48 = vector.broadcast %broadcast_in_dim3A_47 : f32 to vector<16xf32>
    %swap3A_49 = arith.constant 5 : i32
    %swap3A_50 = arith.index_cast %swap3A_49 : i32 to index
    %swap3A_51 = arith.constant 0 : index
    %swap3A_52 = tpu.vector_load %arg6[%swap3A_50, %swap3A_51] {strides = array<i32>} : memref<64x16xf32, #tpu.memory_space<vmem>>, vector<1x16xf32>,
    %swap3A_53 = vector.shape_cast %swap3A_52 : vector<1x16xf32> to vector<16xf32>
    %swap3A_54 = vector.shape_cast %broadcast_in_dim3A_48 : vector<16xf32> to vector<1x16xf32>
    tpu.vector_store %arg6[%swap3A_50, %swap3A_51], %swap3A_54 {strides = array<i32>} : memref<64x16xf32, #tpu.memory_space<vmem>>, vector<1x16xf32>,
    %broadcast_in_dim3A_55 = arith.constant 1.000000e+00 : f32
    %broadcast_in_dim3A_56 = vector.broadcast %broadcast_in_dim3A_55 : f32 to vector<16xf32>
    %swap3A_57 = arith.constant 6 : i32
    %swap3A_58 = arith.index_cast %swap3A_57 : i32 to index
    %swap3A_59 = arith.constant 0 : index
    %swap3A_60 = tpu.vector_load %arg6[%swap3A_58, %swap3A_59] {strides = array<i32>} : memref<64x16xf32, #tpu.memory_space<vmem>>, vector<1x16xf32>,
    %swap3A_61 = vector.shape_cast %swap3A_60 : vector<1x16xf32> to vector<16xf32>
    %swap3A_62 = vector.shape_cast %broadcast_in_dim3A_56 : vector<16xf32> to vector<1x16xf32>
    tpu.vector_store %arg6[%swap3A_58, %swap3A_59], %swap3A_62 {strides = array<i32>} : memref<64x16xf32, #tpu.memory_space<vmem>>, vector<1x16xf32>,
    %broadcast_in_dim3A_63 = arith.constant 1.000000e+00 : f32
    %broadcast_in_dim3A_64 = vector.broadcast %broadcast_in_dim3A_63 : f32 to vector<16xf32>
    %swap3A_65 = arith.constant 7 : i32
    %swap3A_66 = arith.index_cast %swap3A_65 : i32 to index
    %swap3A_67 = arith.constant 0 : index
    %swap3A_68 = tpu.vector_load %arg6[%swap3A_66, %swap3A_67] {strides = array<i32>} : memref<64x16xf32, #tpu.memory_space<vmem>>, vector<1x16xf32>,
    %swap3A_69 = vector.shape_cast %swap3A_68 : vector<1x16xf32> to vector<16xf32>
    %swap3A_70 = vector.shape_cast %broadcast_in_dim3A_64 : vector<16xf32> to vector<1x16xf32>
    tpu.vector_store %arg6[%swap3A_66, %swap3A_67], %swap3A_70 {strides = array<i32>} : memref<64x16xf32, #tpu.memory_space<vmem>>, vector<1x16xf32>,
    %broadcast_in_dim3A_71 = arith.constant 1.000000e+00 : f32
    %broadcast_in_dim3A_72 = vector.broadcast %broadcast_in_dim3A_71 : f32 to vector<16xf32>
    %swap3A_73 = arith.constant 8 : i32
    %swap3A_74 = arith.index_cast %swap3A_73 : i32 to index
    %swap3A_75 = arith.constant 0 : index
    %swap3A_76 = tpu.vector_load %arg6[%swap3A_74, %swap3A_75] {strides = array<i32>} : memref<64x16xf32, #tpu.memory_space<vmem>>, vector<1x16xf32>,
    %swap3A_77 = vector.shape_cast %swap3A_76 : vector<1x16xf32> to vector<16xf32>
    %swap3A_78 = vector.shape_cast %broadcast_in_dim3A_72 : vector<16xf32> to vector<1x16xf32>
    tpu.vector_store %arg6[%swap3A_74, %swap3A_75], %swap3A_78 {strides = array<i32>} : memref<64x16xf32, #tpu.memory_space<vmem>>, vector<1x16xf32>,
    %broadcast_in_dim3A_79 = arith.constant 1.000000e+00 : f32
    %broadcast_in_dim3A_80 = vector.broadcast %broadcast_in_dim3A_79 : f32 to vector<16xf32>
    %swap3A_81 = arith.constant 9 : i32
    %swap3A_82 = arith.index_cast %swap3A_81 : i32 to index
    %swap3A_83 = arith.constant 0 : index
    %swap3A_84 = tpu.vector_load %arg6[%swap3A_82, %swap3A_83] {strides = array<i32>} : memref<64x16xf32, #tpu.memory_space<vmem>>, vector<1x16xf32>,
    %swap3A_85 = vector.shape_cast %swap3A_84 : vector<1x16xf32> to vector<16xf32>
    %swap3A_86 = vector.shape_cast %broadcast_in_dim3A_80 : vector<16xf32> to vector<1x16xf32>
    tpu.vector_store %arg6[%swap3A_82, %swap3A_83], %swap3A_86 {strides = array<i32>} : memref<64x16xf32, #tpu.memory_space<vmem>>, vector<1x16xf32>,
    %broadcast_in_dim3A_87 = arith.constant 1.000000e+00 : f32
    %broadcast_in_dim3A_88 = vector.broadcast %broadcast_in_dim3A_87 : f32 to vector<16xf32>
    %swap3A_89 = arith.constant 10 : i32
    %swap3A_90 = arith.index_cast %swap3A_89 : i32 to index
    %swap3A_91 = arith.constant 0 : index
    %swap3A_92 = tpu.vector_load %arg6[%swap3A_90, %swap3A_91] {strides = array<i32>} : memref<64x16xf32, #tpu.memory_space<vmem>>, vector<1x16xf32>,
    %swap3A_93 = vector.shape_cast %swap3A_92 : vector<1x16xf32> to vector<16xf32>
    %swap3A_94 = vector.shape_cast %broadcast_in_dim3A_88 : vector<16xf32> to vector<1x16xf32>
    tpu.vector_store %arg6[%swap3A_90, %swap3A_91], %swap3A_94 {strides = array<i32>} : memref<64x16xf32, #tpu.memory_space<vmem>>, vector<1x16xf32>,
    %broadcast_in_dim3A_95 = arith.constant 1.000000e+00 : f32
    %broadcast_in_dim3A_96 = vector.broadcast %broadcast_in_dim3A_95 : f32 to vector<16xf32>
    %swap3A_97 = arith.constant 11 : i32
    %swap3A_98 = arith.index_cast %swap3A_97 : i32 to index
    %swap3A_99 = arith.constant 0 : index
    %swap3A_100 = tpu.vector_load %arg6[%swap3A_98, %swap3A_99] {strides = array<i32>} : memref<64x16xf32, #tpu.memory_space<vmem>>, vector<1x16xf32>,
    %swap3A_101 = vector.shape_cast %swap3A_100 : vector<1x16xf32> to vector<16xf32>
    %swap3A_102 = vector.shape_cast %broadcast_in_dim3A_96 : vector<16xf32> to vector<1x16xf32>
    tpu.vector_store %arg6[%swap3A_98, %swap3A_99], %swap3A_102 {strides = array<i32>} : memref<64x16xf32, #tpu.memory_space<vmem>>, vector<1x16xf32>,
    %broadcast_in_dim3A_103 = arith.constant 1.000000e+00 : f32
    %broadcast_in_dim3A_104 = vector.broadcast %broadcast_in_dim3A_103 : f32 to vector<16xf32>
    %swap3A_105 = arith.constant 12 : i32
    %swap3A_106 = arith.index_cast %swap3A_105 : i32 to index
    %swap3A_107 = arith.constant 0 : index
    %swap3A_108 = tpu.vector_load %arg6[%swap3A_106, %swap3A_107] {strides = array<i32>} : memref<64x16xf32, #tpu.memory_space<vmem>>, vector<1x16xf32>,
    %swap3A_109 = vector.shape_cast %swap3A_108 : vector<1x16xf32> to vector<16xf32>
    %swap3A_110 = vector.shape_cast %broadcast_in_dim3A_104 : vector<16xf32> to vector<1x16xf32>
    tpu.vector_store %arg6[%swap3A_106, %swap3A_107], %swap3A_110 {strides = array<i32>} : memref<64x16xf32, #tpu.memory_space<vmem>>, vector<1x16xf32>,
    %broadcast_in_dim3A_111 = arith.constant 1.000000e+00 : f32
    %broadcast_in_dim3A_112 = vector.broadcast %broadcast_in_dim3A_111 : f32 to vector<16xf32>
    %swap3A_113 = arith.constant 13 : i32
    %swap3A_114 = arith.index_cast %swap3A_113 : i32 to index
    %swap3A_115 = arith.constant 0 : index
    %swap3A_116 = tpu.vector_load %arg6[%swap3A_114, %swap3A_115] {strides = array<i32>} : memref<64x16xf32, #tpu.memory_space<vmem>>, vector<1x16xf32>,
    %swap3A_117 = vector.shape_cast %swap3A_116 : vector<1x16xf32> to vector<16xf32>
    %swap3A_118 = vector.shape_cast %broadcast_in_dim3A_112 : vector<16xf32> to vector<1x16xf32>
    tpu.vector_store %arg6[%swap3A_114, %swap3A_115], %swap3A_118 {strides = array<i32>} : memref<64x16xf32, #tpu.memory_space<vmem>>, vector<1x16xf32>,
    %broadcast_in_dim3A_119 = arith.constant 1.000000e+00 : f32
    %broadcast_in_dim3A_120 = vector.broadcast %broadcast_in_dim3A_119 : f32 to vector<16xf32>
    %swap3A_121 = arith.constant 14 : i32
    %swap3A_122 = arith.index_cast %swap3A_121 : i32 to index
    %swap3A_123 = arith.constant 0 : index
    %swap3A_124 = tpu.vector_load %arg6[%swap3A_122, %swap3A_123] {strides = array<i32>} : memref<64x16xf32, #tpu.memory_space<vmem>>, vector<1x16xf32>,
    %swap3A_125 = vector.shape_cast %swap3A_124 : vector<1x16xf32> to vector<16xf32>
    %swap3A_126 = vector.shape_cast %broadcast_in_dim3A_120 : vector<16xf32> to vector<1x16xf32>
    tpu.vector_store %arg6[%swap3A_122, %swap3A_123], %swap3A_126 {strides = array<i32>} : memref<64x16xf32, #tpu.memory_space<vmem>>, vector<1x16xf32>,
    %broadcast_in_dim3A_127 = arith.constant 1.000000e+00 : f32
    %broadcast_in_dim3A_128 = vector.broadcast %broadcast_in_dim3A_127 : f32 to vector<16xf32>
    %swap3A_129 = arith.constant 15 : i32
    %swap3A_130 = arith.index_cast %swap3A_129 : i32 to index
    %swap3A_131 = arith.constant 0 : index
    %swap3A_132 = tpu.vector_load %arg6[%swap3A_130, %swap3A_131] {strides = array<i32>} : memref<64x16xf32, #tpu.memory_space<vmem>>, vector<1x16xf32>,
    %swap3A_133 = vector.shape_cast %swap3A_132 : vector<1x16xf32> to vector<16xf32>
    %swap3A_134 = vector.shape_cast %broadcast_in_dim3A_128 : vector<16xf32> to vector<1x16xf32>
    tpu.vector_store %arg6[%swap3A_130, %swap3A_131], %swap3A_134 {strides = array<i32>} : memref<64x16xf32, #tpu.memory_space<vmem>>, vector<1x16xf32>,
    %broadcast_in_dim3A_135 = arith.constant 1.000000e+00 : f32
    %broadcast_in_dim3A_136 = vector.broadcast %broadcast_in_dim3A_135 : f32 to vector<16xf32>
    %swap3A_137 = arith.constant 16 : i32
    %swap3A_138 = arith.index_cast %swap3A_137 : i32 to index
    %swap3A_139 = arith.constant 0 : index
    %swap3A_140 = tpu.vector_load %arg6[%swap3A_138, %swap3A_139] {strides = array<i32>} : memref<64x16xf32, #tpu.memory_space<vmem>>, vector<1x16xf32>,
    %swap3A_141 = vector.shape_cast %swap3A_140 : vector<1x16xf32> to vector<16xf32>
    %swap3A_142 = vector.shape_cast %broadcast_in_dim3A_136 : vector<16xf32> to vector<1x16xf32>
    tpu.vector_store %arg6[%swap3A_138, %swap3A_139], %swap3A_142 {strides = array<i32>} : memref<64x16xf32, #tpu.memory_space<vmem>>, vector<1x16xf32>,
    %broadcast_in_dim3A_143 = arith.constant 1.000000e+00 : f32
    %broadcast_in_dim3A_144 = vector.broadcast %broadcast_in_dim3A_143 : f32 to vector<16xf32>
    %swap3A_145 = arith.constant 17 : i32
    %swap3A_146 = arith.index_cast %swap3A_145 : i32 to index
    %swap3A_147 = arith.constant 0 : index
    %swap3A_148 = tpu.vector_load %arg6[%swap3A_146, %swap3A_147] {strides = array<i32>} : memref<64x16xf32, #tpu.memory_space<vmem>>, vector<1x16xf32>,
    %swap3A_149 = vector.shape_cast %swap3A_148 : vector<1x16xf32> to vector<16xf32>
    %swap3A_150 = vector.shape_cast %broadcast_in_dim3A_144 : vector<16xf32> to vector<1x16xf32>
    tpu.vector_store %arg6[%swap3A_146, %swap3A_147], %swap3A_150 {strides = array<i32>} : memref<64x16xf32, #tpu.memory_space<vmem>>, vector<1x16xf32>,
    %broadcast_in_dim3A_151 = arith.constant 1.000000e+00 : f32
    %broadcast_in_dim3A_152 = vector.broadcast %broadcast_in_dim3A_151 : f32 to vector<16xf32>
    %swap3A_153 = arith.constant 18 : i32
    %swap3A_154 = arith.index_cast %swap3A_153 : i32 to index
    %swap3A_155 = arith.constant 0 : index
    %swap3A_156 = tpu.vector_load %arg6[%swap3A_154, %swap3A_155] {strides = array<i32>} : memref<64x16xf32, #tpu.memory_space<vmem>>, vector<1x16xf32>,
    %swap3A_157 = vector.shape_cast %swap3A_156 : vector<1x16xf32> to vector<16xf32>
    %swap3A_158 = vector.shape_cast %broadcast_in_dim3A_152 : vector<16xf32> to vector<1x16xf32>
    tpu.vector_store %arg6[%swap3A_154, %swap3A_155], %swap3A_158 {strides = array<i32>} : memref<64x16xf32, #tpu.memory_space<vmem>>, vector<1x16xf32>,
    %broadcast_in_dim3A_159 = arith.constant 1.000000e+00 : f32
    %broadcast_in_dim3A_160 = vector.broadcast %broadcast_in_dim3A_159 : f32 to vector<16xf32>
    %swap3A_161 = arith.constant 19 : i32
    %swap3A_162 = arith.index_cast %swap3A_161 : i32 to index
    %swap3A_163 = arith.constant 0 : index
    %swap3A_164 = tpu.vector_load %arg6[%swap3A_162, %swap3A_163] {strides = array<i32>} : memref<64x16xf32, #tpu.memory_space<vmem>>, vector<1x16xf32>,
    %swap3A_165 = vector.shape_cast %swap3A_164 : vector<1x16xf32> to vector<16xf32>
    %swap3A_166 = vector.shape_cast %broadcast_in_dim3A_160 : vector<16xf32> to vector<1x16xf32>
    tpu.vector_store %arg6[%swap3A_162, %swap3A_163], %swap3A_166 {strides = array<i32>} : memref<64x16xf32, #tpu.memory_space<vmem>>, vector<1x16xf32>,
    %broadcast_in_dim3A_167 = arith.constant 1.000000e+00 : f32
    %broadcast_in_dim3A_168 = vector.broadcast %broadcast_in_dim3A_167 : f32 to vector<16xf32>
    %swap3A_169 = arith.constant 20 : i32
    %swap3A_170 = arith.index_cast %swap3A_169 : i32 to index
    %swap3A_171 = arith.constant 0 : index
    %swap3A_172 = tpu.vector_load %arg6[%swap3A_170, %swap3A_171] {strides = array<i32>} : memref<64x16xf32, #tpu.memory_space<vmem>>, vector<1x16xf32>,
    %swap3A_173 = vector.shape_cast %swap3A_172 : vector<1x16xf32> to vector<16xf32>
    %swap3A_174 = vector.shape_cast %broadcast_in_dim3A_168 : vector<16xf32> to vector<1x16xf32>
    tpu.vector_store %arg6[%swap3A_170, %swap3A_171], %swap3A_174 {strides = array<i32>} : memref<64x16xf32, #tpu.memory_space<vmem>>, vector<1x16xf32>,
    %broadcast_in_dim3A_175 = arith.constant 1.000000e+00 : f32
    %broadcast_in_dim3A_176 = vector.broadcast %broadcast_in_dim3A_175 : f32 to vector<16xf32>
    %swap3A_177 = arith.constant 21 : i32
    %swap3A_178 = arith.index_cast %swap3A_177 : i32 to index
    %swap3A_179 = arith.constant 0 : index
    %swap3A_180 = tpu.vector_load %arg6[%swap3A_178, %swap3A_179] {strides = array<i32>} : memref<64x16xf32, #tpu.memory_space<vmem>>, vector<1x16xf32>,
    %swap3A_181 = vector.shape_cast %swap3A_180 : vector<1x16xf32> to vector<16xf32>
    %swap3A_182 = vector.shape_cast %broadcast_in_dim3A_176 : vector<16xf32> to vector<1x16xf32>
    tpu.vector_store %arg6[%swap3A_178, %swap3A_179], %swap3A_182 {strides = array<i32>} : memref<64x16xf32, #tpu.memory_space<vmem>>, vector<1x16xf32>,
    %broadcast_in_dim3A_183 = arith.constant 1.000000e+00 : f32
    %broadcast_in_dim3A_184 = vector.broadcast %broadcast_in_dim3A_183 : f32 to vector<16xf32>
    %swap3A_185 = arith.constant 22 : i32
    %swap3A_186 = arith.index_cast %swap3A_185 : i32 to index
    %swap3A_187 = arith.constant 0 : index
    %swap3A_188 = tpu.vector_load %arg6[%swap3A_186, %swap3A_187] {strides = array<i32>} : memref<64x16xf32, #tpu.memory_space<vmem>>, vector<1x16xf32>,
    %swap3A_189 = vector.shape_cast %swap3A_188 : vector<1x16xf32> to vector<16xf32>
    %swap3A_190 = vector.shape_cast %broadcast_in_dim3A_184 : vector<16xf32> to vector<1x16xf32>
    tpu.vector_store %arg6[%swap3A_186, %swap3A_187], %swap3A_190 {strides = array<i32>} : memref<64x16xf32, #tpu.memory_space<vmem>>, vector<1x16xf32>,
    %broadcast_in_dim3A_191 = arith.constant 1.000000e+00 : f32
    %broadcast_in_dim3A_192 = vector.broadcast %broadcast_in_dim3A_191 : f32 to vector<16xf32>
    %swap3A_193 = arith.constant 23 : i32
    %swap3A_194 = arith.index_cast %swap3A_193 : i32 to index
    %swap3A_195 = arith.constant 0 : index
    %swap3A_196 = tpu.vector_load %arg6[%swap3A_194, %swap3A_195] {strides = array<i32>} : memref<64x16xf32, #tpu.memory_space<vmem>>, vector<1x16xf32>,
    %swap3A_197 = vector.shape_cast %swap3A_196 : vector<1x16xf32> to vector<16xf32>
    %swap3A_198 = vector.shape_cast %broadcast_in_dim3A_192 : vector<16xf32> to vector<1x16xf32>
    tpu.vector_store %arg6[%swap3A_194, %swap3A_195], %swap3A_198 {strides = array<i32>} : memref<64x16xf32, #tpu.memory_space<vmem>>, vector<1x16xf32>,
    %broadcast_in_dim3A_199 = arith.constant 1.000000e+00 : f32
    %broadcast_in_dim3A_200 = vector.broadcast %broadcast_in_dim3A_199 : f32 to vector<16xf32>
    %swap3A_201 = arith.constant 24 : i32
    %swap3A_202 = arith.index_cast %swap3A_201 : i32 to index
    %swap3A_203 = arith.constant 0 : index
    %swap3A_204 = tpu.vector_load %arg6[%swap3A_202, %swap3A_203] {strides = array<i32>} : memref<64x16xf32, #tpu.memory_space<vmem>>, vector<1x16xf32>,
    %swap3A_205 = vector.shape_cast %swap3A_204 : vector<1x16xf32> to vector<16xf32>
    %swap3A_206 = vector.shape_cast %broadcast_in_dim3A_200 : vector<16xf32> to vector<1x16xf32>
    tpu.vector_store %arg6[%swap3A_202, %swap3A_203], %swap3A_206 {strides = array<i32>} : memref<64x16xf32, #tpu.memory_space<vmem>>, vector<1x16xf32>,
    %broadcast_in_dim3A_207 = arith.constant 1.000000e+00 : f32
    %broadcast_in_dim3A_208 = vector.broadcast %broadcast_in_dim3A_207 : f32 to vector<16xf32>
    %swap3A_209 = arith.constant 25 : i32
    %swap3A_210 = arith.index_cast %swap3A_209 : i32 to index
    %swap3A_211 = arith.constant 0 : index
    %swap3A_212 = tpu.vector_load %arg6[%swap3A_210, %swap3A_211] {strides = array<i32>} : memref<64x16xf32, #tpu.memory_space<vmem>>, vector<1x16xf32>,
    %swap3A_213 = vector.shape_cast %swap3A_212 : vector<1x16xf32> to vector<16xf32>
    %swap3A_214 = vector.shape_cast %broadcast_in_dim3A_208 : vector<16xf32> to vector<1x16xf32>
    tpu.vector_store %arg6[%swap3A_210, %swap3A_211], %swap3A_214 {strides = array<i32>} : memref<64x16xf32, #tpu.memory_space<vmem>>, vector<1x16xf32>,
    %broadcast_in_dim3A_215 = arith.constant 1.000000e+00 : f32
    %broadcast_in_dim3A_216 = vector.broadcast %broadcast_in_dim3A_215 : f32 to vector<16xf32>
    %swap3A_217 = arith.constant 26 : i32
    %swap3A_218 = arith.index_cast %swap3A_217 : i32 to index
    %swap3A_219 = arith.constant 0 : index
    %swap3A_220 = tpu.vector_load %arg6[%swap3A_218, %swap3A_219] {strides = array<i32>} : memref<64x16xf32, #tpu.memory_space<vmem>>, vector<1x16xf32>,
    %swap3A_221 = vector.shape_cast %swap3A_220 : vector<1x16xf32> to vector<16xf32>
    %swap3A_222 = vector.shape_cast %broadcast_in_dim3A_216 : vector<16xf32> to vector<1x16xf32>
    tpu.vector_store %arg6[%swap3A_218, %swap3A_219], %swap3A_222 {strides = array<i32>} : memref<64x16xf32, #tpu.memory_space<vmem>>, vector<1x16xf32>,
    %broadcast_in_dim3A_223 = arith.constant 1.000000e+00 : f32
    %broadcast_in_dim3A_224 = vector.broadcast %broadcast_in_dim3A_223 : f32 to vector<16xf32>
    %swap3A_225 = arith.constant 27 : i32
    %swap3A_226 = arith.index_cast %swap3A_225 : i32 to index
    %swap3A_227 = arith.constant 0 : index
    %swap3A_228 = tpu.vector_load %arg6[%swap3A_226, %swap3A_227] {strides = array<i32>} : memref<64x16xf32, #tpu.memory_space<vmem>>, vector<1x16xf32>,
    %swap3A_229 = vector.shape_cast %swap3A_228 : vector<1x16xf32> to vector<16xf32>
    %swap3A_230 = vector.shape_cast %broadcast_in_dim3A_224 : vector<16xf32> to vector<1x16xf32>
    tpu.vector_store %arg6[%swap3A_226, %swap3A_227], %swap3A_230 {strides = array<i32>} : memref<64x16xf32, #tpu.memory_space<vmem>>, vector<1x16xf32>,
    %broadcast_in_dim3A_231 = arith.constant 1.000000e+00 : f32
    %broadcast_in_dim3A_232 = vector.broadcast %broadcast_in_dim3A_231 : f32 to vector<16xf32>
    %swap3A_233 = arith.constant 28 : i32
    %swap3A_234 = arith.index_cast %swap3A_233 : i32 to index
    %swap3A_235 = arith.constant 0 : index
    %swap3A_236 = tpu.vector_load %arg6[%swap3A_234, %swap3A_235] {strides = array<i32>} : memref<64x16xf32, #tpu.memory_space<vmem>>, vector<1x16xf32>,
    %swap3A_237 = vector.shape_cast %swap3A_236 : vector<1x16xf32> to vector<16xf32>
    %swap3A_238 = vector.shape_cast %broadcast_in_dim3A_232 : vector<16xf32> to vector<1x16xf32>
    tpu.vector_store %arg6[%swap3A_234, %swap3A_235], %swap3A_238 {strides = array<i32>} : memref<64x16xf32, #tpu.memory_space<vmem>>, vector<1x16xf32>,
    %broadcast_in_dim3A_239 = arith.constant 1.000000e+00 : f32
    %broadcast_in_dim3A_240 = vector.broadcast %broadcast_in_dim3A_239 : f32 to vector<16xf32>
    %swap3A_241 = arith.constant 29 : i32
    %swap3A_242 = arith.index_cast %swap3A_241 : i32 to index
    %swap3A_243 = arith.constant 0 : index
    %swap3A_244 = tpu.vector_load %arg6[%swap3A_242, %swap3A_243] {strides = array<i32>} : memref<64x16xf32, #tpu.memory_space<vmem>>, vector<1x16xf32>,
    %swap3A_245 = vector.shape_cast %swap3A_244 : vector<1x16xf32> to vector<16xf32>
    %swap3A_246 = vector.shape_cast %broadcast_in_dim3A_240 : vector<16xf32> to vector<1x16xf32>
    tpu.vector_store %arg6[%swap3A_242, %swap3A_243], %swap3A_246 {strides = array<i32>} : memref<64x16xf32, #tpu.memory_space<vmem>>, vector<1x16xf32>,
    %broadcast_in_dim3A_247 = arith.constant 1.000000e+00 : f32
    %broadcast_in_dim3A_248 = vector.broadcast %broadcast_in_dim3A_247 : f32 to vector<16xf32>
    %swap3A_249 = arith.constant 30 : i32
    %swap3A_250 = arith.index_cast %swap3A_249 : i32 to index
    %swap3A_251 = arith.constant 0 : index
    %swap3A_252 = tpu.vector_load %arg6[%swap3A_250, %swap3A_251] {strides = array<i32>} : memref<64x16xf32, #tpu.memory_space<vmem>>, vector<1x16xf32>,
    %swap3A_253 = vector.shape_cast %swap3A_252 : vector<1x16xf32> to vector<16xf32>
    %swap3A_254 = vector.shape_cast %broadcast_in_dim3A_248 : vector<16xf32> to vector<1x16xf32>
    tpu.vector_store %arg6[%swap3A_250, %swap3A_251], %swap3A_254 {strides = array<i32>} : memref<64x16xf32, #tpu.memory_space<vmem>>, vector<1x16xf32>,
    %broadcast_in_dim3A_255 = arith.constant 1.000000e+00 : f32
    %broadcast_in_dim3A_256 = vector.broadcast %broadcast_in_dim3A_255 : f32 to vector<16xf32>
    %swap3A_257 = arith.constant 31 : i32
    %swap3A_258 = arith.index_cast %swap3A_257 : i32 to index
    %swap3A_259 = arith.constant 0 : index
    %swap3A_260 = tpu.vector_load %arg6[%swap3A_258, %swap3A_259] {strides = array<i32>} : memref<64x16xf32, #tpu.memory_space<vmem>>, vector<1x16xf32>,
    %swap3A_261 = vector.shape_cast %swap3A_260 : vector<1x16xf32> to vector<16xf32>
    %swap3A_262 = vector.shape_cast %broadcast_in_dim3A_256 : vector<16xf32> to vector<1x16xf32>
    tpu.vector_store %arg6[%swap3A_258, %swap3A_259], %swap3A_262 {strides = array<i32>} : memref<64x16xf32, #tpu.memory_space<vmem>>, vector<1x16xf32>,
    %broadcast_in_dim3A_263 = arith.constant 1.000000e+00 : f32
    %broadcast_in_dim3A_264 = vector.broadcast %broadcast_in_dim3A_263 : f32 to vector<16xf32>
    %swap3A_265 = arith.constant 32 : i32
    %swap3A_266 = arith.index_cast %swap3A_265 : i32 to index
    %swap3A_267 = arith.constant 0 : index
    %swap3A_268 = tpu.vector_load %arg6[%swap3A_266, %swap3A_267] {strides = array<i32>} : memref<64x16xf32, #tpu.memory_space<vmem>>, vector<1x16xf32>,
    %swap3A_269 = vector.shape_cast %swap3A_268 : vector<1x16xf32> to vector<16xf32>
    %swap3A_270 = vector.shape_cast %broadcast_in_dim3A_264 : vector<16xf32> to vector<1x16xf32>
    tpu.vector_store %arg6[%swap3A_266, %swap3A_267], %swap3A_270 {strides = array<i32>} : memref<64x16xf32, #tpu.memory_space<vmem>>, vector<1x16xf32>,
    %broadcast_in_dim3A_271 = arith.constant 1.000000e+00 : f32
    %broadcast_in_dim3A_272 = vector.broadcast %broadcast_in_dim3A_271 : f32 to vector<16xf32>
    %swap3A_273 = arith.constant 33 : i32
    %swap3A_274 = arith.index_cast %swap3A_273 : i32 to index
    %swap3A_275 = arith.constant 0 : index
    %swap3A_276 = tpu.vector_load %arg6[%swap3A_274, %swap3A_275] {strides = array<i32>} : memref<64x16xf32, #tpu.memory_space<vmem>>, vector<1x16xf32>,
    %swap3A_277 = vector.shape_cast %swap3A_276 : vector<1x16xf32> to vector<16xf32>
    %swap3A_278 = vector.shape_cast %broadcast_in_dim3A_272 : vector<16xf32> to vector<1x16xf32>
    tpu.vector_store %arg6[%swap3A_274, %swap3A_275], %swap3A_278 {strides = array<i32>} : memref<64x16xf32, #tpu.memory_space<vmem>>, vector<1x16xf32>,
    %broadcast_in_dim3A_279 = arith.constant 1.000000e+00 : f32
    %broadcast_in_dim3A_280 = vector.broadcast %broadcast_in_dim3A_279 : f32 to vector<16xf32>
    %swap3A_281 = arith.constant 34 : i32
    %swap3A_282 = arith.index_cast %swap3A_281 : i32 to index
    %swap3A_283 = arith.constant 0 : index
    %swap3A_284 = tpu.vector_load %arg6[%swap3A_282, %swap3A_283] {strides = array<i32>} : memref<64x16xf32, #tpu.memory_space<vmem>>, vector<1x16xf32>,
    %swap3A_285 = vector.shape_cast %swap3A_284 : vector<1x16xf32> to vector<16xf32>
    %swap3A_286 = vector.shape_cast %broadcast_in_dim3A_280 : vector<16xf32> to vector<1x16xf32>
    tpu.vector_store %arg6[%swap3A_282, %swap3A_283], %swap3A_286 {strides = array<i32>} : memref<64x16xf32, #tpu.memory_space<vmem>>, vector<1x16xf32>,
    %broadcast_in_dim3A_287 = arith.constant 1.000000e+00 : f32
    %broadcast_in_dim3A_288 = vector.broadcast %broadcast_in_dim3A_287 : f32 to vector<16xf32>
    %swap3A_289 = arith.constant 35 : i32
    %swap3A_290 = arith.index_cast %swap3A_289 : i32 to index
    %swap3A_291 = arith.constant 0 : index
    %swap3A_292 = tpu.vector_load %arg6[%swap3A_290, %swap3A_291] {strides = array<i32>} : memref<64x16xf32, #tpu.memory_space<vmem>>, vector<1x16xf32>,
    %swap3A_293 = vector.shape_cast %swap3A_292 : vector<1x16xf32> to vector<16xf32>
    %swap3A_294 = vector.shape_cast %broadcast_in_dim3A_288 : vector<16xf32> to vector<1x16xf32>
    tpu.vector_store %arg6[%swap3A_290, %swap3A_291], %swap3A_294 {strides = array<i32>} : memref<64x16xf32, #tpu.memory_space<vmem>>, vector<1x16xf32>,
    %broadcast_in_dim3A_295 = arith.constant 1.000000e+00 : f32
    %broadcast_in_dim3A_296 = vector.broadcast %broadcast_in_dim3A_295 : f32 to vector<16xf32>
    %swap3A_297 = arith.constant 36 : i32
    %swap3A_298 = arith.index_cast %swap3A_297 : i32 to index
    %swap3A_299 = arith.constant 0 : index
    %swap3A_300 = tpu.vector_load %arg6[%swap3A_298, %swap3A_299] {strides = array<i32>} : memref<64x16xf32, #tpu.memory_space<vmem>>, vector<1x16xf32>,
    %swap3A_301 = vector.shape_cast %swap3A_300 : vector<1x16xf32> to vector<16xf32>
    %swap3A_302 = vector.shape_cast %broadcast_in_dim3A_296 : vector<16xf32> to vector<1x16xf32>
    tpu.vector_store %arg6[%swap3A_298, %swap3A_299], %swap3A_302 {strides = array<i32>} : memref<64x16xf32, #tpu.memory_space<vmem>>, vector<1x16xf32>,
    %broadcast_in_dim3A_303 = arith.constant 1.000000e+00 : f32
    %broadcast_in_dim3A_304 = vector.broadcast %broadcast_in_dim3A_303 : f32 to vector<16xf32>
    %swap3A_305 = arith.constant 37 : i32
    %swap3A_306 = arith.index_cast %swap3A_305 : i32 to index
    %swap3A_307 = arith.constant 0 : index
    %swap3A_308 = tpu.vector_load %arg6[%swap3A_306, %swap3A_307] {strides = array<i32>} : memref<64x16xf32, #tpu.memory_space<vmem>>, vector<1x16xf32>,
    %swap3A_309 = vector.shape_cast %swap3A_308 : vector<1x16xf32> to vector<16xf32>
    %swap3A_310 = vector.shape_cast %broadcast_in_dim3A_304 : vector<16xf32> to vector<1x16xf32>
    tpu.vector_store %arg6[%swap3A_306, %swap3A_307], %swap3A_310 {strides = array<i32>} : memref<64x16xf32, #tpu.memory_space<vmem>>, vector<1x16xf32>,
    %broadcast_in_dim3A_311 = arith.constant 1.000000e+00 : f32
    %broadcast_in_dim3A_312 = vector.broadcast %broadcast_in_dim3A_311 : f32 to vector<16xf32>
    %swap3A_313 = arith.constant 38 : i32
    %swap3A_314 = arith.index_cast %swap3A_313 : i32 to index
    %swap3A_315 = arith.constant 0 : index
    %swap3A_316 = tpu.vector_load %arg6[%swap3A_314, %swap3A_315] {strides = array<i32>} : memref<64x16xf32, #tpu.memory_space<vmem>>, vector<1x16xf32>,
    %swap3A_317 = vector.shape_cast %swap3A_316 : vector<1x16xf32> to vector<16xf32>
    %swap3A_318 = vector.shape_cast %broadcast_in_dim3A_312 : vector<16xf32> to vector<1x16xf32>
    tpu.vector_store %arg6[%swap3A_314, %swap3A_315], %swap3A_318 {strides = array<i32>} : memref<64x16xf32, #tpu.memory_space<vmem>>, vector<1x16xf32>,
    %broadcast_in_dim3A_319 = arith.constant 1.000000e+00 : f32
    %broadcast_in_dim3A_320 = vector.broadcast %broadcast_in_dim3A_319 : f32 to vector<16xf32>
    %swap3A_321 = arith.constant 39 : i32
    %swap3A_322 = arith.index_cast %swap3A_321 : i32 to index
    %swap3A_323 = arith.constant 0 : index
    %swap3A_324 = tpu.vector_load %arg6[%swap3A_322, %swap3A_323] {strides = array<i32>} : memref<64x16xf32, #tpu.memory_space<vmem>>, vector<1x16xf32>,
    %swap3A_325 = vector.shape_cast %swap3A_324 : vector<1x16xf32> to vector<16xf32>
    %swap3A_326 = vector.shape_cast %broadcast_in_dim3A_320 : vector<16xf32> to vector<1x16xf32>
    tpu.vector_store %arg6[%swap3A_322, %swap3A_323], %swap3A_326 {strides = array<i32>} : memref<64x16xf32, #tpu.memory_space<vmem>>, vector<1x16xf32>,
    %broadcast_in_dim3A_327 = arith.constant 1.000000e+00 : f32
    %broadcast_in_dim3A_328 = vector.broadcast %broadcast_in_dim3A_327 : f32 to vector<16xf32>
    %swap3A_329 = arith.constant 40 : i32
    %swap3A_330 = arith.index_cast %swap3A_329 : i32 to index
    %swap3A_331 = arith.constant 0 : index
    %swap3A_332 = tpu.vector_load %arg6[%swap3A_330, %swap3A_331] {strides = array<i32>} : memref<64x16xf32, #tpu.memory_space<vmem>>, vector<1x16xf32>,
    %swap3A_333 = vector.shape_cast %swap3A_332 : vector<1x16xf32> to vector<16xf32>
    %swap3A_334 = vector.shape_cast %broadcast_in_dim3A_328 : vector<16xf32> to vector<1x16xf32>
    tpu.vector_store %arg6[%swap3A_330, %swap3A_331], %swap3A_334 {strides = array<i32>} : memref<64x16xf32, #tpu.memory_space<vmem>>, vector<1x16xf32>,
    %broadcast_in_dim3A_335 = arith.constant 1.000000e+00 : f32
    %broadcast_in_dim3A_336 = vector.broadcast %broadcast_in_dim3A_335 : f32 to vector<16xf32>
    %swap3A_337 = arith.constant 41 : i32
    %swap3A_338 = arith.index_cast %swap3A_337 : i32 to index
    %swap3A_339 = arith.constant 0 : index
    %swap3A_340 = tpu.vector_load %arg6[%swap3A_338, %swap3A_339] {strides = array<i32>} : memref<64x16xf32, #tpu.memory_space<vmem>>, vector<1x16xf32>,
    %swap3A_341 = vector.shape_cast %swap3A_340 : vector<1x16xf32> to vector<16xf32>
    %swap3A_342 = vector.shape_cast %broadcast_in_dim3A_336 : vector<16xf32> to vector<1x16xf32>
    tpu.vector_store %arg6[%swap3A_338, %swap3A_339], %swap3A_342 {strides = array<i32>} : memref<64x16xf32, #tpu.memory_space<vmem>>, vector<1x16xf32>,
    %broadcast_in_dim3A_343 = arith.constant 1.000000e+00 : f32
    %broadcast_in_dim3A_344 = vector.broadcast %broadcast_in_dim3A_343 : f32 to vector<16xf32>
    %swap3A_345 = arith.constant 42 : i32
    %swap3A_346 = arith.index_cast %swap3A_345 : i32 to index
    %swap3A_347 = arith.constant 0 : index
    %swap3A_348 = tpu.vector_load %arg6[%swap3A_346, %swap3A_347] {strides = array<i32>} : memref<64x16xf32, #tpu.memory_space<vmem>>, vector<1x16xf32>,
    %swap3A_349 = vector.shape_cast %swap3A_348 : vector<1x16xf32> to vector<16xf32>
    %swap3A_350 = vector.shape_cast %broadcast_in_dim3A_344 : vector<16xf32> to vector<1x16xf32>
    tpu.vector_store %arg6[%swap3A_346, %swap3A_347], %swap3A_350 {strides = array<i32>} : memref<64x16xf32, #tpu.memory_space<vmem>>, vector<1x16xf32>,
    %broadcast_in_dim3A_351 = arith.constant 1.000000e+00 : f32
    %broadcast_in_dim3A_352 = vector.broadcast %broadcast_in_dim3A_351 : f32 to vector<16xf32>
    %swap3A_353 = arith.constant 43 : i32
    %swap3A_354 = arith.index_cast %swap3A_353 : i32 to index
    %swap3A_355 = arith.constant 0 : index
    %swap3A_356 = tpu.vector_load %arg6[%swap3A_354, %swap3A_355] {strides = array<i32>} : memref<64x16xf32, #tpu.memory_space<vmem>>, vector<1x16xf32>,
    %swap3A_357 = vector.shape_cast %swap3A_356 : vector<1x16xf32> to vector<16xf32>
    %swap3A_358 = vector.shape_cast %broadcast_in_dim3A_352 : vector<16xf32> to vector<1x16xf32>
    tpu.vector_store %arg6[%swap3A_354, %swap3A_355], %swap3A_358 {strides = array<i32>} : memref<64x16xf32, #tpu.memory_space<vmem>>, vector<1x16xf32>,
    %broadcast_in_dim3A_359 = arith.constant 1.000000e+00 : f32
    %broadcast_in_dim3A_360 = vector.broadcast %broadcast_in_dim3A_359 : f32 to vector<16xf32>
    %swap3A_361 = arith.constant 44 : i32
    %swap3A_362 = arith.index_cast %swap3A_361 : i32 to index
    %swap3A_363 = arith.constant 0 : index
    %swap3A_364 = tpu.vector_load %arg6[%swap3A_362, %swap3A_363] {strides = array<i32>} : memref<64x16xf32, #tpu.memory_space<vmem>>, vector<1x16xf32>,
    %swap3A_365 = vector.shape_cast %swap3A_364 : vector<1x16xf32> to vector<16xf32>
    %swap3A_366 = vector.shape_cast %broadcast_in_dim3A_360 : vector<16xf32> to vector<1x16xf32>
    tpu.vector_store %arg6[%swap3A_362, %swap3A_363], %swap3A_366 {strides = array<i32>} : memref<64x16xf32, #tpu.memory_space<vmem>>, vector<1x16xf32>,
    %broadcast_in_dim3A_367 = arith.constant 1.000000e+00 : f32
    %broadcast_in_dim3A_368 = vector.broadcast %broadcast_in_dim3A_367 : f32 to vector<16xf32>
    %swap3A_369 = arith.constant 45 : i32
    %swap3A_370 = arith.index_cast %swap3A_369 : i32 to index
    %swap3A_371 = arith.constant 0 : index
    %swap3A_372 = tpu.vector_load %arg6[%swap3A_370, %swap3A_371] {strides = array<i32>} : memref<64x16xf32, #tpu.memory_space<vmem>>, vector<1x16xf32>,
    %swap3A_373 = vector.shape_cast %swap3A_372 : vector<1x16xf32> to vector<16xf32>
    %swap3A_374 = vector.shape_cast %broadcast_in_dim3A_368 : vector<16xf32> to vector<1x16xf32>
    tpu.vector_store %arg6[%swap3A_370, %swap3A_371], %swap3A_374 {strides = array<i32>} : memref<64x16xf32, #tpu.memory_space<vmem>>, vector<1x16xf32>,
    %broadcast_in_dim3A_375 = arith.constant 1.000000e+00 : f32
    %broadcast_in_dim3A_376 = vector.broadcast %broadcast_in_dim3A_375 : f32 to vector<16xf32>
    %swap3A_377 = arith.constant 46 : i32
    %swap3A_378 = arith.index_cast %swap3A_377 : i32 to index
    %swap3A_379 = arith.constant 0 : index
    %swap3A_380 = tpu.vector_load %arg6[%swap3A_378, %swap3A_379] {strides = array<i32>} : memref<64x16xf32, #tpu.memory_space<vmem>>, vector<1x16xf32>,
    %swap3A_381 = vector.shape_cast %swap3A_380 : vector<1x16xf32> to vector<16xf32>
    %swap3A_382 = vector.shape_cast %broadcast_in_dim3A_376 : vector<16xf32> to vector<1x16xf32>
    tpu.vector_store %arg6[%swap3A_378, %swap3A_379], %swap3A_382 {strides = array<i32>} : memref<64x16xf32, #tpu.memory_space<vmem>>, vector<1x16xf32>,
    %broadcast_in_dim3A_383 = arith.constant 1.000000e+00 : f32
    %broadcast_in_dim3A_384 = vector.broadcast %broadcast_in_dim3A_383 : f32 to vector<16xf32>
    %swap3A_385 = arith.constant 47 : i32
    %swap3A_386 = arith.index_cast %swap3A_385 : i32 to index
    %swap3A_387 = arith.constant 0 : index
    %swap3A_388 = tpu.vector_load %arg6[%swap3A_386, %swap3A_387] {strides = array<i32>} : memref<64x16xf32, #tpu.memory_space<vmem>>, vector<1x16xf32>,
    %swap3A_389 = vector.shape_cast %swap3A_388 : vector<1x16xf32> to vector<16xf32>
    %swap3A_390 = vector.shape_cast %broadcast_in_dim3A_384 : vector<16xf32> to vector<1x16xf32>
    tpu.vector_store %arg6[%swap3A_386, %swap3A_387], %swap3A_390 {strides = array<i32>} : memref<64x16xf32, #tpu.memory_space<vmem>>, vector<1x16xf32>,
    %broadcast_in_dim3A_391 = arith.constant 1.000000e+00 : f32
    %broadcast_in_dim3A_392 = vector.broadcast %broadcast_in_dim3A_391 : f32 to vector<16xf32>
    %swap3A_393 = arith.constant 48 : i32
    %swap3A_394 = arith.index_cast %swap3A_393 : i32 to index
    %swap3A_395 = arith.constant 0 : index
    %swap3A_396 = tpu.vector_load %arg6[%swap3A_394, %swap3A_395] {strides = array<i32>} : memref<64x16xf32, #tpu.memory_space<vmem>>, vector<1x16xf32>,
    %swap3A_397 = vector.shape_cast %swap3A_396 : vector<1x16xf32> to vector<16xf32>
    %swap3A_398 = vector.shape_cast %broadcast_in_dim3A_392 : vector<16xf32> to vector<1x16xf32>
    tpu.vector_store %arg6[%swap3A_394, %swap3A_395], %swap3A_398 {strides = array<i32>} : memref<64x16xf32, #tpu.memory_space<vmem>>, vector<1x16xf32>,
    %broadcast_in_dim3A_399 = arith.constant 1.000000e+00 : f32
    %broadcast_in_dim3A_400 = vector.broadcast %broadcast_in_dim3A_399 : f32 to vector<16xf32>
    %swap3A_401 = arith.constant 49 : i32
    %swap3A_402 = arith.index_cast %swap3A_401 : i32 to index
    %swap3A_403 = arith.constant 0 : index
    %swap3A_404 = tpu.vector_load %arg6[%swap3A_402, %swap3A_403] {strides = array<i32>} : memref<64x16xf32, #tpu.memory_space<vmem>>, vector<1x16xf32>,
    %swap3A_405 = vector.shape_cast %swap3A_404 : vector<1x16xf32> to vector<16xf32>
    %swap3A_406 = vector.shape_cast %broadcast_in_dim3A_400 : vector<16xf32> to vector<1x16xf32>
    tpu.vector_store %arg6[%swap3A_402, %swap3A_403], %swap3A_406 {strides = array<i32>} : memref<64x16xf32, #tpu.memory_space<vmem>>, vector<1x16xf32>,
    %broadcast_in_dim3A_407 = arith.constant 1.000000e+00 : f32
    %broadcast_in_dim3A_408 = vector.broadcast %broadcast_in_dim3A_407 : f32 to vector<16xf32>
    %swap3A_409 = arith.constant 50 : i32
    %swap3A_410 = arith.index_cast %swap3A_409 : i32 to index
    %swap3A_411 = arith.constant 0 : index
    %swap3A_412 = tpu.vector_load %arg6[%swap3A_410, %swap3A_411] {strides = array<i32>} : memref<64x16xf32, #tpu.memory_space<vmem>>, vector<1x16xf32>,
    %swap3A_413 = vector.shape_cast %swap3A_412 : vector<1x16xf32> to vector<16xf32>
    %swap3A_414 = vector.shape_cast %broadcast_in_dim3A_408 : vector<16xf32> to vector<1x16xf32>
    tpu.vector_store %arg6[%swap3A_410, %swap3A_411], %swap3A_414 {strides = array<i32>} : memref<64x16xf32, #tpu.memory_space<vmem>>, vector<1x16xf32>,
    %broadcast_in_dim3A_415 = arith.constant 1.000000e+00 : f32
    %broadcast_in_dim3A_416 = vector.broadcast %broadcast_in_dim3A_415 : f32 to vector<16xf32>
    %swap3A_417 = arith.constant 51 : i32
    %swap3A_418 = arith.index_cast %swap3A_417 : i32 to index
    %swap3A_419 = arith.constant 0 : index
    %swap3A_420 = tpu.vector_load %arg6[%swap3A_418, %swap3A_419] {strides = array<i32>} : memref<64x16xf32, #tpu.memory_space<vmem>>, vector<1x16xf32>,
    %swap3A_421 = vector.shape_cast %swap3A_420 : vector<1x16xf32> to vector<16xf32>
    %swap3A_422 = vector.shape_cast %broadcast_in_dim3A_416 : vector<16xf32> to vector<1x16xf32>
    tpu.vector_store %arg6[%swap3A_418, %swap3A_419], %swap3A_422 {strides = array<i32>} : memref<64x16xf32, #tpu.memory_space<vmem>>, vector<1x16xf32>,
    %broadcast_in_dim3A_423 = arith.constant 1.000000e+00 : f32
    %broadcast_in_dim3A_424 = vector.broadcast %broadcast_in_dim3A_423 : f32 to vector<16xf32>
    %swap3A_425 = arith.constant 52 : i32
    %swap3A_426 = arith.index_cast %swap3A_425 : i32 to index
    %swap3A_427 = arith.constant 0 : index
    %swap3A_428 = tpu.vector_load %arg6[%swap3A_426, %swap3A_427] {strides = array<i32>} : memref<64x16xf32, #tpu.memory_space<vmem>>, vector<1x16xf32>,
    %swap3A_429 = vector.shape_cast %swap3A_428 : vector<1x16xf32> to vector<16xf32>
    %swap3A_430 = vector.shape_cast %broadcast_in_dim3A_424 : vector<16xf32> to vector<1x16xf32>
    tpu.vector_store %arg6[%swap3A_426, %swap3A_427], %swap3A_430 {strides = array<i32>} : memref<64x16xf32, #tpu.memory_space<vmem>>, vector<1x16xf32>,
    %broadcast_in_dim3A_431 = arith.constant 1.000000e+00 : f32
    %broadcast_in_dim3A_432 = vector.broadcast %broadcast_in_dim3A_431 : f32 to vector<16xf32>
    %swap3A_433 = arith.constant 53 : i32
    %swap3A_434 = arith.index_cast %swap3A_433 : i32 to index
    %swap3A_435 = arith.constant 0 : index
    %swap3A_436 = tpu.vector_load %arg6[%swap3A_434, %swap3A_435] {strides = array<i32>} : memref<64x16xf32, #tpu.memory_space<vmem>>, vector<1x16xf32>,
    %swap3A_437 = vector.shape_cast %swap3A_436 : vector<1x16xf32> to vector<16xf32>
    %swap3A_438 = vector.shape_cast %broadcast_in_dim3A_432 : vector<16xf32> to vector<1x16xf32>
    tpu.vector_store %arg6[%swap3A_434, %swap3A_435], %swap3A_438 {strides = array<i32>} : memref<64x16xf32, #tpu.memory_space<vmem>>, vector<1x16xf32>,
    %broadcast_in_dim3A_439 = arith.constant 1.000000e+00 : f32
    %broadcast_in_dim3A_440 = vector.broadcast %broadcast_in_dim3A_439 : f32 to vector<16xf32>
    %swap3A_441 = arith.constant 54 : i32
    %swap3A_442 = arith.index_cast %swap3A_441 : i32 to index
    %swap3A_443 = arith.constant 0 : index
    %swap3A_444 = tpu.vector_load %arg6[%swap3A_442, %swap3A_443] {strides = array<i32>} : memref<64x16xf32, #tpu.memory_space<vmem>>, vector<1x16xf32>,
    %swap3A_445 = vector.shape_cast %swap3A_444 : vector<1x16xf32> to vector<16xf32>
    %swap3A_446 = vector.shape_cast %broadcast_in_dim3A_440 : vector<16xf32> to vector<1x16xf32>
    tpu.vector_store %arg6[%swap3A_442, %swap3A_443], %swap3A_446 {strides = array<i32>} : memref<64x16xf32, #tpu.memory_space<vmem>>, vector<1x16xf32>,
    %broadcast_in_dim3A_447 = arith.constant 1.000000e+00 : f32
    %broadcast_in_dim3A_448 = vector.broadcast %broadcast_in_dim3A_447 : f32 to vector<16xf32>
    %swap3A_449 = arith.constant 55 : i32
    %swap3A_450 = arith.index_cast %swap3A_449 : i32 to index
    %swap3A_451 = arith.constant 0 : index
    %swap3A_452 = tpu.vector_load %arg6[%swap3A_450, %swap3A_451] {strides = array<i32>} : memref<64x16xf32, #tpu.memory_space<vmem>>, vector<1x16xf32>,
    %swap3A_453 = vector.shape_cast %swap3A_452 : vector<1x16xf32> to vector<16xf32>
    %swap3A_454 = vector.shape_cast %broadcast_in_dim3A_448 : vector<16xf32> to vector<1x16xf32>
    tpu.vector_store %arg6[%swap3A_450, %swap3A_451], %swap3A_454 {strides = array<i32>} : memref<64x16xf32, #tpu.memory_space<vmem>>, vector<1x16xf32>,
    %broadcast_in_dim3A_455 = arith.constant 1.000000e+00 : f32
    %broadcast_in_dim3A_456 = vector.broadcast %broadcast_in_dim3A_455 : f32 to vector<16xf32>
    %swap3A_457 = arith.constant 56 : i32
    %swap3A_458 = arith.index_cast %swap3A_457 : i32 to index
    %swap3A_459 = arith.constant 0 : index
    %swap3A_460 = tpu.vector_load %arg6[%swap3A_458, %swap3A_459] {strides = array<i32>} : memref<64x16xf32, #tpu.memory_space<vmem>>, vector<1x16xf32>,
    %swap3A_461 = vector.shape_cast %swap3A_460 : vector<1x16xf32> to vector<16xf32>
    %swap3A_462 = vector.shape_cast %broadcast_in_dim3A_456 : vector<16xf32> to vector<1x16xf32>
    tpu.vector_store %arg6[%swap3A_458, %swap3A_459], %swap3A_462 {strides = array<i32>} : memref<64x16xf32, #tpu.memory_space<vmem>>, vector<1x16xf32>,
    %broadcast_in_dim3A_463 = arith.constant 1.000000e+00 : f32
    %broadcast_in_dim3A_464 = vector.broadcast %broadcast_in_dim3A_463 : f32 to vector<16xf32>
    %swap3A_465 = arith.constant 57 : i32
    %swap3A_466 = arith.index_cast %swap3A_465 : i32 to index
    %swap3A_467 = arith.constant 0 : index
    %swap3A_468 = tpu.vector_load %arg6[%swap3A_466, %swap3A_467] {strides = array<i32>} : memref<64x16xf32, #tpu.memory_space<vmem>>, vector<1x16xf32>,
    %swap3A_469 = vector.shape_cast %swap3A_468 : vector<1x16xf32> to vector<16xf32>
    %swap3A_470 = vector.shape_cast %broadcast_in_dim3A_464 : vector<16xf32> to vector<1x16xf32>
    tpu.vector_store %arg6[%swap3A_466, %swap3A_467], %swap3A_470 {strides = array<i32>} : memref<64x16xf32, #tpu.memory_space<vmem>>, vector<1x16xf32>,
    %broadcast_in_dim3A_471 = arith.constant 1.000000e+00 : f32
    %broadcast_in_dim3A_472 = vector.broadcast %broadcast_in_dim3A_471 : f32 to vector<16xf32>
    %swap3A_473 = arith.constant 58 : i32
    %swap3A_474 = arith.index_cast %swap3A_473 : i32 to index
    %swap3A_475 = arith.constant 0 : index
    %swap3A_476 = tpu.vector_load %arg6[%swap3A_474, %swap3A_475] {strides = array<i32>} : memref<64x16xf32, #tpu.memory_space<vmem>>, vector<1x16xf32>,
    %swap3A_477 = vector.shape_cast %swap3A_476 : vector<1x16xf32> to vector<16xf32>
    %swap3A_478 = vector.shape_cast %broadcast_in_dim3A_472 : vector<16xf32> to vector<1x16xf32>
    tpu.vector_store %arg6[%swap3A_474, %swap3A_475], %swap3A_478 {strides = array<i32>} : memref<64x16xf32, #tpu.memory_space<vmem>>, vector<1x16xf32>,
    %broadcast_in_dim3A_479 = arith.constant 1.000000e+00 : f32
    %broadcast_in_dim3A_480 = vector.broadcast %broadcast_in_dim3A_479 : f32 to vector<16xf32>
    %swap3A_481 = arith.constant 59 : i32
    %swap3A_482 = arith.index_cast %swap3A_481 : i32 to index
    %swap3A_483 = arith.constant 0 : index
    %swap3A_484 = tpu.vector_load %arg6[%swap3A_482, %swap3A_483] {strides = array<i32>} : memref<64x16xf32, #tpu.memory_space<vmem>>, vector<1x16xf32>,
    %swap3A_485 = vector.shape_cast %swap3A_484 : vector<1x16xf32> to vector<16xf32>
    %swap3A_486 = vector.shape_cast %broadcast_in_dim3A_480 : vector<16xf32> to vector<1x16xf32>
    tpu.vector_store %arg6[%swap3A_482, %swap3A_483], %swap3A_486 {strides = array<i32>} : memref<64x16xf32, #tpu.memory_space<vmem>>, vector<1x16xf32>,
    %broadcast_in_dim3A_487 = arith.constant 1.000000e+00 : f32
    %broadcast_in_dim3A_488 = vector.broadcast %broadcast_in_dim3A_487 : f32 to vector<16xf32>
    %swap3A_489 = arith.constant 60 : i32
    %swap3A_490 = arith.index_cast %swap3A_489 : i32 to index
    %swap3A_491 = arith.constant 0 : index
    %swap3A_492 = tpu.vector_load %arg6[%swap3A_490, %swap3A_491] {strides = array<i32>} : memref<64x16xf32, #tpu.memory_space<vmem>>, vector<1x16xf32>,
    %swap3A_493 = vector.shape_cast %swap3A_492 : vector<1x16xf32> to vector<16xf32>
    %swap3A_494 = vector.shape_cast %broadcast_in_dim3A_488 : vector<16xf32> to vector<1x16xf32>
    tpu.vector_store %arg6[%swap3A_490, %swap3A_491], %swap3A_494 {strides = array<i32>} : memref<64x16xf32, #tpu.memory_space<vmem>>, vector<1x16xf32>,
    %broadcast_in_dim3A_495 = arith.constant 1.000000e+00 : f32
    %broadcast_in_dim3A_496 = vector.broadcast %broadcast_in_dim3A_495 : f32 to vector<16xf32>
    %swap3A_497 = arith.constant 61 : i32
    %swap3A_498 = arith.index_cast %swap3A_497 : i32 to index
    %swap3A_499 = arith.constant 0 : index
    %swap3A_500 = tpu.vector_load %arg6[%swap3A_498, %swap3A_499] {strides = array<i32>} : memref<64x16xf32, #tpu.memory_space<vmem>>, vector<1x16xf32>,
    %swap3A_501 = vector.shape_cast %swap3A_500 : vector<1x16xf32> to vector<16xf32>
    %swap3A_502 = vector.shape_cast %broadcast_in_dim3A_496 : vector<16xf32> to vector<1x16xf32>
    tpu.vector_store %arg6[%swap3A_498, %swap3A_499], %swap3A_502 {strides = array<i32>} : memref<64x16xf32, #tpu.memory_space<vmem>>, vector<1x16xf32>,
    %broadcast_in_dim3A_503 = arith.constant 1.000000e+00 : f32
    %broadcast_in_dim3A_504 = vector.broadcast %broadcast_in_dim3A_503 : f32 to vector<16xf32>
    %swap3A_505 = arith.constant 62 : i32
    %swap3A_506 = arith.index_cast %swap3A_505 : i32 to index
    %swap3A_507 = arith.constant 0 : index
    %swap3A_508 = tpu.vector_load %arg6[%swap3A_506, %swap3A_507] {strides = array<i32>} : memref<64x16xf32, #tpu.memory_space<vmem>>, vector<1x16xf32>,
    %swap3A_509 = vector.shape_cast %swap3A_508 : vector<1x16xf32> to vector<16xf32>
    %swap3A_510 = vector.shape_cast %broadcast_in_dim3A_504 : vector<16xf32> to vector<1x16xf32>
    tpu.vector_store %arg6[%swap3A_506, %swap3A_507], %swap3A_510 {strides = array<i32>} : memref<64x16xf32, #tpu.memory_space<vmem>>, vector<1x16xf32>,
    %broadcast_in_dim3A_511 = arith.constant 1.000000e+00 : f32
    %broadcast_in_dim3A_512 = vector.broadcast %broadcast_in_dim3A_511 : f32 to vector<16xf32>
    %swap3A_513 = arith.constant 63 : i32
    %swap3A_514 = arith.index_cast %swap3A_513 : i32 to index
    %swap3A_515 = arith.constant 0 : index
    %swap3A_516 = tpu.vector_load %arg6[%swap3A_514, %swap3A_515] {strides = array<i32>} : memref<64x16xf32, #tpu.memory_space<vmem>>, vector<1x16xf32>,
    %swap3A_517 = vector.shape_cast %swap3A_516 : vector<1x16xf32> to vector<16xf32>
    %swap3A_518 = vector.shape_cast %broadcast_in_dim3A_512 : vector<16xf32> to vector<1x16xf32>
    tpu.vector_store %arg6[%swap3A_514, %swap3A_515], %swap3A_518 {strides = array<i32>} : memref<64x16xf32, #tpu.memory_space<vmem>>, vector<1x16xf32>,
    %barrier3A = arith.constant 0 : index
    tpu.barrier barrier_id(%barrier3A)
    %scan3A = arith.constant 0 : i32
    %scan3A_519 = arith.constant 0 : i32
    %scan3A_520 = arith.constant 159 : i32
    %scan3A_521 = arith.addi %scan3A_519, %scan3A_520 : i32
    %scan3A_522 = arith.constant 1 : i32
    scf.for %scan3A_538 = %scan3A_519 to %scan3A_521 step %scan3A_522  : i32 {
      "tpu.region"() ({
        %run_scoped3A = tpu.sem_alloc : memref<!tpu.dma_semaphore, #tpu.memory_space<semaphore_mem>>
        %dma_start3A = arith.constant 0 : i32
        %dma_start3A_539 = tpu.memref_slice %arg5[%scan3A_538, %dma_start3A] : memref<159x64xi32, #tpu.memory_space<vmem>> -> memref<1x64xi32, #tpu.memory_space<vmem>>
        %dma_start3A_540 = tpu.memref_squeeze %dma_start3A_539 : memref<1x64xi32, #tpu.memory_space<vmem>> -> memref<64xi32, #tpu.memory_space<vmem>>
        %dma_start3A_541 = arith.constant 0 : i32
        %dma_start3A_542 = arith.constant 0 : i32
        %dma_start3A_543 = tpu.memref_slice %arg7[%dma_start3A_541, %dma_start3A_542] : memref<10016x16xf32, #tpu.memory_space<vmem_shared>> -> memref<10016x16xf32, #tpu.memory_space<vmem_shared>>
        tpu.enqueue_indirect_dma source(%arg6 : memref<64x16xf32, #tpu.memory_space<vmem>>) target(%dma_start3A_543 : memref<10016x16xf32, #tpu.memory_space<vmem_shared>>) offsets(%dma_start3A_540 : memref<64xi32, #tpu.memory_space<vmem>>) semaphore(%run_scoped3A : memref<!tpu.dma_semaphore, #tpu.memory_space<semaphore_mem>>) {add = true}
        %dma_wait3A = arith.constant 0 : i32
        %dma_wait3A_544 = tpu.memref_slice %arg5[%scan3A_538, %dma_wait3A] : memref<159x64xi32, #tpu.memory_space<vmem>> -> memref<1x64xi32, #tpu.memory_space<vmem>>
        %dma_wait3A_545 = tpu.memref_squeeze %dma_wait3A_544 : memref<1x64xi32, #tpu.memory_space<vmem>> -> memref<64xi32, #tpu.memory_space<vmem>>
        %dma_wait3A_546 = arith.constant 0 : i32
        %dma_wait3A_547 = arith.constant 0 : i32
        %dma_wait3A_548 = tpu.memref_slice %arg7[%dma_wait3A_546, %dma_wait3A_547] : memref<10016x16xf32, #tpu.memory_space<vmem_shared>> -> memref<10016x16xf32, #tpu.memory_space<vmem_shared>>
        tpu.wait_indirect_dma semaphore(%run_scoped3A : memref<!tpu.dma_semaphore, #tpu.memory_space<semaphore_mem>>) src(%arg6 : memref<64x16xf32, #tpu.memory_space<vmem>>) dst(%dma_wait3A_548 : memref<10016x16xf32, #tpu.memory_space<vmem_shared>>)
        tpu.yield
      }) : () -> ()
    }
    %scan3A_523 = arith.constant 159 : i32
    %barrier3A_524 = arith.constant 0 : index
    tpu.barrier barrier_id(%barrier3A_524)
    %mul3A_525 = arith.constant 640 : i32
    %mul3A_526 = arith.muli %arg1, %mul3A_525 : i32
    %multiple_of3A_527 = tpu.assume_multiple %mul3A_526, 8 : i32
    %lt3A_528 = arith.constant 15 : i32
    %lt3A_529 = arith.cmpi slt, %arg1, %lt3A_528 : i32
    %convert_element_type3A_530 = arith.extui %lt3A_529 : i1 to i32
    %cond3A_531 = arith.constant 0 : i32
    %cond3A_532 = arith.cmpi ne, %convert_element_type3A_530, %cond3A_531 : i32
    scf.if %cond3A_532 {
      "tpu.region"() ({
        %run_scoped3A = tpu.sem_alloc : memref<!tpu.dma_semaphore, #tpu.memory_space<semaphore_mem>>
        %dma_start3A = arith.constant 0 : i32
        %dma_start3A_538 = arith.constant 0 : i32
        %dma_start3A_539 = tpu.memref_slice %arg4[%arg0, %dma_start3A, %dma_start3A_538] : memref<2x10000x16xf32, #tpu.memory_space<hbm>> -> memref<1x10000x16xf32, #tpu.memory_space<hbm>>
        %dma_start3A_540 = tpu.memref_squeeze %dma_start3A_539 : memref<1x10000x16xf32, #tpu.memory_space<hbm>> -> memref<10000x16xf32, #tpu.memory_space<hbm>>
        %dma_start3A_541 = arith.constant 0 : i32
        %dma_start3A_542 = tpu.memref_slice %dma_start3A_540[%multiple_of3A_527, %dma_start3A_541] : memref<10000x16xf32, #tpu.memory_space<hbm>> -> memref<640x16xf32, #tpu.memory_space<hbm>>
        %dma_start3A_543 = arith.constant 0 : i32
        %dma_start3A_544 = tpu.memref_slice %arg7[%multiple_of3A_527, %dma_start3A_543] : memref<10016x16xf32, #tpu.memory_space<vmem_shared>> -> memref<640x16xf32, #tpu.memory_space<vmem_shared>>
        tpu.enqueue_dma source(%dma_start3A_544 : memref<640x16xf32, #tpu.memory_space<vmem_shared>>) target(%dma_start3A_542 : memref<640x16xf32, #tpu.memory_space<hbm>>) target_semaphore(%run_scoped3A : memref<!tpu.dma_semaphore, #tpu.memory_space<semaphore_mem>>)
        %dma_wait3A = arith.constant 0 : i32
        %dma_wait3A_545 = arith.constant 0 : i32
        %dma_wait3A_546 = tpu.memref_slice %arg4[%arg0, %dma_wait3A, %dma_wait3A_545] : memref<2x10000x16xf32, #tpu.memory_space<hbm>> -> memref<1x10000x16xf32, #tpu.memory_space<hbm>>
        %dma_wait3A_547 = tpu.memref_squeeze %dma_wait3A_546 : memref<1x10000x16xf32, #tpu.memory_space<hbm>> -> memref<10000x16xf32, #tpu.memory_space<hbm>>
        %dma_wait3A_548 = arith.constant 0 : i32
        %dma_wait3A_549 = tpu.memref_slice %dma_wait3A_547[%multiple_of3A_527, %dma_wait3A_548] : memref<10000x16xf32, #tpu.memory_space<hbm>> -> memref<640x16xf32, #tpu.memory_space<hbm>>
        %dma_wait3A_550 = arith.constant 0 : i32
        %dma_wait3A_551 = tpu.memref_slice %arg7[%multiple_of3A_527, %dma_wait3A_550] : memref<10016x16xf32, #tpu.memory_space<vmem_shared>> -> memref<640x16xf32, #tpu.memory_space<vmem_shared>>
        tpu.wait_dma2 semaphore(%run_scoped3A : memref<!tpu.dma_semaphore, #tpu.memory_space<semaphore_mem>>) src(%dma_wait3A_551 : memref<640x16xf32, #tpu.memory_space<vmem_shared>>) dst(%dma_wait3A_549 : memref<640x16xf32, #tpu.memory_space<hbm>>)
        tpu.yield
      }) : () -> ()
    } else {
    }
    %eq3A_533 = arith.constant 15 : i32
    %eq3A_534 = arith.cmpi eq, %arg1, %eq3A_533 : i32
    %convert_element_type3A_535 = arith.extui %eq3A_534 : i1 to i32
    %cond3A_536 = arith.constant 0 : i32
    %cond3A_537 = arith.cmpi ne, %convert_element_type3A_535, %cond3A_536 : i32
    scf.if %cond3A_537 {
      "tpu.region"() ({
        %run_scoped3A = tpu.sem_alloc : memref<!tpu.dma_semaphore, #tpu.memory_space<semaphore_mem>>
        %dma_start3A = arith.constant 0 : i32
        %dma_start3A_538 = arith.constant 0 : i32
        %dma_start3A_539 = tpu.memref_slice %arg4[%arg0, %dma_start3A, %dma_start3A_538] : memref<2x10000x16xf32, #tpu.memory_space<hbm>> -> memref<1x10000x16xf32, #tpu.memory_space<hbm>>
        %dma_start3A_540 = tpu.memref_squeeze %dma_start3A_539 : memref<1x10000x16xf32, #tpu.memory_space<hbm>> -> memref<10000x16xf32, #tpu.memory_space<hbm>>
        %dma_start3A_541 = arith.constant 0 : i32
        %dma_start3A_542 = tpu.memref_slice %dma_start3A_540[%multiple_of3A_527, %dma_start3A_541] : memref<10000x16xf32, #tpu.memory_space<hbm>> -> memref<400x16xf32, #tpu.memory_space<hbm>>
        %dma_start3A_543 = arith.constant 0 : i32
        %dma_start3A_544 = tpu.memref_slice %arg7[%multiple_of3A_527, %dma_start3A_543] : memref<10016x16xf32, #tpu.memory_space<vmem_shared>> -> memref<400x16xf32, #tpu.memory_space<vmem_shared>>
        tpu.enqueue_dma source(%dma_start3A_544 : memref<400x16xf32, #tpu.memory_space<vmem_shared>>) target(%dma_start3A_542 : memref<400x16xf32, #tpu.memory_space<hbm>>) target_semaphore(%run_scoped3A : memref<!tpu.dma_semaphore, #tpu.memory_space<semaphore_mem>>)
        %dma_wait3A = arith.constant 0 : i32
        %dma_wait3A_545 = arith.constant 0 : i32
        %dma_wait3A_546 = tpu.memref_slice %arg4[%arg0, %dma_wait3A, %dma_wait3A_545] : memref<2x10000x16xf32, #tpu.memory_space<hbm>> -> memref<1x10000x16xf32, #tpu.memory_space<hbm>>
        %dma_wait3A_547 = tpu.memref_squeeze %dma_wait3A_546 : memref<1x10000x16xf32, #tpu.memory_space<hbm>> -> memref<10000x16xf32, #tpu.memory_space<hbm>>
        %dma_wait3A_548 = arith.constant 0 : i32
        %dma_wait3A_549 = tpu.memref_slice %dma_wait3A_547[%multiple_of3A_527, %dma_wait3A_548] : memref<10000x16xf32, #tpu.memory_space<hbm>> -> memref<400x16xf32, #tpu.memory_space<hbm>>
        %dma_wait3A_550 = arith.constant 0 : i32
        %dma_wait3A_551 = tpu.memref_slice %arg7[%multiple_of3A_527, %dma_wait3A_550] : memref<10016x16xf32, #tpu.memory_space<vmem_shared>> -> memref<400x16xf32, #tpu.memory_space<vmem_shared>>
        tpu.wait_dma2 semaphore(%run_scoped3A : memref<!tpu.dma_semaphore, #tpu.memory_space<semaphore_mem>>) src(%dma_wait3A_551 : memref<400x16xf32, #tpu.memory_space<vmem_shared>>) dst(%dma_wait3A_549 : memref<400x16xf32, #tpu.memory_space<hbm>>)
        tpu.yield
      }) : () -> ()
    } else {
    }
    return
  }
}

#map = affine_map<(d0, d1) -> (0, 0)>
#map1 = affine_map<(d0, d1) -> (0, 0, 0)>
module attributes {stable_mosaic.version = 14 : i64} {
  func.func @agg(%arg0: i32, %arg1: i32, %arg2: memref<10000x128xf32, #tpu.memory_space<hbm>>, %arg3: memref<32x159x64xi32, #tpu.memory_space<hbm>>, %arg4: memref<32x159x64xi32, #tpu.memory_space<hbm>>, %arg5: memref<10000x128xf32, #tpu.memory_space<hbm>>, %arg6: memref<2x10000x128xf32, #tpu.memory_space<hbm>>, %arg7: memref<159x64xi32, #tpu.memory_space<vmem>>, %arg8: memref<159x64xi32, #tpu.memory_space<vmem>>, %arg9: memref<3x64x128xf32, #tpu.memory_space<vmem>>, %arg10: memref<10016x128xf32, #tpu.memory_space<vmem_shared>>, %arg11: memref<!tpu.dma_semaphore, #tpu.memory_space<semaphore_mem>>, %arg12: memref<!tpu.dma_semaphore, #tpu.memory_space<semaphore_mem>>, %arg13: memref<!tpu.dma_semaphore, #tpu.memory_space<semaphore_mem>>) attributes {dimension_semantics = [#tpu.dimension_semantics<core_parallel>, #tpu.dimension_semantics<subcore_parallel>], iteration_bounds = array<i64: 2, 16>, scalar_prefetch = 0 : i64, scratch_operands = 7 : i64, tpu.core_type = #tpu.core_type<sc_vector_subcore>, window_params = [{transform_indices = #map}, {transform_indices = #map1}, {transform_indices = #map1}, {transform_indices = #map}, {transform_indices = #map1}]} {
    %mul3A = arith.constant 16 : i32
    %mul3A_0 = arith.muli %arg0, %mul3A : i32
    %add3A = arith.addi %mul3A_0, %arg1 : i32
    "tpu.region"() ({
      %run_scoped3A = tpu.sem_alloc : memref<!tpu.dma_semaphore, #tpu.memory_space<semaphore_mem>>
      %dma_start3A_63 = arith.constant 0 : i32
      %dma_start3A_64 = arith.constant 0 : i32
      %dma_start3A_65 = tpu.memref_slice %arg3[%add3A, %dma_start3A_63, %dma_start3A_64] : memref<32x159x64xi32, #tpu.memory_space<hbm>> -> memref<1x159x64xi32, #tpu.memory_space<hbm>>
      %dma_start3A_66 = tpu.memref_squeeze %dma_start3A_65 : memref<1x159x64xi32, #tpu.memory_space<hbm>> -> memref<159x64xi32, #tpu.memory_space<hbm>>
      %dma_start3A_67 = arith.constant 0 : i32
      %dma_start3A_68 = arith.constant 0 : i32
      %dma_start3A_69 = tpu.memref_slice %arg3[%add3A, %dma_start3A_67, %dma_start3A_68] : memref<32x159x64xi32, #tpu.memory_space<hbm>> -> memref<1x159x64xi32, #tpu.memory_space<hbm>>
      %dma_start3A_70 = tpu.memref_squeeze %dma_start3A_69 : memref<1x159x64xi32, #tpu.memory_space<hbm>> -> memref<159x64xi32, #tpu.memory_space<hbm>>
      tpu.enqueue_dma source(%dma_start3A_70 : memref<159x64xi32, #tpu.memory_space<hbm>>) target(%arg7 : memref<159x64xi32, #tpu.memory_space<vmem>>) target_semaphore(%run_scoped3A : memref<!tpu.dma_semaphore, #tpu.memory_space<semaphore_mem>>)
      %dma_wait3A = arith.constant 0 : i32
      %dma_wait3A_71 = arith.constant 0 : i32
      %dma_wait3A_72 = tpu.memref_slice %arg3[%add3A, %dma_wait3A, %dma_wait3A_71] : memref<32x159x64xi32, #tpu.memory_space<hbm>> -> memref<1x159x64xi32, #tpu.memory_space<hbm>>
      %dma_wait3A_73 = tpu.memref_squeeze %dma_wait3A_72 : memref<1x159x64xi32, #tpu.memory_space<hbm>> -> memref<159x64xi32, #tpu.memory_space<hbm>>
      %dma_wait3A_74 = arith.constant 0 : i32
      %dma_wait3A_75 = arith.constant 0 : i32
      %dma_wait3A_76 = tpu.memref_slice %arg3[%add3A, %dma_wait3A_74, %dma_wait3A_75] : memref<32x159x64xi32, #tpu.memory_space<hbm>> -> memref<1x159x64xi32, #tpu.memory_space<hbm>>
      %dma_wait3A_77 = tpu.memref_squeeze %dma_wait3A_76 : memref<1x159x64xi32, #tpu.memory_space<hbm>> -> memref<159x64xi32, #tpu.memory_space<hbm>>
      tpu.wait_dma2 semaphore(%run_scoped3A : memref<!tpu.dma_semaphore, #tpu.memory_space<semaphore_mem>>) src(%dma_wait3A_77 : memref<159x64xi32, #tpu.memory_space<hbm>>) dst(%arg7 : memref<159x64xi32, #tpu.memory_space<vmem>>)
      tpu.yield
    }) : () -> ()
    "tpu.region"() ({
      %run_scoped3A = tpu.sem_alloc : memref<!tpu.dma_semaphore, #tpu.memory_space<semaphore_mem>>
      %dma_start3A_63 = arith.constant 0 : i32
      %dma_start3A_64 = arith.constant 0 : i32
      %dma_start3A_65 = tpu.memref_slice %arg4[%add3A, %dma_start3A_63, %dma_start3A_64] : memref<32x159x64xi32, #tpu.memory_space<hbm>> -> memref<1x159x64xi32, #tpu.memory_space<hbm>>
      %dma_start3A_66 = tpu.memref_squeeze %dma_start3A_65 : memref<1x159x64xi32, #tpu.memory_space<hbm>> -> memref<159x64xi32, #tpu.memory_space<hbm>>
      %dma_start3A_67 = arith.constant 0 : i32
      %dma_start3A_68 = arith.constant 0 : i32
      %dma_start3A_69 = tpu.memref_slice %arg4[%add3A, %dma_start3A_67, %dma_start3A_68] : memref<32x159x64xi32, #tpu.memory_space<hbm>> -> memref<1x159x64xi32, #tpu.memory_space<hbm>>
      %dma_start3A_70 = tpu.memref_squeeze %dma_start3A_69 : memref<1x159x64xi32, #tpu.memory_space<hbm>> -> memref<159x64xi32, #tpu.memory_space<hbm>>
      tpu.enqueue_dma source(%dma_start3A_70 : memref<159x64xi32, #tpu.memory_space<hbm>>) target(%arg8 : memref<159x64xi32, #tpu.memory_space<vmem>>) target_semaphore(%run_scoped3A : memref<!tpu.dma_semaphore, #tpu.memory_space<semaphore_mem>>)
      %dma_wait3A = arith.constant 0 : i32
      %dma_wait3A_71 = arith.constant 0 : i32
      %dma_wait3A_72 = tpu.memref_slice %arg4[%add3A, %dma_wait3A, %dma_wait3A_71] : memref<32x159x64xi32, #tpu.memory_space<hbm>> -> memref<1x159x64xi32, #tpu.memory_space<hbm>>
      %dma_wait3A_73 = tpu.memref_squeeze %dma_wait3A_72 : memref<1x159x64xi32, #tpu.memory_space<hbm>> -> memref<159x64xi32, #tpu.memory_space<hbm>>
      %dma_wait3A_74 = arith.constant 0 : i32
      %dma_wait3A_75 = arith.constant 0 : i32
      %dma_wait3A_76 = tpu.memref_slice %arg4[%add3A, %dma_wait3A_74, %dma_wait3A_75] : memref<32x159x64xi32, #tpu.memory_space<hbm>> -> memref<1x159x64xi32, #tpu.memory_space<hbm>>
      %dma_wait3A_77 = tpu.memref_squeeze %dma_wait3A_76 : memref<1x159x64xi32, #tpu.memory_space<hbm>> -> memref<159x64xi32, #tpu.memory_space<hbm>>
      tpu.wait_dma2 semaphore(%run_scoped3A : memref<!tpu.dma_semaphore, #tpu.memory_space<semaphore_mem>>) src(%dma_wait3A_77 : memref<159x64xi32, #tpu.memory_space<hbm>>) dst(%arg8 : memref<159x64xi32, #tpu.memory_space<vmem>>)
      tpu.yield
    }) : () -> ()
    %mul3A_1 = arith.constant 640 : i32
    %mul3A_2 = arith.muli %arg1, %mul3A_1 : i32
    %multiple_of3A = tpu.assume_multiple %mul3A_2, 8 : i32
    %lt3A = arith.constant 15 : i32
    %lt3A_3 = arith.cmpi slt, %arg1, %lt3A : i32
    %convert_element_type3A = arith.extui %lt3A_3 : i1 to i32
    %cond3A = arith.constant 0 : i32
    %cond3A_4 = arith.cmpi ne, %convert_element_type3A, %cond3A : i32
    scf.if %cond3A_4 {
      "tpu.region"() ({
        %run_scoped3A = tpu.sem_alloc : memref<!tpu.dma_semaphore, #tpu.memory_space<semaphore_mem>>
        %dma_start3A_63 = arith.constant 0 : i32
        %dma_start3A_64 = tpu.memref_slice %arg10[%multiple_of3A, %dma_start3A_63] : memref<10016x128xf32, #tpu.memory_space<vmem_shared>> -> memref<640x128xf32, #tpu.memory_space<vmem_shared>>
        %dma_start3A_65 = arith.constant 0 : i32
        %dma_start3A_66 = tpu.memref_slice %arg5[%multiple_of3A, %dma_start3A_65] : memref<10000x128xf32, #tpu.memory_space<hbm>> -> memref<640x128xf32, #tpu.memory_space<hbm>>
        tpu.enqueue_dma source(%dma_start3A_66 : memref<640x128xf32, #tpu.memory_space<hbm>>) target(%dma_start3A_64 : memref<640x128xf32, #tpu.memory_space<vmem_shared>>) target_semaphore(%run_scoped3A : memref<!tpu.dma_semaphore, #tpu.memory_space<semaphore_mem>>)
        %dma_wait3A = arith.constant 0 : i32
        %dma_wait3A_67 = tpu.memref_slice %arg10[%multiple_of3A, %dma_wait3A] : memref<10016x128xf32, #tpu.memory_space<vmem_shared>> -> memref<640x128xf32, #tpu.memory_space<vmem_shared>>
        %dma_wait3A_68 = arith.constant 0 : i32
        %dma_wait3A_69 = tpu.memref_slice %arg5[%multiple_of3A, %dma_wait3A_68] : memref<10000x128xf32, #tpu.memory_space<hbm>> -> memref<640x128xf32, #tpu.memory_space<hbm>>
        tpu.wait_dma2 semaphore(%run_scoped3A : memref<!tpu.dma_semaphore, #tpu.memory_space<semaphore_mem>>) src(%dma_wait3A_69 : memref<640x128xf32, #tpu.memory_space<hbm>>) dst(%dma_wait3A_67 : memref<640x128xf32, #tpu.memory_space<vmem_shared>>)
        tpu.yield
      }) : () -> ()
    } else {
    }
    %eq3A = arith.constant 15 : i32
    %eq3A_5 = arith.cmpi eq, %arg1, %eq3A : i32
    %convert_element_type3A_6 = arith.extui %eq3A_5 : i1 to i32
    %cond3A_7 = arith.constant 0 : i32
    %cond3A_8 = arith.cmpi ne, %convert_element_type3A_6, %cond3A_7 : i32
    scf.if %cond3A_8 {
      "tpu.region"() ({
        %run_scoped3A = tpu.sem_alloc : memref<!tpu.dma_semaphore, #tpu.memory_space<semaphore_mem>>
        %dma_start3A_63 = arith.constant 0 : i32
        %dma_start3A_64 = tpu.memref_slice %arg10[%multiple_of3A, %dma_start3A_63] : memref<10016x128xf32, #tpu.memory_space<vmem_shared>> -> memref<400x128xf32, #tpu.memory_space<vmem_shared>>
        %dma_start3A_65 = arith.constant 0 : i32
        %dma_start3A_66 = tpu.memref_slice %arg5[%multiple_of3A, %dma_start3A_65] : memref<10000x128xf32, #tpu.memory_space<hbm>> -> memref<400x128xf32, #tpu.memory_space<hbm>>
        tpu.enqueue_dma source(%dma_start3A_66 : memref<400x128xf32, #tpu.memory_space<hbm>>) target(%dma_start3A_64 : memref<400x128xf32, #tpu.memory_space<vmem_shared>>) target_semaphore(%run_scoped3A : memref<!tpu.dma_semaphore, #tpu.memory_space<semaphore_mem>>)
        %dma_wait3A = arith.constant 0 : i32
        %dma_wait3A_67 = tpu.memref_slice %arg10[%multiple_of3A, %dma_wait3A] : memref<10016x128xf32, #tpu.memory_space<vmem_shared>> -> memref<400x128xf32, #tpu.memory_space<vmem_shared>>
        %dma_wait3A_68 = arith.constant 0 : i32
        %dma_wait3A_69 = tpu.memref_slice %arg5[%multiple_of3A, %dma_wait3A_68] : memref<10000x128xf32, #tpu.memory_space<hbm>> -> memref<400x128xf32, #tpu.memory_space<hbm>>
        tpu.wait_dma2 semaphore(%run_scoped3A : memref<!tpu.dma_semaphore, #tpu.memory_space<semaphore_mem>>) src(%dma_wait3A_69 : memref<400x128xf32, #tpu.memory_space<hbm>>) dst(%dma_wait3A_67 : memref<400x128xf32, #tpu.memory_space<vmem_shared>>)
        tpu.yield
      }) : () -> ()
    } else {
    }
    %barrier3A = arith.constant 0 : index
    tpu.barrier barrier_id(%barrier3A)
    %dma_start3A = arith.constant 0 : i32
    %dma_start3A_9 = arith.constant 0 : i32
    %dma_start3A_10 = arith.constant 0 : i32
    %dma_start3A_11 = arith.constant 0 : i32
    %dma_start3A_12 = tpu.memref_slice %arg9[%dma_start3A_9, %dma_start3A_10, %dma_start3A_11] : memref<3x64x128xf32, #tpu.memory_space<vmem>> -> memref<1x64x128xf32, #tpu.memory_space<vmem>>
    %dma_start3A_13 = tpu.memref_squeeze %dma_start3A_12 : memref<1x64x128xf32, #tpu.memory_space<vmem>> -> memref<64x128xf32, #tpu.memory_space<vmem>>
    %dma_start3A_14 = arith.constant 0 : i32
    %dma_start3A_15 = tpu.memref_slice %arg7[%dma_start3A, %dma_start3A_14] : memref<159x64xi32, #tpu.memory_space<vmem>> -> memref<1x64xi32, #tpu.memory_space<vmem>>
    %dma_start3A_16 = tpu.memref_squeeze %dma_start3A_15 : memref<1x64xi32, #tpu.memory_space<vmem>> -> memref<64xi32, #tpu.memory_space<vmem>>
    %dma_start3A_17 = arith.constant 0 : i32
    %dma_start3A_18 = arith.constant 0 : i32
    %dma_start3A_19 = tpu.memref_slice %arg2[%dma_start3A_17, %dma_start3A_18] : memref<10000x128xf32, #tpu.memory_space<hbm>> -> memref<10000x128xf32, #tpu.memory_space<hbm>>
    tpu.enqueue_indirect_dma source(%dma_start3A_19 : memref<10000x128xf32, #tpu.memory_space<hbm>>) target(%dma_start3A_13 : memref<64x128xf32, #tpu.memory_space<vmem>>) offsets(%dma_start3A_16 : memref<64xi32, #tpu.memory_space<vmem>>) semaphore(%arg11 : memref<!tpu.dma_semaphore, #tpu.memory_space<semaphore_mem>>)
    %dma_start3A_20 = arith.constant 1 : i32
    %dma_start3A_21 = arith.constant 1 : i32
    %dma_start3A_22 = arith.constant 0 : i32
    %dma_start3A_23 = arith.constant 0 : i32
    %dma_start3A_24 = tpu.memref_slice %arg9[%dma_start3A_21, %dma_start3A_22, %dma_start3A_23] : memref<3x64x128xf32, #tpu.memory_space<vmem>> -> memref<1x64x128xf32, #tpu.memory_space<vmem>>
    %dma_start3A_25 = tpu.memref_squeeze %dma_start3A_24 : memref<1x64x128xf32, #tpu.memory_space<vmem>> -> memref<64x128xf32, #tpu.memory_space<vmem>>
    %dma_start3A_26 = arith.constant 0 : i32
    %dma_start3A_27 = tpu.memref_slice %arg7[%dma_start3A_20, %dma_start3A_26] : memref<159x64xi32, #tpu.memory_space<vmem>> -> memref<1x64xi32, #tpu.memory_space<vmem>>
    %dma_start3A_28 = tpu.memref_squeeze %dma_start3A_27 : memref<1x64xi32, #tpu.memory_space<vmem>> -> memref<64xi32, #tpu.memory_space<vmem>>
    %dma_start3A_29 = arith.constant 0 : i32
    %dma_start3A_30 = arith.constant 0 : i32
    %dma_start3A_31 = tpu.memref_slice %arg2[%dma_start3A_29, %dma_start3A_30] : memref<10000x128xf32, #tpu.memory_space<hbm>> -> memref<10000x128xf32, #tpu.memory_space<hbm>>
    tpu.enqueue_indirect_dma source(%dma_start3A_31 : memref<10000x128xf32, #tpu.memory_space<hbm>>) target(%dma_start3A_25 : memref<64x128xf32, #tpu.memory_space<vmem>>) offsets(%dma_start3A_28 : memref<64xi32, #tpu.memory_space<vmem>>) semaphore(%arg12 : memref<!tpu.dma_semaphore, #tpu.memory_space<semaphore_mem>>)
    %dma_start3A_32 = arith.constant 2 : i32
    %dma_start3A_33 = arith.constant 2 : i32
    %dma_start3A_34 = arith.constant 0 : i32
    %dma_start3A_35 = arith.constant 0 : i32
    %dma_start3A_36 = tpu.memref_slice %arg9[%dma_start3A_33, %dma_start3A_34, %dma_start3A_35] : memref<3x64x128xf32, #tpu.memory_space<vmem>> -> memref<1x64x128xf32, #tpu.memory_space<vmem>>
    %dma_start3A_37 = tpu.memref_squeeze %dma_start3A_36 : memref<1x64x128xf32, #tpu.memory_space<vmem>> -> memref<64x128xf32, #tpu.memory_space<vmem>>
    %dma_start3A_38 = arith.constant 0 : i32
    %dma_start3A_39 = tpu.memref_slice %arg7[%dma_start3A_32, %dma_start3A_38] : memref<159x64xi32, #tpu.memory_space<vmem>> -> memref<1x64xi32, #tpu.memory_space<vmem>>
    %dma_start3A_40 = tpu.memref_squeeze %dma_start3A_39 : memref<1x64xi32, #tpu.memory_space<vmem>> -> memref<64xi32, #tpu.memory_space<vmem>>
    %dma_start3A_41 = arith.constant 0 : i32
    %dma_start3A_42 = arith.constant 0 : i32
    %dma_start3A_43 = tpu.memref_slice %arg2[%dma_start3A_41, %dma_start3A_42] : memref<10000x128xf32, #tpu.memory_space<hbm>> -> memref<10000x128xf32, #tpu.memory_space<hbm>>
    tpu.enqueue_indirect_dma source(%dma_start3A_43 : memref<10000x128xf32, #tpu.memory_space<hbm>>) target(%dma_start3A_37 : memref<64x128xf32, #tpu.memory_space<vmem>>) offsets(%dma_start3A_40 : memref<64xi32, #tpu.memory_space<vmem>>) semaphore(%arg13 : memref<!tpu.dma_semaphore, #tpu.memory_space<semaphore_mem>>)
    %scan3A = arith.constant 0 : i32
    %scan3A_44 = arith.constant 0 : i32
    %scan3A_45 = arith.constant 53 : i32
    %scan3A_46 = arith.addi %scan3A_44, %scan3A_45 : i32
    %scan3A_47 = arith.constant 1 : i32
    scf.for %scan3A_63 = %scan3A_44 to %scan3A_46 step %scan3A_47  : i32 {
      %mul3A_64 = arith.constant 3 : i32
      %mul3A_65 = arith.muli %mul3A_64, %scan3A_63 : i32
      %add3A_66 = arith.constant 0 : i32
      %add3A_67 = arith.addi %mul3A_65, %add3A_66 : i32
      %dma_wait3A = arith.constant 0 : i32
      %dma_wait3A_68 = arith.constant 0 : i32
      %dma_wait3A_69 = arith.constant 0 : i32
      %dma_wait3A_70 = tpu.memref_slice %arg9[%dma_wait3A, %dma_wait3A_68, %dma_wait3A_69] : memref<3x64x128xf32, #tpu.memory_space<vmem>> -> memref<1x64x128xf32, #tpu.memory_space<vmem>>
      %dma_wait3A_71 = tpu.memref_squeeze %dma_wait3A_70 : memref<1x64x128xf32, #tpu.memory_space<vmem>> -> memref<64x128xf32, #tpu.memory_space<vmem>>
      %dma_wait3A_72 = arith.constant 0 : i32
      %dma_wait3A_73 = arith.constant 0 : i32
      %dma_wait3A_74 = tpu.memref_slice %arg2[%dma_wait3A_72, %dma_wait3A_73] : memref<10000x128xf32, #tpu.memory_space<hbm>> -> memref<64x128xf32, #tpu.memory_space<hbm>>
      %dma_wait3A_75 = arith.constant 0 : i32
      %dma_wait3A_76 = arith.constant 0 : i32
      %dma_wait3A_77 = tpu.memref_slice %arg9[%dma_wait3A, %dma_wait3A_75, %dma_wait3A_76] : memref<3x64x128xf32, #tpu.memory_space<vmem>> -> memref<1x64x128xf32, #tpu.memory_space<vmem>>
      %dma_wait3A_78 = tpu.memref_squeeze %dma_wait3A_77 : memref<1x64x128xf32, #tpu.memory_space<vmem>> -> memref<64x128xf32, #tpu.memory_space<vmem>>
      %dma_wait3A_79 = arith.constant 0 : i32
      %dma_wait3A_80 = arith.constant 0 : i32
      %dma_wait3A_81 = tpu.memref_slice %arg2[%dma_wait3A_79, %dma_wait3A_80] : memref<10000x128xf32, #tpu.memory_space<hbm>> -> memref<64x128xf32, #tpu.memory_space<hbm>>
      tpu.wait_dma2 semaphore(%arg11 : memref<!tpu.dma_semaphore, #tpu.memory_space<semaphore_mem>>) src(%dma_wait3A_81 : memref<64x128xf32, #tpu.memory_space<hbm>>) dst(%dma_wait3A_78 : memref<64x128xf32, #tpu.memory_space<vmem>>)
      %run_scoped3A = arith.constant 0 : i32
      "tpu.region"() ({
        %run_scoped3A_139 = tpu.sem_alloc : memref<!tpu.dma_semaphore, #tpu.memory_space<semaphore_mem>>
        %dma_start3A_140 = arith.constant 0 : i32
        %dma_start3A_141 = arith.constant 0 : i32
        %dma_start3A_142 = tpu.memref_slice %arg9[%run_scoped3A, %dma_start3A_140, %dma_start3A_141] : memref<3x64x128xf32, #tpu.memory_space<vmem>> -> memref<1x64x128xf32, #tpu.memory_space<vmem>>
        %dma_start3A_143 = tpu.memref_squeeze %dma_start3A_142 : memref<1x64x128xf32, #tpu.memory_space<vmem>> -> memref<64x128xf32, #tpu.memory_space<vmem>>
        %dma_start3A_144 = arith.constant 0 : i32
        %dma_start3A_145 = tpu.memref_slice %arg8[%add3A_67, %dma_start3A_144] : memref<159x64xi32, #tpu.memory_space<vmem>> -> memref<1x64xi32, #tpu.memory_space<vmem>>
        %dma_start3A_146 = tpu.memref_squeeze %dma_start3A_145 : memref<1x64xi32, #tpu.memory_space<vmem>> -> memref<64xi32, #tpu.memory_space<vmem>>
        %dma_start3A_147 = arith.constant 0 : i32
        %dma_start3A_148 = arith.constant 0 : i32
        %dma_start3A_149 = tpu.memref_slice %arg10[%dma_start3A_147, %dma_start3A_148] : memref<10016x128xf32, #tpu.memory_space<vmem_shared>> -> memref<10016x128xf32, #tpu.memory_space<vmem_shared>>
        tpu.enqueue_indirect_dma source(%dma_start3A_143 : memref<64x128xf32, #tpu.memory_space<vmem>>) target(%dma_start3A_149 : memref<10016x128xf32, #tpu.memory_space<vmem_shared>>) offsets(%dma_start3A_146 : memref<64xi32, #tpu.memory_space<vmem>>) semaphore(%run_scoped3A_139 : memref<!tpu.dma_semaphore, #tpu.memory_space<semaphore_mem>>) {add = true}
        %dma_wait3A_150 = arith.constant 0 : i32
        %dma_wait3A_151 = arith.constant 0 : i32
        %dma_wait3A_152 = tpu.memref_slice %arg9[%run_scoped3A, %dma_wait3A_150, %dma_wait3A_151] : memref<3x64x128xf32, #tpu.memory_space<vmem>> -> memref<1x64x128xf32, #tpu.memory_space<vmem>>
        %dma_wait3A_153 = tpu.memref_squeeze %dma_wait3A_152 : memref<1x64x128xf32, #tpu.memory_space<vmem>> -> memref<64x128xf32, #tpu.memory_space<vmem>>
        %dma_wait3A_154 = arith.constant 0 : i32
        %dma_wait3A_155 = tpu.memref_slice %arg8[%add3A_67, %dma_wait3A_154] : memref<159x64xi32, #tpu.memory_space<vmem>> -> memref<1x64xi32, #tpu.memory_space<vmem>>
        %dma_wait3A_156 = tpu.memref_squeeze %dma_wait3A_155 : memref<1x64xi32, #tpu.memory_space<vmem>> -> memref<64xi32, #tpu.memory_space<vmem>>
        %dma_wait3A_157 = arith.constant 0 : i32
        %dma_wait3A_158 = arith.constant 0 : i32
        %dma_wait3A_159 = tpu.memref_slice %arg10[%dma_wait3A_157, %dma_wait3A_158] : memref<10016x128xf32, #tpu.memory_space<vmem_shared>> -> memref<10016x128xf32, #tpu.memory_space<vmem_shared>>
        tpu.wait_indirect_dma semaphore(%run_scoped3A_139 : memref<!tpu.dma_semaphore, #tpu.memory_space<semaphore_mem>>) src(%dma_wait3A_153 : memref<64x128xf32, #tpu.memory_space<vmem>>) dst(%dma_wait3A_159 : memref<10016x128xf32, #tpu.memory_space<vmem_shared>>)
        tpu.yield
      }) : () -> ()
      %add3A_82 = arith.constant 3 : i32
      %add3A_83 = arith.addi %add3A_67, %add3A_82 : i32
      %lt3A_84 = arith.constant 159 : i32
      %lt3A_85 = arith.cmpi slt, %add3A_83, %lt3A_84 : i32
      %convert_element_type3A_86 = arith.extui %lt3A_85 : i1 to i32
      %cond3A_87 = arith.constant 0 : i32
      %cond3A_88 = arith.cmpi ne, %convert_element_type3A_86, %cond3A_87 : i32
      scf.if %cond3A_88 {
        %add3A_139 = arith.constant 3 : i32
        %add3A_140 = arith.addi %add3A_67, %add3A_139 : i32
        %dma_start3A_141 = arith.constant 0 : i32
        %dma_start3A_142 = arith.constant 0 : i32
        %dma_start3A_143 = arith.constant 0 : i32
        %dma_start3A_144 = tpu.memref_slice %arg9[%dma_start3A_141, %dma_start3A_142, %dma_start3A_143] : memref<3x64x128xf32, #tpu.memory_space<vmem>> -> memref<1x64x128xf32, #tpu.memory_space<vmem>>
        %dma_start3A_145 = tpu.memref_squeeze %dma_start3A_144 : memref<1x64x128xf32, #tpu.memory_space<vmem>> -> memref<64x128xf32, #tpu.memory_space<vmem>>
        %dma_start3A_146 = arith.constant 0 : i32
        %dma_start3A_147 = tpu.memref_slice %arg7[%add3A_140, %dma_start3A_146] : memref<159x64xi32, #tpu.memory_space<vmem>> -> memref<1x64xi32, #tpu.memory_space<vmem>>
        %dma_start3A_148 = tpu.memref_squeeze %dma_start3A_147 : memref<1x64xi32, #tpu.memory_space<vmem>> -> memref<64xi32, #tpu.memory_space<vmem>>
        %dma_start3A_149 = arith.constant 0 : i32
        %dma_start3A_150 = arith.constant 0 : i32
        %dma_start3A_151 = tpu.memref_slice %arg2[%dma_start3A_149, %dma_start3A_150] : memref<10000x128xf32, #tpu.memory_space<hbm>> -> memref<10000x128xf32, #tpu.memory_space<hbm>>
        tpu.enqueue_indirect_dma source(%dma_start3A_151 : memref<10000x128xf32, #tpu.memory_space<hbm>>) target(%dma_start3A_145 : memref<64x128xf32, #tpu.memory_space<vmem>>) offsets(%dma_start3A_148 : memref<64xi32, #tpu.memory_space<vmem>>) semaphore(%arg11 : memref<!tpu.dma_semaphore, #tpu.memory_space<semaphore_mem>>)
      } else {
      }
      %add3A_89 = arith.constant 1 : i32
      %add3A_90 = arith.addi %mul3A_65, %add3A_89 : i32
      %dma_wait3A_91 = arith.constant 1 : i32
      %dma_wait3A_92 = arith.constant 0 : i32
      %dma_wait3A_93 = arith.constant 0 : i32
      %dma_wait3A_94 = tpu.memref_slice %arg9[%dma_wait3A_91, %dma_wait3A_92, %dma_wait3A_93] : memref<3x64x128xf32, #tpu.memory_space<vmem>> -> memref<1x64x128xf32, #tpu.memory_space<vmem>>
      %dma_wait3A_95 = tpu.memref_squeeze %dma_wait3A_94 : memref<1x64x128xf32, #tpu.memory_space<vmem>> -> memref<64x128xf32, #tpu.memory_space<vmem>>
      %dma_wait3A_96 = arith.constant 0 : i32
      %dma_wait3A_97 = arith.constant 0 : i32
      %dma_wait3A_98 = tpu.memref_slice %arg2[%dma_wait3A_96, %dma_wait3A_97] : memref<10000x128xf32, #tpu.memory_space<hbm>> -> memref<64x128xf32, #tpu.memory_space<hbm>>
      %dma_wait3A_99 = arith.constant 0 : i32
      %dma_wait3A_100 = arith.constant 0 : i32
      %dma_wait3A_101 = tpu.memref_slice %arg9[%dma_wait3A_91, %dma_wait3A_99, %dma_wait3A_100] : memref<3x64x128xf32, #tpu.memory_space<vmem>> -> memref<1x64x128xf32, #tpu.memory_space<vmem>>
      %dma_wait3A_102 = tpu.memref_squeeze %dma_wait3A_101 : memref<1x64x128xf32, #tpu.memory_space<vmem>> -> memref<64x128xf32, #tpu.memory_space<vmem>>
      %dma_wait3A_103 = arith.constant 0 : i32
      %dma_wait3A_104 = arith.constant 0 : i32
      %dma_wait3A_105 = tpu.memref_slice %arg2[%dma_wait3A_103, %dma_wait3A_104] : memref<10000x128xf32, #tpu.memory_space<hbm>> -> memref<64x128xf32, #tpu.memory_space<hbm>>
      tpu.wait_dma2 semaphore(%arg12 : memref<!tpu.dma_semaphore, #tpu.memory_space<semaphore_mem>>) src(%dma_wait3A_105 : memref<64x128xf32, #tpu.memory_space<hbm>>) dst(%dma_wait3A_102 : memref<64x128xf32, #tpu.memory_space<vmem>>)
      %run_scoped3A_106 = arith.constant 1 : i32
      "tpu.region"() ({
        %run_scoped3A_139 = tpu.sem_alloc : memref<!tpu.dma_semaphore, #tpu.memory_space<semaphore_mem>>
        %dma_start3A_140 = arith.constant 0 : i32
        %dma_start3A_141 = arith.constant 0 : i32
        %dma_start3A_142 = tpu.memref_slice %arg9[%run_scoped3A_106, %dma_start3A_140, %dma_start3A_141] : memref<3x64x128xf32, #tpu.memory_space<vmem>> -> memref<1x64x128xf32, #tpu.memory_space<vmem>>
        %dma_start3A_143 = tpu.memref_squeeze %dma_start3A_142 : memref<1x64x128xf32, #tpu.memory_space<vmem>> -> memref<64x128xf32, #tpu.memory_space<vmem>>
        %dma_start3A_144 = arith.constant 0 : i32
        %dma_start3A_145 = tpu.memref_slice %arg8[%add3A_90, %dma_start3A_144] : memref<159x64xi32, #tpu.memory_space<vmem>> -> memref<1x64xi32, #tpu.memory_space<vmem>>
        %dma_start3A_146 = tpu.memref_squeeze %dma_start3A_145 : memref<1x64xi32, #tpu.memory_space<vmem>> -> memref<64xi32, #tpu.memory_space<vmem>>
        %dma_start3A_147 = arith.constant 0 : i32
        %dma_start3A_148 = arith.constant 0 : i32
        %dma_start3A_149 = tpu.memref_slice %arg10[%dma_start3A_147, %dma_start3A_148] : memref<10016x128xf32, #tpu.memory_space<vmem_shared>> -> memref<10016x128xf32, #tpu.memory_space<vmem_shared>>
        tpu.enqueue_indirect_dma source(%dma_start3A_143 : memref<64x128xf32, #tpu.memory_space<vmem>>) target(%dma_start3A_149 : memref<10016x128xf32, #tpu.memory_space<vmem_shared>>) offsets(%dma_start3A_146 : memref<64xi32, #tpu.memory_space<vmem>>) semaphore(%run_scoped3A_139 : memref<!tpu.dma_semaphore, #tpu.memory_space<semaphore_mem>>) {add = true}
        %dma_wait3A_150 = arith.constant 0 : i32
        %dma_wait3A_151 = arith.constant 0 : i32
        %dma_wait3A_152 = tpu.memref_slice %arg9[%run_scoped3A_106, %dma_wait3A_150, %dma_wait3A_151] : memref<3x64x128xf32, #tpu.memory_space<vmem>> -> memref<1x64x128xf32, #tpu.memory_space<vmem>>
        %dma_wait3A_153 = tpu.memref_squeeze %dma_wait3A_152 : memref<1x64x128xf32, #tpu.memory_space<vmem>> -> memref<64x128xf32, #tpu.memory_space<vmem>>
        %dma_wait3A_154 = arith.constant 0 : i32
        %dma_wait3A_155 = tpu.memref_slice %arg8[%add3A_90, %dma_wait3A_154] : memref<159x64xi32, #tpu.memory_space<vmem>> -> memref<1x64xi32, #tpu.memory_space<vmem>>
        %dma_wait3A_156 = tpu.memref_squeeze %dma_wait3A_155 : memref<1x64xi32, #tpu.memory_space<vmem>> -> memref<64xi32, #tpu.memory_space<vmem>>
        %dma_wait3A_157 = arith.constant 0 : i32
        %dma_wait3A_158 = arith.constant 0 : i32
        %dma_wait3A_159 = tpu.memref_slice %arg10[%dma_wait3A_157, %dma_wait3A_158] : memref<10016x128xf32, #tpu.memory_space<vmem_shared>> -> memref<10016x128xf32, #tpu.memory_space<vmem_shared>>
        tpu.wait_indirect_dma semaphore(%run_scoped3A_139 : memref<!tpu.dma_semaphore, #tpu.memory_space<semaphore_mem>>) src(%dma_wait3A_153 : memref<64x128xf32, #tpu.memory_space<vmem>>) dst(%dma_wait3A_159 : memref<10016x128xf32, #tpu.memory_space<vmem_shared>>)
        tpu.yield
      }) : () -> ()
      %add3A_107 = arith.constant 3 : i32
      %add3A_108 = arith.addi %add3A_90, %add3A_107 : i32
      %lt3A_109 = arith.constant 159 : i32
      %lt3A_110 = arith.cmpi slt, %add3A_108, %lt3A_109 : i32
      %convert_element_type3A_111 = arith.extui %lt3A_110 : i1 to i32
      %cond3A_112 = arith.constant 0 : i32
      %cond3A_113 = arith.cmpi ne, %convert_element_type3A_111, %cond3A_112 : i32
      scf.if %cond3A_113 {
        %add3A_139 = arith.constant 3 : i32
        %add3A_140 = arith.addi %add3A_90, %add3A_139 : i32
        %dma_start3A_141 = arith.constant 1 : i32
        %dma_start3A_142 = arith.constant 0 : i32
        %dma_start3A_143 = arith.constant 0 : i32
        %dma_start3A_144 = tpu.memref_slice %arg9[%dma_start3A_141, %dma_start3A_142, %dma_start3A_143] : memref<3x64x128xf32, #tpu.memory_space<vmem>> -> memref<1x64x128xf32, #tpu.memory_space<vmem>>
        %dma_start3A_145 = tpu.memref_squeeze %dma_start3A_144 : memref<1x64x128xf32, #tpu.memory_space<vmem>> -> memref<64x128xf32, #tpu.memory_space<vmem>>
        %dma_start3A_146 = arith.constant 0 : i32
        %dma_start3A_147 = tpu.memref_slice %arg7[%add3A_140, %dma_start3A_146] : memref<159x64xi32, #tpu.memory_space<vmem>> -> memref<1x64xi32, #tpu.memory_space<vmem>>
        %dma_start3A_148 = tpu.memref_squeeze %dma_start3A_147 : memref<1x64xi32, #tpu.memory_space<vmem>> -> memref<64xi32, #tpu.memory_space<vmem>>
        %dma_start3A_149 = arith.constant 0 : i32
        %dma_start3A_150 = arith.constant 0 : i32
        %dma_start3A_151 = tpu.memref_slice %arg2[%dma_start3A_149, %dma_start3A_150] : memref<10000x128xf32, #tpu.memory_space<hbm>> -> memref<10000x128xf32, #tpu.memory_space<hbm>>
        tpu.enqueue_indirect_dma source(%dma_start3A_151 : memref<10000x128xf32, #tpu.memory_space<hbm>>) target(%dma_start3A_145 : memref<64x128xf32, #tpu.memory_space<vmem>>) offsets(%dma_start3A_148 : memref<64xi32, #tpu.memory_space<vmem>>) semaphore(%arg12 : memref<!tpu.dma_semaphore, #tpu.memory_space<semaphore_mem>>)
      } else {
      }
      %add3A_114 = arith.constant 2 : i32
      %add3A_115 = arith.addi %mul3A_65, %add3A_114 : i32
      %dma_wait3A_116 = arith.constant 2 : i32
      %dma_wait3A_117 = arith.constant 0 : i32
      %dma_wait3A_118 = arith.constant 0 : i32
      %dma_wait3A_119 = tpu.memref_slice %arg9[%dma_wait3A_116, %dma_wait3A_117, %dma_wait3A_118] : memref<3x64x128xf32, #tpu.memory_space<vmem>> -> memref<1x64x128xf32, #tpu.memory_space<vmem>>
      %dma_wait3A_120 = tpu.memref_squeeze %dma_wait3A_119 : memref<1x64x128xf32, #tpu.memory_space<vmem>> -> memref<64x128xf32, #tpu.memory_space<vmem>>
      %dma_wait3A_121 = arith.constant 0 : i32
      %dma_wait3A_122 = arith.constant 0 : i32
      %dma_wait3A_123 = tpu.memref_slice %arg2[%dma_wait3A_121, %dma_wait3A_122] : memref<10000x128xf32, #tpu.memory_space<hbm>> -> memref<64x128xf32, #tpu.memory_space<hbm>>
      %dma_wait3A_124 = arith.constant 0 : i32
      %dma_wait3A_125 = arith.constant 0 : i32
      %dma_wait3A_126 = tpu.memref_slice %arg9[%dma_wait3A_116, %dma_wait3A_124, %dma_wait3A_125] : memref<3x64x128xf32, #tpu.memory_space<vmem>> -> memref<1x64x128xf32, #tpu.memory_space<vmem>>
      %dma_wait3A_127 = tpu.memref_squeeze %dma_wait3A_126 : memref<1x64x128xf32, #tpu.memory_space<vmem>> -> memref<64x128xf32, #tpu.memory_space<vmem>>
      %dma_wait3A_128 = arith.constant 0 : i32
      %dma_wait3A_129 = arith.constant 0 : i32
      %dma_wait3A_130 = tpu.memref_slice %arg2[%dma_wait3A_128, %dma_wait3A_129] : memref<10000x128xf32, #tpu.memory_space<hbm>> -> memref<64x128xf32, #tpu.memory_space<hbm>>
      tpu.wait_dma2 semaphore(%arg13 : memref<!tpu.dma_semaphore, #tpu.memory_space<semaphore_mem>>) src(%dma_wait3A_130 : memref<64x128xf32, #tpu.memory_space<hbm>>) dst(%dma_wait3A_127 : memref<64x128xf32, #tpu.memory_space<vmem>>)
      %run_scoped3A_131 = arith.constant 2 : i32
      "tpu.region"() ({
        %run_scoped3A_139 = tpu.sem_alloc : memref<!tpu.dma_semaphore, #tpu.memory_space<semaphore_mem>>
        %dma_start3A_140 = arith.constant 0 : i32
        %dma_start3A_141 = arith.constant 0 : i32
        %dma_start3A_142 = tpu.memref_slice %arg9[%run_scoped3A_131, %dma_start3A_140, %dma_start3A_141] : memref<3x64x128xf32, #tpu.memory_space<vmem>> -> memref<1x64x128xf32, #tpu.memory_space<vmem>>
        %dma_start3A_143 = tpu.memref_squeeze %dma_start3A_142 : memref<1x64x128xf32, #tpu.memory_space<vmem>> -> memref<64x128xf32, #tpu.memory_space<vmem>>
        %dma_start3A_144 = arith.constant 0 : i32
        %dma_start3A_145 = tpu.memref_slice %arg8[%add3A_115, %dma_start3A_144] : memref<159x64xi32, #tpu.memory_space<vmem>> -> memref<1x64xi32, #tpu.memory_space<vmem>>
        %dma_start3A_146 = tpu.memref_squeeze %dma_start3A_145 : memref<1x64xi32, #tpu.memory_space<vmem>> -> memref<64xi32, #tpu.memory_space<vmem>>
        %dma_start3A_147 = arith.constant 0 : i32
        %dma_start3A_148 = arith.constant 0 : i32
        %dma_start3A_149 = tpu.memref_slice %arg10[%dma_start3A_147, %dma_start3A_148] : memref<10016x128xf32, #tpu.memory_space<vmem_shared>> -> memref<10016x128xf32, #tpu.memory_space<vmem_shared>>
        tpu.enqueue_indirect_dma source(%dma_start3A_143 : memref<64x128xf32, #tpu.memory_space<vmem>>) target(%dma_start3A_149 : memref<10016x128xf32, #tpu.memory_space<vmem_shared>>) offsets(%dma_start3A_146 : memref<64xi32, #tpu.memory_space<vmem>>) semaphore(%run_scoped3A_139 : memref<!tpu.dma_semaphore, #tpu.memory_space<semaphore_mem>>) {add = true}
        %dma_wait3A_150 = arith.constant 0 : i32
        %dma_wait3A_151 = arith.constant 0 : i32
        %dma_wait3A_152 = tpu.memref_slice %arg9[%run_scoped3A_131, %dma_wait3A_150, %dma_wait3A_151] : memref<3x64x128xf32, #tpu.memory_space<vmem>> -> memref<1x64x128xf32, #tpu.memory_space<vmem>>
        %dma_wait3A_153 = tpu.memref_squeeze %dma_wait3A_152 : memref<1x64x128xf32, #tpu.memory_space<vmem>> -> memref<64x128xf32, #tpu.memory_space<vmem>>
        %dma_wait3A_154 = arith.constant 0 : i32
        %dma_wait3A_155 = tpu.memref_slice %arg8[%add3A_115, %dma_wait3A_154] : memref<159x64xi32, #tpu.memory_space<vmem>> -> memref<1x64xi32, #tpu.memory_space<vmem>>
        %dma_wait3A_156 = tpu.memref_squeeze %dma_wait3A_155 : memref<1x64xi32, #tpu.memory_space<vmem>> -> memref<64xi32, #tpu.memory_space<vmem>>
        %dma_wait3A_157 = arith.constant 0 : i32
        %dma_wait3A_158 = arith.constant 0 : i32
        %dma_wait3A_159 = tpu.memref_slice %arg10[%dma_wait3A_157, %dma_wait3A_158] : memref<10016x128xf32, #tpu.memory_space<vmem_shared>> -> memref<10016x128xf32, #tpu.memory_space<vmem_shared>>
        tpu.wait_indirect_dma semaphore(%run_scoped3A_139 : memref<!tpu.dma_semaphore, #tpu.memory_space<semaphore_mem>>) src(%dma_wait3A_153 : memref<64x128xf32, #tpu.memory_space<vmem>>) dst(%dma_wait3A_159 : memref<10016x128xf32, #tpu.memory_space<vmem_shared>>)
        tpu.yield
      }) : () -> ()
      %add3A_132 = arith.constant 3 : i32
      %add3A_133 = arith.addi %add3A_115, %add3A_132 : i32
      %lt3A_134 = arith.constant 159 : i32
      %lt3A_135 = arith.cmpi slt, %add3A_133, %lt3A_134 : i32
      %convert_element_type3A_136 = arith.extui %lt3A_135 : i1 to i32
      %cond3A_137 = arith.constant 0 : i32
      %cond3A_138 = arith.cmpi ne, %convert_element_type3A_136, %cond3A_137 : i32
      scf.if %cond3A_138 {
        %add3A_139 = arith.constant 3 : i32
        %add3A_140 = arith.addi %add3A_115, %add3A_139 : i32
        %dma_start3A_141 = arith.constant 2 : i32
        %dma_start3A_142 = arith.constant 0 : i32
        %dma_start3A_143 = arith.constant 0 : i32
        %dma_start3A_144 = tpu.memref_slice %arg9[%dma_start3A_141, %dma_start3A_142, %dma_start3A_143] : memref<3x64x128xf32, #tpu.memory_space<vmem>> -> memref<1x64x128xf32, #tpu.memory_space<vmem>>
        %dma_start3A_145 = tpu.memref_squeeze %dma_start3A_144 : memref<1x64x128xf32, #tpu.memory_space<vmem>> -> memref<64x128xf32, #tpu.memory_space<vmem>>
        %dma_start3A_146 = arith.constant 0 : i32
        %dma_start3A_147 = tpu.memref_slice %arg7[%add3A_140, %dma_start3A_146] : memref<159x64xi32, #tpu.memory_space<vmem>> -> memref<1x64xi32, #tpu.memory_space<vmem>>
        %dma_start3A_148 = tpu.memref_squeeze %dma_start3A_147 : memref<1x64xi32, #tpu.memory_space<vmem>> -> memref<64xi32, #tpu.memory_space<vmem>>
        %dma_start3A_149 = arith.constant 0 : i32
        %dma_start3A_150 = arith.constant 0 : i32
        %dma_start3A_151 = tpu.memref_slice %arg2[%dma_start3A_149, %dma_start3A_150] : memref<10000x128xf32, #tpu.memory_space<hbm>> -> memref<10000x128xf32, #tpu.memory_space<hbm>>
        tpu.enqueue_indirect_dma source(%dma_start3A_151 : memref<10000x128xf32, #tpu.memory_space<hbm>>) target(%dma_start3A_145 : memref<64x128xf32, #tpu.memory_space<vmem>>) offsets(%dma_start3A_148 : memref<64xi32, #tpu.memory_space<vmem>>) semaphore(%arg13 : memref<!tpu.dma_semaphore, #tpu.memory_space<semaphore_mem>>)
      } else {
      }
    }
    %scan3A_48 = arith.constant 53 : i32
    %barrier3A_49 = arith.constant 0 : index
    tpu.barrier barrier_id(%barrier3A_49)
    %mul3A_50 = arith.constant 640 : i32
    %mul3A_51 = arith.muli %arg1, %mul3A_50 : i32
    %multiple_of3A_52 = tpu.assume_multiple %mul3A_51, 8 : i32
    %lt3A_53 = arith.constant 15 : i32
    %lt3A_54 = arith.cmpi slt, %arg1, %lt3A_53 : i32
    %convert_element_type3A_55 = arith.extui %lt3A_54 : i1 to i32
    %cond3A_56 = arith.constant 0 : i32
    %cond3A_57 = arith.cmpi ne, %convert_element_type3A_55, %cond3A_56 : i32
    scf.if %cond3A_57 {
      "tpu.region"() ({
        %run_scoped3A = tpu.sem_alloc : memref<!tpu.dma_semaphore, #tpu.memory_space<semaphore_mem>>
        %dma_start3A_63 = arith.constant 0 : i32
        %dma_start3A_64 = arith.constant 0 : i32
        %dma_start3A_65 = tpu.memref_slice %arg6[%arg0, %dma_start3A_63, %dma_start3A_64] : memref<2x10000x128xf32, #tpu.memory_space<hbm>> -> memref<1x10000x128xf32, #tpu.memory_space<hbm>>
        %dma_start3A_66 = tpu.memref_squeeze %dma_start3A_65 : memref<1x10000x128xf32, #tpu.memory_space<hbm>> -> memref<10000x128xf32, #tpu.memory_space<hbm>>
        %dma_start3A_67 = arith.constant 0 : i32
        %dma_start3A_68 = tpu.memref_slice %dma_start3A_66[%multiple_of3A_52, %dma_start3A_67] : memref<10000x128xf32, #tpu.memory_space<hbm>> -> memref<640x128xf32, #tpu.memory_space<hbm>>
        %dma_start3A_69 = arith.constant 0 : i32
        %dma_start3A_70 = tpu.memref_slice %arg10[%multiple_of3A_52, %dma_start3A_69] : memref<10016x128xf32, #tpu.memory_space<vmem_shared>> -> memref<640x128xf32, #tpu.memory_space<vmem_shared>>
        tpu.enqueue_dma source(%dma_start3A_70 : memref<640x128xf32, #tpu.memory_space<vmem_shared>>) target(%dma_start3A_68 : memref<640x128xf32, #tpu.memory_space<hbm>>) target_semaphore(%run_scoped3A : memref<!tpu.dma_semaphore, #tpu.memory_space<semaphore_mem>>)
        %dma_wait3A = arith.constant 0 : i32
        %dma_wait3A_71 = arith.constant 0 : i32
        %dma_wait3A_72 = tpu.memref_slice %arg6[%arg0, %dma_wait3A, %dma_wait3A_71] : memref<2x10000x128xf32, #tpu.memory_space<hbm>> -> memref<1x10000x128xf32, #tpu.memory_space<hbm>>
        %dma_wait3A_73 = tpu.memref_squeeze %dma_wait3A_72 : memref<1x10000x128xf32, #tpu.memory_space<hbm>> -> memref<10000x128xf32, #tpu.memory_space<hbm>>
        %dma_wait3A_74 = arith.constant 0 : i32
        %dma_wait3A_75 = tpu.memref_slice %dma_wait3A_73[%multiple_of3A_52, %dma_wait3A_74] : memref<10000x128xf32, #tpu.memory_space<hbm>> -> memref<640x128xf32, #tpu.memory_space<hbm>>
        %dma_wait3A_76 = arith.constant 0 : i32
        %dma_wait3A_77 = tpu.memref_slice %arg10[%multiple_of3A_52, %dma_wait3A_76] : memref<10016x128xf32, #tpu.memory_space<vmem_shared>> -> memref<640x128xf32, #tpu.memory_space<vmem_shared>>
        tpu.wait_dma2 semaphore(%run_scoped3A : memref<!tpu.dma_semaphore, #tpu.memory_space<semaphore_mem>>) src(%dma_wait3A_77 : memref<640x128xf32, #tpu.memory_space<vmem_shared>>) dst(%dma_wait3A_75 : memref<640x128xf32, #tpu.memory_space<hbm>>)
        tpu.yield
      }) : () -> ()
    } else {
    }
    %eq3A_58 = arith.constant 15 : i32
    %eq3A_59 = arith.cmpi eq, %arg1, %eq3A_58 : i32
    %convert_element_type3A_60 = arith.extui %eq3A_59 : i1 to i32
    %cond3A_61 = arith.constant 0 : i32
    %cond3A_62 = arith.cmpi ne, %convert_element_type3A_60, %cond3A_61 : i32
    scf.if %cond3A_62 {
      "tpu.region"() ({
        %run_scoped3A = tpu.sem_alloc : memref<!tpu.dma_semaphore, #tpu.memory_space<semaphore_mem>>
        %dma_start3A_63 = arith.constant 0 : i32
        %dma_start3A_64 = arith.constant 0 : i32
        %dma_start3A_65 = tpu.memref_slice %arg6[%arg0, %dma_start3A_63, %dma_start3A_64] : memref<2x10000x128xf32, #tpu.memory_space<hbm>> -> memref<1x10000x128xf32, #tpu.memory_space<hbm>>
        %dma_start3A_66 = tpu.memref_squeeze %dma_start3A_65 : memref<1x10000x128xf32, #tpu.memory_space<hbm>> -> memref<10000x128xf32, #tpu.memory_space<hbm>>
        %dma_start3A_67 = arith.constant 0 : i32
        %dma_start3A_68 = tpu.memref_slice %dma_start3A_66[%multiple_of3A_52, %dma_start3A_67] : memref<10000x128xf32, #tpu.memory_space<hbm>> -> memref<400x128xf32, #tpu.memory_space<hbm>>
        %dma_start3A_69 = arith.constant 0 : i32
        %dma_start3A_70 = tpu.memref_slice %arg10[%multiple_of3A_52, %dma_start3A_69] : memref<10016x128xf32, #tpu.memory_space<vmem_shared>> -> memref<400x128xf32, #tpu.memory_space<vmem_shared>>
        tpu.enqueue_dma source(%dma_start3A_70 : memref<400x128xf32, #tpu.memory_space<vmem_shared>>) target(%dma_start3A_68 : memref<400x128xf32, #tpu.memory_space<hbm>>) target_semaphore(%run_scoped3A : memref<!tpu.dma_semaphore, #tpu.memory_space<semaphore_mem>>)
        %dma_wait3A = arith.constant 0 : i32
        %dma_wait3A_71 = arith.constant 0 : i32
        %dma_wait3A_72 = tpu.memref_slice %arg6[%arg0, %dma_wait3A, %dma_wait3A_71] : memref<2x10000x128xf32, #tpu.memory_space<hbm>> -> memref<1x10000x128xf32, #tpu.memory_space<hbm>>
        %dma_wait3A_73 = tpu.memref_squeeze %dma_wait3A_72 : memref<1x10000x128xf32, #tpu.memory_space<hbm>> -> memref<10000x128xf32, #tpu.memory_space<hbm>>
        %dma_wait3A_74 = arith.constant 0 : i32
        %dma_wait3A_75 = tpu.memref_slice %dma_wait3A_73[%multiple_of3A_52, %dma_wait3A_74] : memref<10000x128xf32, #tpu.memory_space<hbm>> -> memref<400x128xf32, #tpu.memory_space<hbm>>
        %dma_wait3A_76 = arith.constant 0 : i32
        %dma_wait3A_77 = tpu.memref_slice %arg10[%multiple_of3A_52, %dma_wait3A_76] : memref<10016x128xf32, #tpu.memory_space<vmem_shared>> -> memref<400x128xf32, #tpu.memory_space<vmem_shared>>
        tpu.wait_dma2 semaphore(%run_scoped3A : memref<!tpu.dma_semaphore, #tpu.memory_space<semaphore_mem>>) src(%dma_wait3A_77 : memref<400x128xf32, #tpu.memory_space<vmem_shared>>) dst(%dma_wait3A_75 : memref<400x128xf32, #tpu.memory_space<hbm>>)
        tpu.yield
      }) : () -> ()
    } else {
    }
    return
  }
}

#map = affine_map<(d0, d1) -> (0, 0)>
#map1 = affine_map<(d0, d1) -> (0, 0, 0)>
module attributes {stable_mosaic.version = 14 : i64} {
  func.func @agg(%arg0: i32, %arg1: i32, %arg2: memref<10000x16xf32, #tpu.memory_space<hbm>>, %arg3: memref<32x159x64xi32, #tpu.memory_space<hbm>>, %arg4: memref<32x159x64xi32, #tpu.memory_space<hbm>>, %arg5: memref<10000x16xf32, #tpu.memory_space<hbm>>, %arg6: memref<2x10000x16xf32, #tpu.memory_space<hbm>>, %arg7: memref<159x64xi32, #tpu.memory_space<vmem>>, %arg8: memref<159x64xi32, #tpu.memory_space<vmem>>, %arg9: memref<3x64x16xf32, #tpu.memory_space<vmem>>, %arg10: memref<10016x16xf32, #tpu.memory_space<vmem_shared>>, %arg11: memref<!tpu.dma_semaphore, #tpu.memory_space<semaphore_mem>>, %arg12: memref<!tpu.dma_semaphore, #tpu.memory_space<semaphore_mem>>, %arg13: memref<!tpu.dma_semaphore, #tpu.memory_space<semaphore_mem>>) attributes {dimension_semantics = [#tpu.dimension_semantics<core_parallel>, #tpu.dimension_semantics<subcore_parallel>], iteration_bounds = array<i64: 2, 16>, scalar_prefetch = 0 : i64, scratch_operands = 7 : i64, tpu.core_type = #tpu.core_type<sc_vector_subcore>, window_params = [{transform_indices = #map}, {transform_indices = #map1}, {transform_indices = #map1}, {transform_indices = #map}, {transform_indices = #map1}]} {
    %mul3A = arith.constant 16 : i32
    %mul3A_0 = arith.muli %arg0, %mul3A : i32
    %add3A = arith.addi %mul3A_0, %arg1 : i32
    "tpu.region"() ({
      %run_scoped3A = tpu.sem_alloc : memref<!tpu.dma_semaphore, #tpu.memory_space<semaphore_mem>>
      %dma_start3A_63 = arith.constant 0 : i32
      %dma_start3A_64 = arith.constant 0 : i32
      %dma_start3A_65 = tpu.memref_slice %arg3[%add3A, %dma_start3A_63, %dma_start3A_64] : memref<32x159x64xi32, #tpu.memory_space<hbm>> -> memref<1x159x64xi32, #tpu.memory_space<hbm>>
      %dma_start3A_66 = tpu.memref_squeeze %dma_start3A_65 : memref<1x159x64xi32, #tpu.memory_space<hbm>> -> memref<159x64xi32, #tpu.memory_space<hbm>>
      %dma_start3A_67 = arith.constant 0 : i32
      %dma_start3A_68 = arith.constant 0 : i32
      %dma_start3A_69 = tpu.memref_slice %arg3[%add3A, %dma_start3A_67, %dma_start3A_68] : memref<32x159x64xi32, #tpu.memory_space<hbm>> -> memref<1x159x64xi32, #tpu.memory_space<hbm>>
      %dma_start3A_70 = tpu.memref_squeeze %dma_start3A_69 : memref<1x159x64xi32, #tpu.memory_space<hbm>> -> memref<159x64xi32, #tpu.memory_space<hbm>>
      tpu.enqueue_dma source(%dma_start3A_70 : memref<159x64xi32, #tpu.memory_space<hbm>>) target(%arg7 : memref<159x64xi32, #tpu.memory_space<vmem>>) target_semaphore(%run_scoped3A : memref<!tpu.dma_semaphore, #tpu.memory_space<semaphore_mem>>)
      %dma_wait3A = arith.constant 0 : i32
      %dma_wait3A_71 = arith.constant 0 : i32
      %dma_wait3A_72 = tpu.memref_slice %arg3[%add3A, %dma_wait3A, %dma_wait3A_71] : memref<32x159x64xi32, #tpu.memory_space<hbm>> -> memref<1x159x64xi32, #tpu.memory_space<hbm>>
      %dma_wait3A_73 = tpu.memref_squeeze %dma_wait3A_72 : memref<1x159x64xi32, #tpu.memory_space<hbm>> -> memref<159x64xi32, #tpu.memory_space<hbm>>
      %dma_wait3A_74 = arith.constant 0 : i32
      %dma_wait3A_75 = arith.constant 0 : i32
      %dma_wait3A_76 = tpu.memref_slice %arg3[%add3A, %dma_wait3A_74, %dma_wait3A_75] : memref<32x159x64xi32, #tpu.memory_space<hbm>> -> memref<1x159x64xi32, #tpu.memory_space<hbm>>
      %dma_wait3A_77 = tpu.memref_squeeze %dma_wait3A_76 : memref<1x159x64xi32, #tpu.memory_space<hbm>> -> memref<159x64xi32, #tpu.memory_space<hbm>>
      tpu.wait_dma2 semaphore(%run_scoped3A : memref<!tpu.dma_semaphore, #tpu.memory_space<semaphore_mem>>) src(%dma_wait3A_77 : memref<159x64xi32, #tpu.memory_space<hbm>>) dst(%arg7 : memref<159x64xi32, #tpu.memory_space<vmem>>)
      tpu.yield
    }) : () -> ()
    "tpu.region"() ({
      %run_scoped3A = tpu.sem_alloc : memref<!tpu.dma_semaphore, #tpu.memory_space<semaphore_mem>>
      %dma_start3A_63 = arith.constant 0 : i32
      %dma_start3A_64 = arith.constant 0 : i32
      %dma_start3A_65 = tpu.memref_slice %arg4[%add3A, %dma_start3A_63, %dma_start3A_64] : memref<32x159x64xi32, #tpu.memory_space<hbm>> -> memref<1x159x64xi32, #tpu.memory_space<hbm>>
      %dma_start3A_66 = tpu.memref_squeeze %dma_start3A_65 : memref<1x159x64xi32, #tpu.memory_space<hbm>> -> memref<159x64xi32, #tpu.memory_space<hbm>>
      %dma_start3A_67 = arith.constant 0 : i32
      %dma_start3A_68 = arith.constant 0 : i32
      %dma_start3A_69 = tpu.memref_slice %arg4[%add3A, %dma_start3A_67, %dma_start3A_68] : memref<32x159x64xi32, #tpu.memory_space<hbm>> -> memref<1x159x64xi32, #tpu.memory_space<hbm>>
      %dma_start3A_70 = tpu.memref_squeeze %dma_start3A_69 : memref<1x159x64xi32, #tpu.memory_space<hbm>> -> memref<159x64xi32, #tpu.memory_space<hbm>>
      tpu.enqueue_dma source(%dma_start3A_70 : memref<159x64xi32, #tpu.memory_space<hbm>>) target(%arg8 : memref<159x64xi32, #tpu.memory_space<vmem>>) target_semaphore(%run_scoped3A : memref<!tpu.dma_semaphore, #tpu.memory_space<semaphore_mem>>)
      %dma_wait3A = arith.constant 0 : i32
      %dma_wait3A_71 = arith.constant 0 : i32
      %dma_wait3A_72 = tpu.memref_slice %arg4[%add3A, %dma_wait3A, %dma_wait3A_71] : memref<32x159x64xi32, #tpu.memory_space<hbm>> -> memref<1x159x64xi32, #tpu.memory_space<hbm>>
      %dma_wait3A_73 = tpu.memref_squeeze %dma_wait3A_72 : memref<1x159x64xi32, #tpu.memory_space<hbm>> -> memref<159x64xi32, #tpu.memory_space<hbm>>
      %dma_wait3A_74 = arith.constant 0 : i32
      %dma_wait3A_75 = arith.constant 0 : i32
      %dma_wait3A_76 = tpu.memref_slice %arg4[%add3A, %dma_wait3A_74, %dma_wait3A_75] : memref<32x159x64xi32, #tpu.memory_space<hbm>> -> memref<1x159x64xi32, #tpu.memory_space<hbm>>
      %dma_wait3A_77 = tpu.memref_squeeze %dma_wait3A_76 : memref<1x159x64xi32, #tpu.memory_space<hbm>> -> memref<159x64xi32, #tpu.memory_space<hbm>>
      tpu.wait_dma2 semaphore(%run_scoped3A : memref<!tpu.dma_semaphore, #tpu.memory_space<semaphore_mem>>) src(%dma_wait3A_77 : memref<159x64xi32, #tpu.memory_space<hbm>>) dst(%arg8 : memref<159x64xi32, #tpu.memory_space<vmem>>)
      tpu.yield
    }) : () -> ()
    %mul3A_1 = arith.constant 640 : i32
    %mul3A_2 = arith.muli %arg1, %mul3A_1 : i32
    %multiple_of3A = tpu.assume_multiple %mul3A_2, 8 : i32
    %lt3A = arith.constant 15 : i32
    %lt3A_3 = arith.cmpi slt, %arg1, %lt3A : i32
    %convert_element_type3A = arith.extui %lt3A_3 : i1 to i32
    %cond3A = arith.constant 0 : i32
    %cond3A_4 = arith.cmpi ne, %convert_element_type3A, %cond3A : i32
    scf.if %cond3A_4 {
      "tpu.region"() ({
        %run_scoped3A = tpu.sem_alloc : memref<!tpu.dma_semaphore, #tpu.memory_space<semaphore_mem>>
        %dma_start3A_63 = arith.constant 0 : i32
        %dma_start3A_64 = tpu.memref_slice %arg10[%multiple_of3A, %dma_start3A_63] : memref<10016x16xf32, #tpu.memory_space<vmem_shared>> -> memref<640x16xf32, #tpu.memory_space<vmem_shared>>
        %dma_start3A_65 = arith.constant 0 : i32
        %dma_start3A_66 = tpu.memref_slice %arg5[%multiple_of3A, %dma_start3A_65] : memref<10000x16xf32, #tpu.memory_space<hbm>> -> memref<640x16xf32, #tpu.memory_space<hbm>>
        tpu.enqueue_dma source(%dma_start3A_66 : memref<640x16xf32, #tpu.memory_space<hbm>>) target(%dma_start3A_64 : memref<640x16xf32, #tpu.memory_space<vmem_shared>>) target_semaphore(%run_scoped3A : memref<!tpu.dma_semaphore, #tpu.memory_space<semaphore_mem>>)
        %dma_wait3A = arith.constant 0 : i32
        %dma_wait3A_67 = tpu.memref_slice %arg10[%multiple_of3A, %dma_wait3A] : memref<10016x16xf32, #tpu.memory_space<vmem_shared>> -> memref<640x16xf32, #tpu.memory_space<vmem_shared>>
        %dma_wait3A_68 = arith.constant 0 : i32
        %dma_wait3A_69 = tpu.memref_slice %arg5[%multiple_of3A, %dma_wait3A_68] : memref<10000x16xf32, #tpu.memory_space<hbm>> -> memref<640x16xf32, #tpu.memory_space<hbm>>
        tpu.wait_dma2 semaphore(%run_scoped3A : memref<!tpu.dma_semaphore, #tpu.memory_space<semaphore_mem>>) src(%dma_wait3A_69 : memref<640x16xf32, #tpu.memory_space<hbm>>) dst(%dma_wait3A_67 : memref<640x16xf32, #tpu.memory_space<vmem_shared>>)
        tpu.yield
      }) : () -> ()
    } else {
    }
    %eq3A = arith.constant 15 : i32
    %eq3A_5 = arith.cmpi eq, %arg1, %eq3A : i32
    %convert_element_type3A_6 = arith.extui %eq3A_5 : i1 to i32
    %cond3A_7 = arith.constant 0 : i32
    %cond3A_8 = arith.cmpi ne, %convert_element_type3A_6, %cond3A_7 : i32
    scf.if %cond3A_8 {
      "tpu.region"() ({
        %run_scoped3A = tpu.sem_alloc : memref<!tpu.dma_semaphore, #tpu.memory_space<semaphore_mem>>
        %dma_start3A_63 = arith.constant 0 : i32
        %dma_start3A_64 = tpu.memref_slice %arg10[%multiple_of3A, %dma_start3A_63] : memref<10016x16xf32, #tpu.memory_space<vmem_shared>> -> memref<400x16xf32, #tpu.memory_space<vmem_shared>>
        %dma_start3A_65 = arith.constant 0 : i32
        %dma_start3A_66 = tpu.memref_slice %arg5[%multiple_of3A, %dma_start3A_65] : memref<10000x16xf32, #tpu.memory_space<hbm>> -> memref<400x16xf32, #tpu.memory_space<hbm>>
        tpu.enqueue_dma source(%dma_start3A_66 : memref<400x16xf32, #tpu.memory_space<hbm>>) target(%dma_start3A_64 : memref<400x16xf32, #tpu.memory_space<vmem_shared>>) target_semaphore(%run_scoped3A : memref<!tpu.dma_semaphore, #tpu.memory_space<semaphore_mem>>)
        %dma_wait3A = arith.constant 0 : i32
        %dma_wait3A_67 = tpu.memref_slice %arg10[%multiple_of3A, %dma_wait3A] : memref<10016x16xf32, #tpu.memory_space<vmem_shared>> -> memref<400x16xf32, #tpu.memory_space<vmem_shared>>
        %dma_wait3A_68 = arith.constant 0 : i32
        %dma_wait3A_69 = tpu.memref_slice %arg5[%multiple_of3A, %dma_wait3A_68] : memref<10000x16xf32, #tpu.memory_space<hbm>> -> memref<400x16xf32, #tpu.memory_space<hbm>>
        tpu.wait_dma2 semaphore(%run_scoped3A : memref<!tpu.dma_semaphore, #tpu.memory_space<semaphore_mem>>) src(%dma_wait3A_69 : memref<400x16xf32, #tpu.memory_space<hbm>>) dst(%dma_wait3A_67 : memref<400x16xf32, #tpu.memory_space<vmem_shared>>)
        tpu.yield
      }) : () -> ()
    } else {
    }
    %barrier3A = arith.constant 0 : index
    tpu.barrier barrier_id(%barrier3A)
    %dma_start3A = arith.constant 0 : i32
    %dma_start3A_9 = arith.constant 0 : i32
    %dma_start3A_10 = arith.constant 0 : i32
    %dma_start3A_11 = arith.constant 0 : i32
    %dma_start3A_12 = tpu.memref_slice %arg9[%dma_start3A_9, %dma_start3A_10, %dma_start3A_11] : memref<3x64x16xf32, #tpu.memory_space<vmem>> -> memref<1x64x16xf32, #tpu.memory_space<vmem>>
    %dma_start3A_13 = tpu.memref_squeeze %dma_start3A_12 : memref<1x64x16xf32, #tpu.memory_space<vmem>> -> memref<64x16xf32, #tpu.memory_space<vmem>>
    %dma_start3A_14 = arith.constant 0 : i32
    %dma_start3A_15 = tpu.memref_slice %arg7[%dma_start3A, %dma_start3A_14] : memref<159x64xi32, #tpu.memory_space<vmem>> -> memref<1x64xi32, #tpu.memory_space<vmem>>
    %dma_start3A_16 = tpu.memref_squeeze %dma_start3A_15 : memref<1x64xi32, #tpu.memory_space<vmem>> -> memref<64xi32, #tpu.memory_space<vmem>>
    %dma_start3A_17 = arith.constant 0 : i32
    %dma_start3A_18 = arith.constant 0 : i32
    %dma_start3A_19 = tpu.memref_slice %arg2[%dma_start3A_17, %dma_start3A_18] : memref<10000x16xf32, #tpu.memory_space<hbm>> -> memref<10000x16xf32, #tpu.memory_space<hbm>>
    tpu.enqueue_indirect_dma source(%dma_start3A_19 : memref<10000x16xf32, #tpu.memory_space<hbm>>) target(%dma_start3A_13 : memref<64x16xf32, #tpu.memory_space<vmem>>) offsets(%dma_start3A_16 : memref<64xi32, #tpu.memory_space<vmem>>) semaphore(%arg11 : memref<!tpu.dma_semaphore, #tpu.memory_space<semaphore_mem>>)
    %dma_start3A_20 = arith.constant 1 : i32
    %dma_start3A_21 = arith.constant 1 : i32
    %dma_start3A_22 = arith.constant 0 : i32
    %dma_start3A_23 = arith.constant 0 : i32
    %dma_start3A_24 = tpu.memref_slice %arg9[%dma_start3A_21, %dma_start3A_22, %dma_start3A_23] : memref<3x64x16xf32, #tpu.memory_space<vmem>> -> memref<1x64x16xf32, #tpu.memory_space<vmem>>
    %dma_start3A_25 = tpu.memref_squeeze %dma_start3A_24 : memref<1x64x16xf32, #tpu.memory_space<vmem>> -> memref<64x16xf32, #tpu.memory_space<vmem>>
    %dma_start3A_26 = arith.constant 0 : i32
    %dma_start3A_27 = tpu.memref_slice %arg7[%dma_start3A_20, %dma_start3A_26] : memref<159x64xi32, #tpu.memory_space<vmem>> -> memref<1x64xi32, #tpu.memory_space<vmem>>
    %dma_start3A_28 = tpu.memref_squeeze %dma_start3A_27 : memref<1x64xi32, #tpu.memory_space<vmem>> -> memref<64xi32, #tpu.memory_space<vmem>>
    %dma_start3A_29 = arith.constant 0 : i32
    %dma_start3A_30 = arith.constant 0 : i32
    %dma_start3A_31 = tpu.memref_slice %arg2[%dma_start3A_29, %dma_start3A_30] : memref<10000x16xf32, #tpu.memory_space<hbm>> -> memref<10000x16xf32, #tpu.memory_space<hbm>>
    tpu.enqueue_indirect_dma source(%dma_start3A_31 : memref<10000x16xf32, #tpu.memory_space<hbm>>) target(%dma_start3A_25 : memref<64x16xf32, #tpu.memory_space<vmem>>) offsets(%dma_start3A_28 : memref<64xi32, #tpu.memory_space<vmem>>) semaphore(%arg12 : memref<!tpu.dma_semaphore, #tpu.memory_space<semaphore_mem>>)
    %dma_start3A_32 = arith.constant 2 : i32
    %dma_start3A_33 = arith.constant 2 : i32
    %dma_start3A_34 = arith.constant 0 : i32
    %dma_start3A_35 = arith.constant 0 : i32
    %dma_start3A_36 = tpu.memref_slice %arg9[%dma_start3A_33, %dma_start3A_34, %dma_start3A_35] : memref<3x64x16xf32, #tpu.memory_space<vmem>> -> memref<1x64x16xf32, #tpu.memory_space<vmem>>
    %dma_start3A_37 = tpu.memref_squeeze %dma_start3A_36 : memref<1x64x16xf32, #tpu.memory_space<vmem>> -> memref<64x16xf32, #tpu.memory_space<vmem>>
    %dma_start3A_38 = arith.constant 0 : i32
    %dma_start3A_39 = tpu.memref_slice %arg7[%dma_start3A_32, %dma_start3A_38] : memref<159x64xi32, #tpu.memory_space<vmem>> -> memref<1x64xi32, #tpu.memory_space<vmem>>
    %dma_start3A_40 = tpu.memref_squeeze %dma_start3A_39 : memref<1x64xi32, #tpu.memory_space<vmem>> -> memref<64xi32, #tpu.memory_space<vmem>>
    %dma_start3A_41 = arith.constant 0 : i32
    %dma_start3A_42 = arith.constant 0 : i32
    %dma_start3A_43 = tpu.memref_slice %arg2[%dma_start3A_41, %dma_start3A_42] : memref<10000x16xf32, #tpu.memory_space<hbm>> -> memref<10000x16xf32, #tpu.memory_space<hbm>>
    tpu.enqueue_indirect_dma source(%dma_start3A_43 : memref<10000x16xf32, #tpu.memory_space<hbm>>) target(%dma_start3A_37 : memref<64x16xf32, #tpu.memory_space<vmem>>) offsets(%dma_start3A_40 : memref<64xi32, #tpu.memory_space<vmem>>) semaphore(%arg13 : memref<!tpu.dma_semaphore, #tpu.memory_space<semaphore_mem>>)
    %scan3A = arith.constant 0 : i32
    %scan3A_44 = arith.constant 0 : i32
    %scan3A_45 = arith.constant 53 : i32
    %scan3A_46 = arith.addi %scan3A_44, %scan3A_45 : i32
    %scan3A_47 = arith.constant 1 : i32
    scf.for %scan3A_63 = %scan3A_44 to %scan3A_46 step %scan3A_47  : i32 {
      %mul3A_64 = arith.constant 3 : i32
      %mul3A_65 = arith.muli %mul3A_64, %scan3A_63 : i32
      %add3A_66 = arith.constant 0 : i32
      %add3A_67 = arith.addi %mul3A_65, %add3A_66 : i32
      %dma_wait3A = arith.constant 0 : i32
      %dma_wait3A_68 = arith.constant 0 : i32
      %dma_wait3A_69 = arith.constant 0 : i32
      %dma_wait3A_70 = tpu.memref_slice %arg9[%dma_wait3A, %dma_wait3A_68, %dma_wait3A_69] : memref<3x64x16xf32, #tpu.memory_space<vmem>> -> memref<1x64x16xf32, #tpu.memory_space<vmem>>
      %dma_wait3A_71 = tpu.memref_squeeze %dma_wait3A_70 : memref<1x64x16xf32, #tpu.memory_space<vmem>> -> memref<64x16xf32, #tpu.memory_space<vmem>>
      %dma_wait3A_72 = arith.constant 0 : i32
      %dma_wait3A_73 = arith.constant 0 : i32
      %dma_wait3A_74 = tpu.memref_slice %arg2[%dma_wait3A_72, %dma_wait3A_73] : memref<10000x16xf32, #tpu.memory_space<hbm>> -> memref<64x16xf32, #tpu.memory_space<hbm>>
      %dma_wait3A_75 = arith.constant 0 : i32
      %dma_wait3A_76 = arith.constant 0 : i32
      %dma_wait3A_77 = tpu.memref_slice %arg9[%dma_wait3A, %dma_wait3A_75, %dma_wait3A_76] : memref<3x64x16xf32, #tpu.memory_space<vmem>> -> memref<1x64x16xf32, #tpu.memory_space<vmem>>
      %dma_wait3A_78 = tpu.memref_squeeze %dma_wait3A_77 : memref<1x64x16xf32, #tpu.memory_space<vmem>> -> memref<64x16xf32, #tpu.memory_space<vmem>>
      %dma_wait3A_79 = arith.constant 0 : i32
      %dma_wait3A_80 = arith.constant 0 : i32
      %dma_wait3A_81 = tpu.memref_slice %arg2[%dma_wait3A_79, %dma_wait3A_80] : memref<10000x16xf32, #tpu.memory_space<hbm>> -> memref<64x16xf32, #tpu.memory_space<hbm>>
      tpu.wait_dma2 semaphore(%arg11 : memref<!tpu.dma_semaphore, #tpu.memory_space<semaphore_mem>>) src(%dma_wait3A_81 : memref<64x16xf32, #tpu.memory_space<hbm>>) dst(%dma_wait3A_78 : memref<64x16xf32, #tpu.memory_space<vmem>>)
      %run_scoped3A = arith.constant 0 : i32
      "tpu.region"() ({
        %run_scoped3A_139 = tpu.sem_alloc : memref<!tpu.dma_semaphore, #tpu.memory_space<semaphore_mem>>
        %dma_start3A_140 = arith.constant 0 : i32
        %dma_start3A_141 = arith.constant 0 : i32
        %dma_start3A_142 = tpu.memref_slice %arg9[%run_scoped3A, %dma_start3A_140, %dma_start3A_141] : memref<3x64x16xf32, #tpu.memory_space<vmem>> -> memref<1x64x16xf32, #tpu.memory_space<vmem>>
        %dma_start3A_143 = tpu.memref_squeeze %dma_start3A_142 : memref<1x64x16xf32, #tpu.memory_space<vmem>> -> memref<64x16xf32, #tpu.memory_space<vmem>>
        %dma_start3A_144 = arith.constant 0 : i32
        %dma_start3A_145 = tpu.memref_slice %arg8[%add3A_67, %dma_start3A_144] : memref<159x64xi32, #tpu.memory_space<vmem>> -> memref<1x64xi32, #tpu.memory_space<vmem>>
        %dma_start3A_146 = tpu.memref_squeeze %dma_start3A_145 : memref<1x64xi32, #tpu.memory_space<vmem>> -> memref<64xi32, #tpu.memory_space<vmem>>
        %dma_start3A_147 = arith.constant 0 : i32
        %dma_start3A_148 = arith.constant 0 : i32
        %dma_start3A_149 = tpu.memref_slice %arg10[%dma_start3A_147, %dma_start3A_148] : memref<10016x16xf32, #tpu.memory_space<vmem_shared>> -> memref<10016x16xf32, #tpu.memory_space<vmem_shared>>
        tpu.enqueue_indirect_dma source(%dma_start3A_143 : memref<64x16xf32, #tpu.memory_space<vmem>>) target(%dma_start3A_149 : memref<10016x16xf32, #tpu.memory_space<vmem_shared>>) offsets(%dma_start3A_146 : memref<64xi32, #tpu.memory_space<vmem>>) semaphore(%run_scoped3A_139 : memref<!tpu.dma_semaphore, #tpu.memory_space<semaphore_mem>>) {add = true}
        %dma_wait3A_150 = arith.constant 0 : i32
        %dma_wait3A_151 = arith.constant 0 : i32
        %dma_wait3A_152 = tpu.memref_slice %arg9[%run_scoped3A, %dma_wait3A_150, %dma_wait3A_151] : memref<3x64x16xf32, #tpu.memory_space<vmem>> -> memref<1x64x16xf32, #tpu.memory_space<vmem>>
        %dma_wait3A_153 = tpu.memref_squeeze %dma_wait3A_152 : memref<1x64x16xf32, #tpu.memory_space<vmem>> -> memref<64x16xf32, #tpu.memory_space<vmem>>
        %dma_wait3A_154 = arith.constant 0 : i32
        %dma_wait3A_155 = tpu.memref_slice %arg8[%add3A_67, %dma_wait3A_154] : memref<159x64xi32, #tpu.memory_space<vmem>> -> memref<1x64xi32, #tpu.memory_space<vmem>>
        %dma_wait3A_156 = tpu.memref_squeeze %dma_wait3A_155 : memref<1x64xi32, #tpu.memory_space<vmem>> -> memref<64xi32, #tpu.memory_space<vmem>>
        %dma_wait3A_157 = arith.constant 0 : i32
        %dma_wait3A_158 = arith.constant 0 : i32
        %dma_wait3A_159 = tpu.memref_slice %arg10[%dma_wait3A_157, %dma_wait3A_158] : memref<10016x16xf32, #tpu.memory_space<vmem_shared>> -> memref<10016x16xf32, #tpu.memory_space<vmem_shared>>
        tpu.wait_indirect_dma semaphore(%run_scoped3A_139 : memref<!tpu.dma_semaphore, #tpu.memory_space<semaphore_mem>>) src(%dma_wait3A_153 : memref<64x16xf32, #tpu.memory_space<vmem>>) dst(%dma_wait3A_159 : memref<10016x16xf32, #tpu.memory_space<vmem_shared>>)
        tpu.yield
      }) : () -> ()
      %add3A_82 = arith.constant 3 : i32
      %add3A_83 = arith.addi %add3A_67, %add3A_82 : i32
      %lt3A_84 = arith.constant 159 : i32
      %lt3A_85 = arith.cmpi slt, %add3A_83, %lt3A_84 : i32
      %convert_element_type3A_86 = arith.extui %lt3A_85 : i1 to i32
      %cond3A_87 = arith.constant 0 : i32
      %cond3A_88 = arith.cmpi ne, %convert_element_type3A_86, %cond3A_87 : i32
      scf.if %cond3A_88 {
        %add3A_139 = arith.constant 3 : i32
        %add3A_140 = arith.addi %add3A_67, %add3A_139 : i32
        %dma_start3A_141 = arith.constant 0 : i32
        %dma_start3A_142 = arith.constant 0 : i32
        %dma_start3A_143 = arith.constant 0 : i32
        %dma_start3A_144 = tpu.memref_slice %arg9[%dma_start3A_141, %dma_start3A_142, %dma_start3A_143] : memref<3x64x16xf32, #tpu.memory_space<vmem>> -> memref<1x64x16xf32, #tpu.memory_space<vmem>>
        %dma_start3A_145 = tpu.memref_squeeze %dma_start3A_144 : memref<1x64x16xf32, #tpu.memory_space<vmem>> -> memref<64x16xf32, #tpu.memory_space<vmem>>
        %dma_start3A_146 = arith.constant 0 : i32
        %dma_start3A_147 = tpu.memref_slice %arg7[%add3A_140, %dma_start3A_146] : memref<159x64xi32, #tpu.memory_space<vmem>> -> memref<1x64xi32, #tpu.memory_space<vmem>>
        %dma_start3A_148 = tpu.memref_squeeze %dma_start3A_147 : memref<1x64xi32, #tpu.memory_space<vmem>> -> memref<64xi32, #tpu.memory_space<vmem>>
        %dma_start3A_149 = arith.constant 0 : i32
        %dma_start3A_150 = arith.constant 0 : i32
        %dma_start3A_151 = tpu.memref_slice %arg2[%dma_start3A_149, %dma_start3A_150] : memref<10000x16xf32, #tpu.memory_space<hbm>> -> memref<10000x16xf32, #tpu.memory_space<hbm>>
        tpu.enqueue_indirect_dma source(%dma_start3A_151 : memref<10000x16xf32, #tpu.memory_space<hbm>>) target(%dma_start3A_145 : memref<64x16xf32, #tpu.memory_space<vmem>>) offsets(%dma_start3A_148 : memref<64xi32, #tpu.memory_space<vmem>>) semaphore(%arg11 : memref<!tpu.dma_semaphore, #tpu.memory_space<semaphore_mem>>)
      } else {
      }
      %add3A_89 = arith.constant 1 : i32
      %add3A_90 = arith.addi %mul3A_65, %add3A_89 : i32
      %dma_wait3A_91 = arith.constant 1 : i32
      %dma_wait3A_92 = arith.constant 0 : i32
      %dma_wait3A_93 = arith.constant 0 : i32
      %dma_wait3A_94 = tpu.memref_slice %arg9[%dma_wait3A_91, %dma_wait3A_92, %dma_wait3A_93] : memref<3x64x16xf32, #tpu.memory_space<vmem>> -> memref<1x64x16xf32, #tpu.memory_space<vmem>>
      %dma_wait3A_95 = tpu.memref_squeeze %dma_wait3A_94 : memref<1x64x16xf32, #tpu.memory_space<vmem>> -> memref<64x16xf32, #tpu.memory_space<vmem>>
      %dma_wait3A_96 = arith.constant 0 : i32
      %dma_wait3A_97 = arith.constant 0 : i32
      %dma_wait3A_98 = tpu.memref_slice %arg2[%dma_wait3A_96, %dma_wait3A_97] : memref<10000x16xf32, #tpu.memory_space<hbm>> -> memref<64x16xf32, #tpu.memory_space<hbm>>
      %dma_wait3A_99 = arith.constant 0 : i32
      %dma_wait3A_100 = arith.constant 0 : i32
      %dma_wait3A_101 = tpu.memref_slice %arg9[%dma_wait3A_91, %dma_wait3A_99, %dma_wait3A_100] : memref<3x64x16xf32, #tpu.memory_space<vmem>> -> memref<1x64x16xf32, #tpu.memory_space<vmem>>
      %dma_wait3A_102 = tpu.memref_squeeze %dma_wait3A_101 : memref<1x64x16xf32, #tpu.memory_space<vmem>> -> memref<64x16xf32, #tpu.memory_space<vmem>>
      %dma_wait3A_103 = arith.constant 0 : i32
      %dma_wait3A_104 = arith.constant 0 : i32
      %dma_wait3A_105 = tpu.memref_slice %arg2[%dma_wait3A_103, %dma_wait3A_104] : memref<10000x16xf32, #tpu.memory_space<hbm>> -> memref<64x16xf32, #tpu.memory_space<hbm>>
      tpu.wait_dma2 semaphore(%arg12 : memref<!tpu.dma_semaphore, #tpu.memory_space<semaphore_mem>>) src(%dma_wait3A_105 : memref<64x16xf32, #tpu.memory_space<hbm>>) dst(%dma_wait3A_102 : memref<64x16xf32, #tpu.memory_space<vmem>>)
      %run_scoped3A_106 = arith.constant 1 : i32
      "tpu.region"() ({
        %run_scoped3A_139 = tpu.sem_alloc : memref<!tpu.dma_semaphore, #tpu.memory_space<semaphore_mem>>
        %dma_start3A_140 = arith.constant 0 : i32
        %dma_start3A_141 = arith.constant 0 : i32
        %dma_start3A_142 = tpu.memref_slice %arg9[%run_scoped3A_106, %dma_start3A_140, %dma_start3A_141] : memref<3x64x16xf32, #tpu.memory_space<vmem>> -> memref<1x64x16xf32, #tpu.memory_space<vmem>>
        %dma_start3A_143 = tpu.memref_squeeze %dma_start3A_142 : memref<1x64x16xf32, #tpu.memory_space<vmem>> -> memref<64x16xf32, #tpu.memory_space<vmem>>
        %dma_start3A_144 = arith.constant 0 : i32
        %dma_start3A_145 = tpu.memref_slice %arg8[%add3A_90, %dma_start3A_144] : memref<159x64xi32, #tpu.memory_space<vmem>> -> memref<1x64xi32, #tpu.memory_space<vmem>>
        %dma_start3A_146 = tpu.memref_squeeze %dma_start3A_145 : memref<1x64xi32, #tpu.memory_space<vmem>> -> memref<64xi32, #tpu.memory_space<vmem>>
        %dma_start3A_147 = arith.constant 0 : i32
        %dma_start3A_148 = arith.constant 0 : i32
        %dma_start3A_149 = tpu.memref_slice %arg10[%dma_start3A_147, %dma_start3A_148] : memref<10016x16xf32, #tpu.memory_space<vmem_shared>> -> memref<10016x16xf32, #tpu.memory_space<vmem_shared>>
        tpu.enqueue_indirect_dma source(%dma_start3A_143 : memref<64x16xf32, #tpu.memory_space<vmem>>) target(%dma_start3A_149 : memref<10016x16xf32, #tpu.memory_space<vmem_shared>>) offsets(%dma_start3A_146 : memref<64xi32, #tpu.memory_space<vmem>>) semaphore(%run_scoped3A_139 : memref<!tpu.dma_semaphore, #tpu.memory_space<semaphore_mem>>) {add = true}
        %dma_wait3A_150 = arith.constant 0 : i32
        %dma_wait3A_151 = arith.constant 0 : i32
        %dma_wait3A_152 = tpu.memref_slice %arg9[%run_scoped3A_106, %dma_wait3A_150, %dma_wait3A_151] : memref<3x64x16xf32, #tpu.memory_space<vmem>> -> memref<1x64x16xf32, #tpu.memory_space<vmem>>
        %dma_wait3A_153 = tpu.memref_squeeze %dma_wait3A_152 : memref<1x64x16xf32, #tpu.memory_space<vmem>> -> memref<64x16xf32, #tpu.memory_space<vmem>>
        %dma_wait3A_154 = arith.constant 0 : i32
        %dma_wait3A_155 = tpu.memref_slice %arg8[%add3A_90, %dma_wait3A_154] : memref<159x64xi32, #tpu.memory_space<vmem>> -> memref<1x64xi32, #tpu.memory_space<vmem>>
        %dma_wait3A_156 = tpu.memref_squeeze %dma_wait3A_155 : memref<1x64xi32, #tpu.memory_space<vmem>> -> memref<64xi32, #tpu.memory_space<vmem>>
        %dma_wait3A_157 = arith.constant 0 : i32
        %dma_wait3A_158 = arith.constant 0 : i32
        %dma_wait3A_159 = tpu.memref_slice %arg10[%dma_wait3A_157, %dma_wait3A_158] : memref<10016x16xf32, #tpu.memory_space<vmem_shared>> -> memref<10016x16xf32, #tpu.memory_space<vmem_shared>>
        tpu.wait_indirect_dma semaphore(%run_scoped3A_139 : memref<!tpu.dma_semaphore, #tpu.memory_space<semaphore_mem>>) src(%dma_wait3A_153 : memref<64x16xf32, #tpu.memory_space<vmem>>) dst(%dma_wait3A_159 : memref<10016x16xf32, #tpu.memory_space<vmem_shared>>)
        tpu.yield
      }) : () -> ()
      %add3A_107 = arith.constant 3 : i32
      %add3A_108 = arith.addi %add3A_90, %add3A_107 : i32
      %lt3A_109 = arith.constant 159 : i32
      %lt3A_110 = arith.cmpi slt, %add3A_108, %lt3A_109 : i32
      %convert_element_type3A_111 = arith.extui %lt3A_110 : i1 to i32
      %cond3A_112 = arith.constant 0 : i32
      %cond3A_113 = arith.cmpi ne, %convert_element_type3A_111, %cond3A_112 : i32
      scf.if %cond3A_113 {
        %add3A_139 = arith.constant 3 : i32
        %add3A_140 = arith.addi %add3A_90, %add3A_139 : i32
        %dma_start3A_141 = arith.constant 1 : i32
        %dma_start3A_142 = arith.constant 0 : i32
        %dma_start3A_143 = arith.constant 0 : i32
        %dma_start3A_144 = tpu.memref_slice %arg9[%dma_start3A_141, %dma_start3A_142, %dma_start3A_143] : memref<3x64x16xf32, #tpu.memory_space<vmem>> -> memref<1x64x16xf32, #tpu.memory_space<vmem>>
        %dma_start3A_145 = tpu.memref_squeeze %dma_start3A_144 : memref<1x64x16xf32, #tpu.memory_space<vmem>> -> memref<64x16xf32, #tpu.memory_space<vmem>>
        %dma_start3A_146 = arith.constant 0 : i32
        %dma_start3A_147 = tpu.memref_slice %arg7[%add3A_140, %dma_start3A_146] : memref<159x64xi32, #tpu.memory_space<vmem>> -> memref<1x64xi32, #tpu.memory_space<vmem>>
        %dma_start3A_148 = tpu.memref_squeeze %dma_start3A_147 : memref<1x64xi32, #tpu.memory_space<vmem>> -> memref<64xi32, #tpu.memory_space<vmem>>
        %dma_start3A_149 = arith.constant 0 : i32
        %dma_start3A_150 = arith.constant 0 : i32
        %dma_start3A_151 = tpu.memref_slice %arg2[%dma_start3A_149, %dma_start3A_150] : memref<10000x16xf32, #tpu.memory_space<hbm>> -> memref<10000x16xf32, #tpu.memory_space<hbm>>
        tpu.enqueue_indirect_dma source(%dma_start3A_151 : memref<10000x16xf32, #tpu.memory_space<hbm>>) target(%dma_start3A_145 : memref<64x16xf32, #tpu.memory_space<vmem>>) offsets(%dma_start3A_148 : memref<64xi32, #tpu.memory_space<vmem>>) semaphore(%arg12 : memref<!tpu.dma_semaphore, #tpu.memory_space<semaphore_mem>>)
      } else {
      }
      %add3A_114 = arith.constant 2 : i32
      %add3A_115 = arith.addi %mul3A_65, %add3A_114 : i32
      %dma_wait3A_116 = arith.constant 2 : i32
      %dma_wait3A_117 = arith.constant 0 : i32
      %dma_wait3A_118 = arith.constant 0 : i32
      %dma_wait3A_119 = tpu.memref_slice %arg9[%dma_wait3A_116, %dma_wait3A_117, %dma_wait3A_118] : memref<3x64x16xf32, #tpu.memory_space<vmem>> -> memref<1x64x16xf32, #tpu.memory_space<vmem>>
      %dma_wait3A_120 = tpu.memref_squeeze %dma_wait3A_119 : memref<1x64x16xf32, #tpu.memory_space<vmem>> -> memref<64x16xf32, #tpu.memory_space<vmem>>
      %dma_wait3A_121 = arith.constant 0 : i32
      %dma_wait3A_122 = arith.constant 0 : i32
      %dma_wait3A_123 = tpu.memref_slice %arg2[%dma_wait3A_121, %dma_wait3A_122] : memref<10000x16xf32, #tpu.memory_space<hbm>> -> memref<64x16xf32, #tpu.memory_space<hbm>>
      %dma_wait3A_124 = arith.constant 0 : i32
      %dma_wait3A_125 = arith.constant 0 : i32
      %dma_wait3A_126 = tpu.memref_slice %arg9[%dma_wait3A_116, %dma_wait3A_124, %dma_wait3A_125] : memref<3x64x16xf32, #tpu.memory_space<vmem>> -> memref<1x64x16xf32, #tpu.memory_space<vmem>>
      %dma_wait3A_127 = tpu.memref_squeeze %dma_wait3A_126 : memref<1x64x16xf32, #tpu.memory_space<vmem>> -> memref<64x16xf32, #tpu.memory_space<vmem>>
      %dma_wait3A_128 = arith.constant 0 : i32
      %dma_wait3A_129 = arith.constant 0 : i32
      %dma_wait3A_130 = tpu.memref_slice %arg2[%dma_wait3A_128, %dma_wait3A_129] : memref<10000x16xf32, #tpu.memory_space<hbm>> -> memref<64x16xf32, #tpu.memory_space<hbm>>
      tpu.wait_dma2 semaphore(%arg13 : memref<!tpu.dma_semaphore, #tpu.memory_space<semaphore_mem>>) src(%dma_wait3A_130 : memref<64x16xf32, #tpu.memory_space<hbm>>) dst(%dma_wait3A_127 : memref<64x16xf32, #tpu.memory_space<vmem>>)
      %run_scoped3A_131 = arith.constant 2 : i32
      "tpu.region"() ({
        %run_scoped3A_139 = tpu.sem_alloc : memref<!tpu.dma_semaphore, #tpu.memory_space<semaphore_mem>>
        %dma_start3A_140 = arith.constant 0 : i32
        %dma_start3A_141 = arith.constant 0 : i32
        %dma_start3A_142 = tpu.memref_slice %arg9[%run_scoped3A_131, %dma_start3A_140, %dma_start3A_141] : memref<3x64x16xf32, #tpu.memory_space<vmem>> -> memref<1x64x16xf32, #tpu.memory_space<vmem>>
        %dma_start3A_143 = tpu.memref_squeeze %dma_start3A_142 : memref<1x64x16xf32, #tpu.memory_space<vmem>> -> memref<64x16xf32, #tpu.memory_space<vmem>>
        %dma_start3A_144 = arith.constant 0 : i32
        %dma_start3A_145 = tpu.memref_slice %arg8[%add3A_115, %dma_start3A_144] : memref<159x64xi32, #tpu.memory_space<vmem>> -> memref<1x64xi32, #tpu.memory_space<vmem>>
        %dma_start3A_146 = tpu.memref_squeeze %dma_start3A_145 : memref<1x64xi32, #tpu.memory_space<vmem>> -> memref<64xi32, #tpu.memory_space<vmem>>
        %dma_start3A_147 = arith.constant 0 : i32
        %dma_start3A_148 = arith.constant 0 : i32
        %dma_start3A_149 = tpu.memref_slice %arg10[%dma_start3A_147, %dma_start3A_148] : memref<10016x16xf32, #tpu.memory_space<vmem_shared>> -> memref<10016x16xf32, #tpu.memory_space<vmem_shared>>
        tpu.enqueue_indirect_dma source(%dma_start3A_143 : memref<64x16xf32, #tpu.memory_space<vmem>>) target(%dma_start3A_149 : memref<10016x16xf32, #tpu.memory_space<vmem_shared>>) offsets(%dma_start3A_146 : memref<64xi32, #tpu.memory_space<vmem>>) semaphore(%run_scoped3A_139 : memref<!tpu.dma_semaphore, #tpu.memory_space<semaphore_mem>>) {add = true}
        %dma_wait3A_150 = arith.constant 0 : i32
        %dma_wait3A_151 = arith.constant 0 : i32
        %dma_wait3A_152 = tpu.memref_slice %arg9[%run_scoped3A_131, %dma_wait3A_150, %dma_wait3A_151] : memref<3x64x16xf32, #tpu.memory_space<vmem>> -> memref<1x64x16xf32, #tpu.memory_space<vmem>>
        %dma_wait3A_153 = tpu.memref_squeeze %dma_wait3A_152 : memref<1x64x16xf32, #tpu.memory_space<vmem>> -> memref<64x16xf32, #tpu.memory_space<vmem>>
        %dma_wait3A_154 = arith.constant 0 : i32
        %dma_wait3A_155 = tpu.memref_slice %arg8[%add3A_115, %dma_wait3A_154] : memref<159x64xi32, #tpu.memory_space<vmem>> -> memref<1x64xi32, #tpu.memory_space<vmem>>
        %dma_wait3A_156 = tpu.memref_squeeze %dma_wait3A_155 : memref<1x64xi32, #tpu.memory_space<vmem>> -> memref<64xi32, #tpu.memory_space<vmem>>
        %dma_wait3A_157 = arith.constant 0 : i32
        %dma_wait3A_158 = arith.constant 0 : i32
        %dma_wait3A_159 = tpu.memref_slice %arg10[%dma_wait3A_157, %dma_wait3A_158] : memref<10016x16xf32, #tpu.memory_space<vmem_shared>> -> memref<10016x16xf32, #tpu.memory_space<vmem_shared>>
        tpu.wait_indirect_dma semaphore(%run_scoped3A_139 : memref<!tpu.dma_semaphore, #tpu.memory_space<semaphore_mem>>) src(%dma_wait3A_153 : memref<64x16xf32, #tpu.memory_space<vmem>>) dst(%dma_wait3A_159 : memref<10016x16xf32, #tpu.memory_space<vmem_shared>>)
        tpu.yield
      }) : () -> ()
      %add3A_132 = arith.constant 3 : i32
      %add3A_133 = arith.addi %add3A_115, %add3A_132 : i32
      %lt3A_134 = arith.constant 159 : i32
      %lt3A_135 = arith.cmpi slt, %add3A_133, %lt3A_134 : i32
      %convert_element_type3A_136 = arith.extui %lt3A_135 : i1 to i32
      %cond3A_137 = arith.constant 0 : i32
      %cond3A_138 = arith.cmpi ne, %convert_element_type3A_136, %cond3A_137 : i32
      scf.if %cond3A_138 {
        %add3A_139 = arith.constant 3 : i32
        %add3A_140 = arith.addi %add3A_115, %add3A_139 : i32
        %dma_start3A_141 = arith.constant 2 : i32
        %dma_start3A_142 = arith.constant 0 : i32
        %dma_start3A_143 = arith.constant 0 : i32
        %dma_start3A_144 = tpu.memref_slice %arg9[%dma_start3A_141, %dma_start3A_142, %dma_start3A_143] : memref<3x64x16xf32, #tpu.memory_space<vmem>> -> memref<1x64x16xf32, #tpu.memory_space<vmem>>
        %dma_start3A_145 = tpu.memref_squeeze %dma_start3A_144 : memref<1x64x16xf32, #tpu.memory_space<vmem>> -> memref<64x16xf32, #tpu.memory_space<vmem>>
        %dma_start3A_146 = arith.constant 0 : i32
        %dma_start3A_147 = tpu.memref_slice %arg7[%add3A_140, %dma_start3A_146] : memref<159x64xi32, #tpu.memory_space<vmem>> -> memref<1x64xi32, #tpu.memory_space<vmem>>
        %dma_start3A_148 = tpu.memref_squeeze %dma_start3A_147 : memref<1x64xi32, #tpu.memory_space<vmem>> -> memref<64xi32, #tpu.memory_space<vmem>>
        %dma_start3A_149 = arith.constant 0 : i32
        %dma_start3A_150 = arith.constant 0 : i32
        %dma_start3A_151 = tpu.memref_slice %arg2[%dma_start3A_149, %dma_start3A_150] : memref<10000x16xf32, #tpu.memory_space<hbm>> -> memref<10000x16xf32, #tpu.memory_space<hbm>>
        tpu.enqueue_indirect_dma source(%dma_start3A_151 : memref<10000x16xf32, #tpu.memory_space<hbm>>) target(%dma_start3A_145 : memref<64x16xf32, #tpu.memory_space<vmem>>) offsets(%dma_start3A_148 : memref<64xi32, #tpu.memory_space<vmem>>) semaphore(%arg13 : memref<!tpu.dma_semaphore, #tpu.memory_space<semaphore_mem>>)
      } else {
      }
    }
    %scan3A_48 = arith.constant 53 : i32
    %barrier3A_49 = arith.constant 0 : index
    tpu.barrier barrier_id(%barrier3A_49)
    %mul3A_50 = arith.constant 640 : i32
    %mul3A_51 = arith.muli %arg1, %mul3A_50 : i32
    %multiple_of3A_52 = tpu.assume_multiple %mul3A_51, 8 : i32
    %lt3A_53 = arith.constant 15 : i32
    %lt3A_54 = arith.cmpi slt, %arg1, %lt3A_53 : i32
    %convert_element_type3A_55 = arith.extui %lt3A_54 : i1 to i32
    %cond3A_56 = arith.constant 0 : i32
    %cond3A_57 = arith.cmpi ne, %convert_element_type3A_55, %cond3A_56 : i32
    scf.if %cond3A_57 {
      "tpu.region"() ({
        %run_scoped3A = tpu.sem_alloc : memref<!tpu.dma_semaphore, #tpu.memory_space<semaphore_mem>>
        %dma_start3A_63 = arith.constant 0 : i32
        %dma_start3A_64 = arith.constant 0 : i32
        %dma_start3A_65 = tpu.memref_slice %arg6[%arg0, %dma_start3A_63, %dma_start3A_64] : memref<2x10000x16xf32, #tpu.memory_space<hbm>> -> memref<1x10000x16xf32, #tpu.memory_space<hbm>>
        %dma_start3A_66 = tpu.memref_squeeze %dma_start3A_65 : memref<1x10000x16xf32, #tpu.memory_space<hbm>> -> memref<10000x16xf32, #tpu.memory_space<hbm>>
        %dma_start3A_67 = arith.constant 0 : i32
        %dma_start3A_68 = tpu.memref_slice %dma_start3A_66[%multiple_of3A_52, %dma_start3A_67] : memref<10000x16xf32, #tpu.memory_space<hbm>> -> memref<640x16xf32, #tpu.memory_space<hbm>>
        %dma_start3A_69 = arith.constant 0 : i32
        %dma_start3A_70 = tpu.memref_slice %arg10[%multiple_of3A_52, %dma_start3A_69] : memref<10016x16xf32, #tpu.memory_space<vmem_shared>> -> memref<640x16xf32, #tpu.memory_space<vmem_shared>>
        tpu.enqueue_dma source(%dma_start3A_70 : memref<640x16xf32, #tpu.memory_space<vmem_shared>>) target(%dma_start3A_68 : memref<640x16xf32, #tpu.memory_space<hbm>>) target_semaphore(%run_scoped3A : memref<!tpu.dma_semaphore, #tpu.memory_space<semaphore_mem>>)
        %dma_wait3A = arith.constant 0 : i32
        %dma_wait3A_71 = arith.constant 0 : i32
        %dma_wait3A_72 = tpu.memref_slice %arg6[%arg0, %dma_wait3A, %dma_wait3A_71] : memref<2x10000x16xf32, #tpu.memory_space<hbm>> -> memref<1x10000x16xf32, #tpu.memory_space<hbm>>
        %dma_wait3A_73 = tpu.memref_squeeze %dma_wait3A_72 : memref<1x10000x16xf32, #tpu.memory_space<hbm>> -> memref<10000x16xf32, #tpu.memory_space<hbm>>
        %dma_wait3A_74 = arith.constant 0 : i32
        %dma_wait3A_75 = tpu.memref_slice %dma_wait3A_73[%multiple_of3A_52, %dma_wait3A_74] : memref<10000x16xf32, #tpu.memory_space<hbm>> -> memref<640x16xf32, #tpu.memory_space<hbm>>
        %dma_wait3A_76 = arith.constant 0 : i32
        %dma_wait3A_77 = tpu.memref_slice %arg10[%multiple_of3A_52, %dma_wait3A_76] : memref<10016x16xf32, #tpu.memory_space<vmem_shared>> -> memref<640x16xf32, #tpu.memory_space<vmem_shared>>
        tpu.wait_dma2 semaphore(%run_scoped3A : memref<!tpu.dma_semaphore, #tpu.memory_space<semaphore_mem>>) src(%dma_wait3A_77 : memref<640x16xf32, #tpu.memory_space<vmem_shared>>) dst(%dma_wait3A_75 : memref<640x16xf32, #tpu.memory_space<hbm>>)
        tpu.yield
      }) : () -> ()
    } else {
    }
    %eq3A_58 = arith.constant 15 : i32
    %eq3A_59 = arith.cmpi eq, %arg1, %eq3A_58 : i32
    %convert_element_type3A_60 = arith.extui %eq3A_59 : i1 to i32
    %cond3A_61 = arith.constant 0 : i32
    %cond3A_62 = arith.cmpi ne, %convert_element_type3A_60, %cond3A_61 : i32
    scf.if %cond3A_62 {
      "tpu.region"() ({
        %run_scoped3A = tpu.sem_alloc : memref<!tpu.dma_semaphore, #tpu.memory_space<semaphore_mem>>
        %dma_start3A_63 = arith.constant 0 : i32
        %dma_start3A_64 = arith.constant 0 : i32
        %dma_start3A_65 = tpu.memref_slice %arg6[%arg0, %dma_start3A_63, %dma_start3A_64] : memref<2x10000x16xf32, #tpu.memory_space<hbm>> -> memref<1x10000x16xf32, #tpu.memory_space<hbm>>
        %dma_start3A_66 = tpu.memref_squeeze %dma_start3A_65 : memref<1x10000x16xf32, #tpu.memory_space<hbm>> -> memref<10000x16xf32, #tpu.memory_space<hbm>>
        %dma_start3A_67 = arith.constant 0 : i32
        %dma_start3A_68 = tpu.memref_slice %dma_start3A_66[%multiple_of3A_52, %dma_start3A_67] : memref<10000x16xf32, #tpu.memory_space<hbm>> -> memref<400x16xf32, #tpu.memory_space<hbm>>
        %dma_start3A_69 = arith.constant 0 : i32
        %dma_start3A_70 = tpu.memref_slice %arg10[%multiple_of3A_52, %dma_start3A_69] : memref<10016x16xf32, #tpu.memory_space<vmem_shared>> -> memref<400x16xf32, #tpu.memory_space<vmem_shared>>
        tpu.enqueue_dma source(%dma_start3A_70 : memref<400x16xf32, #tpu.memory_space<vmem_shared>>) target(%dma_start3A_68 : memref<400x16xf32, #tpu.memory_space<hbm>>) target_semaphore(%run_scoped3A : memref<!tpu.dma_semaphore, #tpu.memory_space<semaphore_mem>>)
        %dma_wait3A = arith.constant 0 : i32
        %dma_wait3A_71 = arith.constant 0 : i32
        %dma_wait3A_72 = tpu.memref_slice %arg6[%arg0, %dma_wait3A, %dma_wait3A_71] : memref<2x10000x16xf32, #tpu.memory_space<hbm>> -> memref<1x10000x16xf32, #tpu.memory_space<hbm>>
        %dma_wait3A_73 = tpu.memref_squeeze %dma_wait3A_72 : memref<1x10000x16xf32, #tpu.memory_space<hbm>> -> memref<10000x16xf32, #tpu.memory_space<hbm>>
        %dma_wait3A_74 = arith.constant 0 : i32
        %dma_wait3A_75 = tpu.memref_slice %dma_wait3A_73[%multiple_of3A_52, %dma_wait3A_74] : memref<10000x16xf32, #tpu.memory_space<hbm>> -> memref<400x16xf32, #tpu.memory_space<hbm>>
        %dma_wait3A_76 = arith.constant 0 : i32
        %dma_wait3A_77 = tpu.memref_slice %arg10[%multiple_of3A_52, %dma_wait3A_76] : memref<10016x16xf32, #tpu.memory_space<vmem_shared>> -> memref<400x16xf32, #tpu.memory_space<vmem_shared>>
        tpu.wait_dma2 semaphore(%run_scoped3A : memref<!tpu.dma_semaphore, #tpu.memory_space<semaphore_mem>>) src(%dma_wait3A_77 : memref<400x16xf32, #tpu.memory_space<vmem_shared>>) dst(%dma_wait3A_75 : memref<400x16xf32, #tpu.memory_space<hbm>>)
        tpu.yield
      }) : () -> ()
    } else {
    }
    return
  }
}

module attributes {stable_mosaic.version = 14 : i64} {
  func.func @_tc1_body(%arg0: i32, %arg1: memref<1000x128xf32, #tpu.memory_space<vmem>>, %arg2: memref<128x128xf32, #tpu.memory_space<vmem>>, %arg3: memref<2x1000x16xf32, #tpu.memory_space<vmem>>, %arg4: memref<1000x128xf32, #tpu.memory_space<vmem>>, %arg5: memref<1000x16xf32, #tpu.memory_space<vmem>>) attributes {dimension_semantics = [#tpu.dimension_semantics<arbitrary>], iteration_bounds = array<i64: 10>, scalar_prefetch = 0 : i64, scratch_operands = 0 : i64, tpu.core_type = #tpu.core_type<tc>, window_params = [{transform_indices = @transform_0, window_bounds = array<i64: 1000, 128>}, {pipeline_mode = #tpu.pipeline_mode<synchronous>, transform_indices = @transform_1, window_bounds = array<i64: 128, 128>}, {transform_indices = @transform_2, window_bounds = array<i64: 2, 1000, 16>}, {transform_indices = @transform_3, window_bounds = array<i64: 1000, 128>}, {transform_indices = @transform_4, window_bounds = array<i64: 1000, 16>}]} {
    %get3A = arith.constant 0 : index
    %get3A_0 = arith.constant 0 : index
    %get3A_1 = arith.constant 0 : index
    %get3A_2 = vector.load %arg3[%get3A, %get3A_0, %get3A_1] : memref<2x1000x16xf32, #tpu.memory_space<vmem>>, vector<1x1000x16xf32>
    %get3A_3 = vector.shape_cast %get3A_2 : vector<1x1000x16xf32> to vector<1000x16xf32>
    %get3A_4 = arith.constant 1 : index
    %get3A_5 = arith.constant 0 : index
    %get3A_6 = arith.constant 0 : index
    %get3A_7 = vector.load %arg3[%get3A_4, %get3A_5, %get3A_6] : memref<2x1000x16xf32, #tpu.memory_space<vmem>>, vector<1x1000x16xf32>
    %get3A_8 = vector.shape_cast %get3A_7 : vector<1x1000x16xf32> to vector<1000x16xf32>
    %add3A = arith.addf %get3A_3, %get3A_8 : vector<1000x16xf32>
    %add3A_9 = arith.constant 1.000000e+00 : f32
    %add3A_10 = vector.broadcast %add3A_9 : f32 to vector<1000x16xf32>
    %add3A_11 = arith.addf %add3A, %add3A_10 : vector<1000x16xf32>
    %rsqrt3A = math.rsqrt %add3A_11 : vector<1000x16xf32>
    %swap3A = arith.constant 0 : index
    %swap3A_12 = arith.constant 0 : index
    %swap3A_13 = vector.load %arg5[%swap3A, %swap3A_12] : memref<1000x16xf32, #tpu.memory_space<vmem>>, vector<1000x16xf32>
    tpu.vector_store %arg5[%swap3A, %swap3A_12], %rsqrt3A {strides = array<i32>} : memref<1000x16xf32, #tpu.memory_space<vmem>>, vector<1000x16xf32>,
    %get3A_14 = arith.constant 0 : index
    %get3A_15 = arith.constant 0 : index
    %get3A_16 = vector.load %arg1[%get3A_14, %get3A_15] : memref<1000x128xf32, #tpu.memory_space<vmem>>, vector<1000x128xf32>
    %get3A_17 = arith.constant 0 : index
    %get3A_18 = arith.constant 0 : index
    %get3A_19 = vector.load %arg2[%get3A_17, %get3A_18] : memref<128x128xf32, #tpu.memory_space<vmem>>, vector<128x128xf32>
    %dot_general3A = arith.constant dense<0.000000e+00> : vector<1000x128xf32>
    %dot_general3A_20 = tpu.matmul %get3A_16, %get3A_19, %dot_general3A {dimension_numbers = #tpu.dot_dimension_numbers<[1], [0], [0], [1], [0, 0, 1, 1], [], []>, transpose_lhs_hint = false} : vector<1000x128xf32>, vector<128x128xf32>, vector<1000x128xf32> -> vector<1000x128xf32>
    %slice3A = vector.extract_strided_slice %rsqrt3A {offsets = [0, 0], sizes = [1000, 1], strides = [1, 1]} : vector<1000x16xf32> to vector<1000x1xf32>
    %mul3A = vector.broadcast %slice3A : vector<1000x1xf32> to vector<1000x128xf32>
    %mul3A_21 = arith.mulf %dot_general3A_20, %mul3A : vector<1000x128xf32>
    %swap3A_22 = arith.constant 0 : index
    %swap3A_23 = arith.constant 0 : index
    %swap3A_24 = vector.load %arg4[%swap3A_22, %swap3A_23] : memref<1000x128xf32, #tpu.memory_space<vmem>>, vector<1000x128xf32>
    tpu.vector_store %arg4[%swap3A_22, %swap3A_23], %mul3A_21 {strides = array<i32>} : memref<1000x128xf32, #tpu.memory_space<vmem>>, vector<1000x128xf32>,
    return
  }
  func.func @transform_0(%arg0: i32) -> (i32, i32) {
    %c0_i32 = arith.constant 0 : i32
    %c0_i32_0 = arith.constant 0 : i32
    return %arg0, %c0_i32 : i32, i32
  }
  func.func @transform_1(%arg0: i32) -> (i32, i32) {
    %c0_i32 = arith.constant 0 : i32
    %c0_i32_0 = arith.constant 0 : i32
    %c0_i32_1 = arith.constant 0 : i32
    return %c0_i32, %c0_i32_0 : i32, i32
  }
  func.func @transform_2(%arg0: i32) -> (i32, i32, i32) {
    %c0_i32 = arith.constant 0 : i32
    %c0_i32_0 = arith.constant 0 : i32
    %c0_i32_1 = arith.constant 0 : i32
    return %c0_i32, %arg0, %c0_i32_0 : i32, i32, i32
  }
  func.func @transform_3(%arg0: i32) -> (i32, i32) {
    %c0_i32 = arith.constant 0 : i32
    %c0_i32_0 = arith.constant 0 : i32
    return %arg0, %c0_i32 : i32, i32
  }
  func.func @transform_4(%arg0: i32) -> (i32, i32) {
    %c0_i32 = arith.constant 0 : i32
    %c0_i32_0 = arith.constant 0 : i32
    return %arg0, %c0_i32 : i32, i32
  }
}

module attributes {stable_mosaic.version = 14 : i64} {
  func.func @_tc_mid_body(%arg0: i32, %arg1: memref<2x1000x128xf32, #tpu.memory_space<vmem>>, %arg2: memref<1000x128xf32, #tpu.memory_space<vmem>>, %arg3: memref<1000x16xf32, #tpu.memory_space<vmem>>, %arg4: memref<128x128xf32, #tpu.memory_space<vmem>>, %arg5: memref<1x128xf32, #tpu.memory_space<vmem>>, %arg6: memref<1000x128xf32, #tpu.memory_space<vmem>>) attributes {dimension_semantics = [#tpu.dimension_semantics<arbitrary>], iteration_bounds = array<i64: 10>, scalar_prefetch = 0 : i64, scratch_operands = 0 : i64, tpu.core_type = #tpu.core_type<tc>, window_params = [{transform_indices = @transform_0, window_bounds = array<i64: 2, 1000, 128>}, {transform_indices = @transform_1, window_bounds = array<i64: 1000, 128>}, {transform_indices = @transform_2, window_bounds = array<i64: 1000, 16>}, {pipeline_mode = #tpu.pipeline_mode<synchronous>, transform_indices = @transform_3, window_bounds = array<i64: 128, 128>}, {pipeline_mode = #tpu.pipeline_mode<synchronous>, transform_indices = @transform_4, window_bounds = array<i64: 1, 128>}, {transform_indices = @transform_5, window_bounds = array<i64: 1000, 128>}]} {
    %get3A = arith.constant 0 : index
    %get3A_0 = arith.constant 0 : index
    %get3A_1 = vector.load %arg3[%get3A, %get3A_0] : memref<1000x16xf32, #tpu.memory_space<vmem>>, vector<1000x16xf32>
    %slice3A = vector.extract_strided_slice %get3A_1 {offsets = [0, 0], sizes = [1000, 1], strides = [1, 1]} : vector<1000x16xf32> to vector<1000x1xf32>
    %get3A_2 = arith.constant 0 : index
    %get3A_3 = arith.constant 0 : index
    %get3A_4 = arith.constant 0 : index
    %get3A_5 = vector.load %arg1[%get3A_2, %get3A_3, %get3A_4] : memref<2x1000x128xf32, #tpu.memory_space<vmem>>, vector<1x1000x128xf32>
    %get3A_6 = vector.shape_cast %get3A_5 : vector<1x1000x128xf32> to vector<1000x128xf32>
    %get3A_7 = arith.constant 1 : index
    %get3A_8 = arith.constant 0 : index
    %get3A_9 = arith.constant 0 : index
    %get3A_10 = vector.load %arg1[%get3A_7, %get3A_8, %get3A_9] : memref<2x1000x128xf32, #tpu.memory_space<vmem>>, vector<1x1000x128xf32>
    %get3A_11 = vector.shape_cast %get3A_10 : vector<1x1000x128xf32> to vector<1000x128xf32>
    %add3A = arith.addf %get3A_6, %get3A_11 : vector<1000x128xf32>
    %get3A_12 = arith.constant 0 : index
    %get3A_13 = arith.constant 0 : index
    %get3A_14 = vector.load %arg2[%get3A_12, %get3A_13] : memref<1000x128xf32, #tpu.memory_space<vmem>>, vector<1000x128xf32>
    %add3A_15 = arith.addf %add3A, %get3A_14 : vector<1000x128xf32>
    %mul3A = vector.broadcast %slice3A : vector<1000x1xf32> to vector<1000x128xf32>
    %mul3A_16 = arith.mulf %add3A_15, %mul3A : vector<1000x128xf32>
    %get3A_17 = arith.constant 0 : index
    %get3A_18 = arith.constant 0 : index
    %get3A_19 = vector.load %arg5[%get3A_17, %get3A_18] : memref<1x128xf32, #tpu.memory_space<vmem>>, vector<1x128xf32>
    %add3A_20 = vector.broadcast %get3A_19 : vector<1x128xf32> to vector<1000x128xf32>
    %add3A_21 = arith.addf %mul3A_16, %add3A_20 : vector<1000x128xf32>
    %max3A = arith.constant 0.000000e+00 : f32
    %max3A_22 = vector.broadcast %max3A : f32 to vector<1000x128xf32>
    %max3A_23 = arith.maximumf %add3A_21, %max3A_22 : vector<1000x128xf32>
    %get3A_24 = arith.constant 0 : index
    %get3A_25 = arith.constant 0 : index
    %get3A_26 = vector.load %arg4[%get3A_24, %get3A_25] : memref<128x128xf32, #tpu.memory_space<vmem>>, vector<128x128xf32>
    %dot_general3A = arith.constant dense<0.000000e+00> : vector<1000x128xf32>
    %dot_general3A_27 = tpu.matmul %max3A_23, %get3A_26, %dot_general3A {dimension_numbers = #tpu.dot_dimension_numbers<[1], [0], [0], [1], [0, 0, 1, 1], [], []>, transpose_lhs_hint = false} : vector<1000x128xf32>, vector<128x128xf32>, vector<1000x128xf32> -> vector<1000x128xf32>
    %mul3A_28 = vector.broadcast %slice3A : vector<1000x1xf32> to vector<1000x128xf32>
    %mul3A_29 = arith.mulf %dot_general3A_27, %mul3A_28 : vector<1000x128xf32>
    %swap3A = arith.constant 0 : index
    %swap3A_30 = arith.constant 0 : index
    %swap3A_31 = vector.load %arg6[%swap3A, %swap3A_30] : memref<1000x128xf32, #tpu.memory_space<vmem>>, vector<1000x128xf32>
    tpu.vector_store %arg6[%swap3A, %swap3A_30], %mul3A_29 {strides = array<i32>} : memref<1000x128xf32, #tpu.memory_space<vmem>>, vector<1000x128xf32>,
    return
  }
  func.func @transform_0(%arg0: i32) -> (i32, i32, i32) {
    %c0_i32 = arith.constant 0 : i32
    %c0_i32_0 = arith.constant 0 : i32
    %c0_i32_1 = arith.constant 0 : i32
    return %c0_i32, %arg0, %c0_i32_0 : i32, i32, i32
  }
  func.func @transform_1(%arg0: i32) -> (i32, i32) {
    %c0_i32 = arith.constant 0 : i32
    %c0_i32_0 = arith.constant 0 : i32
    return %arg0, %c0_i32 : i32, i32
  }
  func.func @transform_2(%arg0: i32) -> (i32, i32) {
    %c0_i32 = arith.constant 0 : i32
    %c0_i32_0 = arith.constant 0 : i32
    return %arg0, %c0_i32 : i32, i32
  }
  func.func @transform_3(%arg0: i32) -> (i32, i32) {
    %c0_i32 = arith.constant 0 : i32
    %c0_i32_0 = arith.constant 0 : i32
    %c0_i32_1 = arith.constant 0 : i32
    return %c0_i32, %c0_i32_0 : i32, i32
  }
  func.func @transform_4(%arg0: i32) -> (i32, i32) {
    %c0_i32 = arith.constant 0 : i32
    %c0_i32_0 = arith.constant 0 : i32
    %c0_i32_1 = arith.constant 0 : i32
    return %c0_i32, %c0_i32_0 : i32, i32
  }
  func.func @transform_5(%arg0: i32) -> (i32, i32) {
    %c0_i32 = arith.constant 0 : i32
    %c0_i32_0 = arith.constant 0 : i32
    return %arg0, %c0_i32 : i32, i32
  }
}

module attributes {stable_mosaic.version = 14 : i64} {
  func.func @_tc_mid_body(%arg0: i32, %arg1: memref<2x1000x128xf32, #tpu.memory_space<vmem>>, %arg2: memref<1000x128xf32, #tpu.memory_space<vmem>>, %arg3: memref<1000x16xf32, #tpu.memory_space<vmem>>, %arg4: memref<128x16xf32, #tpu.memory_space<vmem>>, %arg5: memref<1x128xf32, #tpu.memory_space<vmem>>, %arg6: memref<1000x16xf32, #tpu.memory_space<vmem>>) attributes {dimension_semantics = [#tpu.dimension_semantics<arbitrary>], iteration_bounds = array<i64: 10>, scalar_prefetch = 0 : i64, scratch_operands = 0 : i64, tpu.core_type = #tpu.core_type<tc>, window_params = [{transform_indices = @transform_0, window_bounds = array<i64: 2, 1000, 128>}, {transform_indices = @transform_1, window_bounds = array<i64: 1000, 128>}, {transform_indices = @transform_2, window_bounds = array<i64: 1000, 16>}, {pipeline_mode = #tpu.pipeline_mode<synchronous>, transform_indices = @transform_3, window_bounds = array<i64: 128, 16>}, {pipeline_mode = #tpu.pipeline_mode<synchronous>, transform_indices = @transform_4, window_bounds = array<i64: 1, 128>}, {transform_indices = @transform_5, window_bounds = array<i64: 1000, 16>}]} {
    %get3A = arith.constant 0 : index
    %get3A_0 = arith.constant 0 : index
    %get3A_1 = vector.load %arg3[%get3A, %get3A_0] : memref<1000x16xf32, #tpu.memory_space<vmem>>, vector<1000x16xf32>
    %slice3A = vector.extract_strided_slice %get3A_1 {offsets = [0, 0], sizes = [1000, 1], strides = [1, 1]} : vector<1000x16xf32> to vector<1000x1xf32>
    %get3A_2 = arith.constant 0 : index
    %get3A_3 = arith.constant 0 : index
    %get3A_4 = arith.constant 0 : index
    %get3A_5 = vector.load %arg1[%get3A_2, %get3A_3, %get3A_4] : memref<2x1000x128xf32, #tpu.memory_space<vmem>>, vector<1x1000x128xf32>
    %get3A_6 = vector.shape_cast %get3A_5 : vector<1x1000x128xf32> to vector<1000x128xf32>
    %get3A_7 = arith.constant 1 : index
    %get3A_8 = arith.constant 0 : index
    %get3A_9 = arith.constant 0 : index
    %get3A_10 = vector.load %arg1[%get3A_7, %get3A_8, %get3A_9] : memref<2x1000x128xf32, #tpu.memory_space<vmem>>, vector<1x1000x128xf32>
    %get3A_11 = vector.shape_cast %get3A_10 : vector<1x1000x128xf32> to vector<1000x128xf32>
    %add3A = arith.addf %get3A_6, %get3A_11 : vector<1000x128xf32>
    %get3A_12 = arith.constant 0 : index
    %get3A_13 = arith.constant 0 : index
    %get3A_14 = vector.load %arg2[%get3A_12, %get3A_13] : memref<1000x128xf32, #tpu.memory_space<vmem>>, vector<1000x128xf32>
    %add3A_15 = arith.addf %add3A, %get3A_14 : vector<1000x128xf32>
    %mul3A = vector.broadcast %slice3A : vector<1000x1xf32> to vector<1000x128xf32>
    %mul3A_16 = arith.mulf %add3A_15, %mul3A : vector<1000x128xf32>
    %get3A_17 = arith.constant 0 : index
    %get3A_18 = arith.constant 0 : index
    %get3A_19 = vector.load %arg5[%get3A_17, %get3A_18] : memref<1x128xf32, #tpu.memory_space<vmem>>, vector<1x128xf32>
    %add3A_20 = vector.broadcast %get3A_19 : vector<1x128xf32> to vector<1000x128xf32>
    %add3A_21 = arith.addf %mul3A_16, %add3A_20 : vector<1000x128xf32>
    %max3A = arith.constant 0.000000e+00 : f32
    %max3A_22 = vector.broadcast %max3A : f32 to vector<1000x128xf32>
    %max3A_23 = arith.maximumf %add3A_21, %max3A_22 : vector<1000x128xf32>
    %get3A_24 = arith.constant 0 : index
    %get3A_25 = arith.constant 0 : index
    %get3A_26 = vector.load %arg4[%get3A_24, %get3A_25] : memref<128x16xf32, #tpu.memory_space<vmem>>, vector<128x16xf32>
    %dot_general3A = arith.constant dense<0.000000e+00> : vector<1000x16xf32>
    %dot_general3A_27 = tpu.matmul %max3A_23, %get3A_26, %dot_general3A {dimension_numbers = #tpu.dot_dimension_numbers<[1], [0], [0], [1], [0, 0, 1, 1], [], []>, transpose_lhs_hint = false} : vector<1000x128xf32>, vector<128x16xf32>, vector<1000x16xf32> -> vector<1000x16xf32>
    %mul3A_28 = vector.broadcast %slice3A : vector<1000x1xf32> to vector<1000x16xf32>
    %mul3A_29 = arith.mulf %dot_general3A_27, %mul3A_28 : vector<1000x16xf32>
    %swap3A = arith.constant 0 : index
    %swap3A_30 = arith.constant 0 : index
    %swap3A_31 = vector.load %arg6[%swap3A, %swap3A_30] : memref<1000x16xf32, #tpu.memory_space<vmem>>, vector<1000x16xf32>
    tpu.vector_store %arg6[%swap3A, %swap3A_30], %mul3A_29 {strides = array<i32>} : memref<1000x16xf32, #tpu.memory_space<vmem>>, vector<1000x16xf32>,
    return
  }
  func.func @transform_0(%arg0: i32) -> (i32, i32, i32) {
    %c0_i32 = arith.constant 0 : i32
    %c0_i32_0 = arith.constant 0 : i32
    %c0_i32_1 = arith.constant 0 : i32
    return %c0_i32, %arg0, %c0_i32_0 : i32, i32, i32
  }
  func.func @transform_1(%arg0: i32) -> (i32, i32) {
    %c0_i32 = arith.constant 0 : i32
    %c0_i32_0 = arith.constant 0 : i32
    return %arg0, %c0_i32 : i32, i32
  }
  func.func @transform_2(%arg0: i32) -> (i32, i32) {
    %c0_i32 = arith.constant 0 : i32
    %c0_i32_0 = arith.constant 0 : i32
    return %arg0, %c0_i32 : i32, i32
  }
  func.func @transform_3(%arg0: i32) -> (i32, i32) {
    %c0_i32 = arith.constant 0 : i32
    %c0_i32_0 = arith.constant 0 : i32
    %c0_i32_1 = arith.constant 0 : i32
    return %c0_i32, %c0_i32_0 : i32, i32
  }
  func.func @transform_4(%arg0: i32) -> (i32, i32) {
    %c0_i32 = arith.constant 0 : i32
    %c0_i32_0 = arith.constant 0 : i32
    %c0_i32_1 = arith.constant 0 : i32
    return %c0_i32, %c0_i32_0 : i32, i32
  }
  func.func @transform_5(%arg0: i32) -> (i32, i32) {
    %c0_i32 = arith.constant 0 : i32
    %c0_i32_0 = arith.constant 0 : i32
    return %arg0, %c0_i32 : i32, i32
  }
}

module attributes {stable_mosaic.version = 14 : i64} {
  func.func @_tc_fin_body(%arg0: i32, %arg1: memref<2x1000x16xf32, #tpu.memory_space<vmem>>, %arg2: memref<1000x16xf32, #tpu.memory_space<vmem>>, %arg3: memref<1000x16xf32, #tpu.memory_space<vmem>>, %arg4: memref<1x16xf32, #tpu.memory_space<vmem>>, %arg5: memref<1000x16xf32, #tpu.memory_space<vmem>>) attributes {dimension_semantics = [#tpu.dimension_semantics<arbitrary>], iteration_bounds = array<i64: 10>, scalar_prefetch = 0 : i64, scratch_operands = 0 : i64, tpu.core_type = #tpu.core_type<tc>, window_params = [{transform_indices = @transform_0, window_bounds = array<i64: 2, 1000, 16>}, {transform_indices = @transform_1, window_bounds = array<i64: 1000, 16>}, {transform_indices = @transform_2, window_bounds = array<i64: 1000, 16>}, {pipeline_mode = #tpu.pipeline_mode<synchronous>, transform_indices = @transform_3, window_bounds = array<i64: 1, 16>}, {transform_indices = @transform_4, window_bounds = array<i64: 1000, 16>}]} {
    %get3A = arith.constant 0 : index
    %get3A_0 = arith.constant 0 : index
    %get3A_1 = vector.load %arg3[%get3A, %get3A_0] : memref<1000x16xf32, #tpu.memory_space<vmem>>, vector<1000x16xf32>
    %slice3A = vector.extract_strided_slice %get3A_1 {offsets = [0, 0], sizes = [1000, 1], strides = [1, 1]} : vector<1000x16xf32> to vector<1000x1xf32>
    %get3A_2 = arith.constant 0 : index
    %get3A_3 = arith.constant 0 : index
    %get3A_4 = arith.constant 0 : index
    %get3A_5 = vector.load %arg1[%get3A_2, %get3A_3, %get3A_4] : memref<2x1000x16xf32, #tpu.memory_space<vmem>>, vector<1x1000x16xf32>
    %get3A_6 = vector.shape_cast %get3A_5 : vector<1x1000x16xf32> to vector<1000x16xf32>
    %get3A_7 = arith.constant 1 : index
    %get3A_8 = arith.constant 0 : index
    %get3A_9 = arith.constant 0 : index
    %get3A_10 = vector.load %arg1[%get3A_7, %get3A_8, %get3A_9] : memref<2x1000x16xf32, #tpu.memory_space<vmem>>, vector<1x1000x16xf32>
    %get3A_11 = vector.shape_cast %get3A_10 : vector<1x1000x16xf32> to vector<1000x16xf32>
    %add3A = arith.addf %get3A_6, %get3A_11 : vector<1000x16xf32>
    %get3A_12 = arith.constant 0 : index
    %get3A_13 = arith.constant 0 : index
    %get3A_14 = vector.load %arg2[%get3A_12, %get3A_13] : memref<1000x16xf32, #tpu.memory_space<vmem>>, vector<1000x16xf32>
    %add3A_15 = arith.addf %add3A, %get3A_14 : vector<1000x16xf32>
    %mul3A = vector.broadcast %slice3A : vector<1000x1xf32> to vector<1000x16xf32>
    %mul3A_16 = arith.mulf %add3A_15, %mul3A : vector<1000x16xf32>
    %get3A_17 = arith.constant 0 : index
    %get3A_18 = arith.constant 0 : index
    %get3A_19 = vector.load %arg4[%get3A_17, %get3A_18] : memref<1x16xf32, #tpu.memory_space<vmem>>, vector<1x16xf32>
    %add3A_20 = vector.broadcast %get3A_19 : vector<1x16xf32> to vector<1000x16xf32>
    %add3A_21 = arith.addf %mul3A_16, %add3A_20 : vector<1000x16xf32>
    %max3A = arith.constant 0.000000e+00 : f32
    %max3A_22 = vector.broadcast %max3A : f32 to vector<1000x16xf32>
    %max3A_23 = arith.maximumf %add3A_21, %max3A_22 : vector<1000x16xf32>
    %swap3A = arith.constant 0 : index
    %swap3A_24 = arith.constant 0 : index
    %swap3A_25 = vector.load %arg5[%swap3A, %swap3A_24] : memref<1000x16xf32, #tpu.memory_space<vmem>>, vector<1000x16xf32>
    tpu.vector_store %arg5[%swap3A, %swap3A_24], %max3A_23 {strides = array<i32>} : memref<1000x16xf32, #tpu.memory_space<vmem>>, vector<1000x16xf32>,
    return
  }
  func.func @transform_0(%arg0: i32) -> (i32, i32, i32) {
    %c0_i32 = arith.constant 0 : i32
    %c0_i32_0 = arith.constant 0 : i32
    %c0_i32_1 = arith.constant 0 : i32
    return %c0_i32, %arg0, %c0_i32_0 : i32, i32, i32
  }
  func.func @transform_1(%arg0: i32) -> (i32, i32) {
    %c0_i32 = arith.constant 0 : i32
    %c0_i32_0 = arith.constant 0 : i32
    return %arg0, %c0_i32 : i32, i32
  }
  func.func @transform_2(%arg0: i32) -> (i32, i32) {
    %c0_i32 = arith.constant 0 : i32
    %c0_i32_0 = arith.constant 0 : i32
    return %arg0, %c0_i32 : i32, i32
  }
  func.func @transform_3(%arg0: i32) -> (i32, i32) {
    %c0_i32 = arith.constant 0 : i32
    %c0_i32_0 = arith.constant 0 : i32
    %c0_i32_1 = arith.constant 0 : i32
    return %c0_i32, %c0_i32_0 : i32, i32
  }
  func.func @transform_4(%arg0: i32) -> (i32, i32) {
    %c0_i32 = arith.constant 0 : i32
    %c0_i32_0 = arith.constant 0 : i32
    return %arg0, %c0_i32 : i32, i32
  }
}

</mosaic_0001>

<sc_bundles>
// kernel: kernel.10.cloned.1.call-start
scs
__scs_entry_jumppad:
0x0: {  	(pc) =	sbr.rel $0x88, $3  }
0x1: {  	(tag) =	ssettag $0x0;
	lr =	simm.s32 $0x1  }
0x2: {  	[smem:$0x3F99] =	sst lr;
	_ =	strace $0xD0000000  }
0x3: {  	_ = 	snop  }
0x4: {  	_ = 	snop  }
0x5: {  	_ = 	snop  }
0x6: {  	_ = 	snop  }
0x7: {  	_ = 	snop  }
__scs_overlays_trampoline_lowered:
0x8: {  	[smem:$0x3FA8] =	sst s0  }
0x9: {  	[smem:$0x3FA9] =	sst s1  }
0xa: {  	[smem:$0x3FAA] =	sst s2  }
0xb: {  	[smem:$0x3FAB] =	sst s3  }
0xc: {  	[smem:$0x3FAC] =	sst s4  }
0xd: {  	[smem:$0x3FAD] =	sst s5  }
0xe: {  	[smem:$0x3FAE] =	sst s6  }
0xf: {  	[smem:$0x3FAF] =	sst s7  }
0x10: {  	[smem:$0x3FB0] =	sst s8  }
0x11: {  	[smem:$0x3FB1] =	sst s9;
	s0 =	simm.s32 @!p0 $0x0  }
0x12: {  	s1 =	sld [smem:$0x3F97];
	s0 =	simm.s32 @p0 $0x1  }
0x13: {  	[smem:$0x3FB2] =	sst s0;
	s0 =	simm.s32 @!p1 $0x0  }
0x14: {  	s2 =	sld [smem:$0x3F96];
	s0 =	simm.s32 @p1 $0x1  }
0x15: {  	[smem:$0x3FB3] =	sst s0;
	s0 =	simm.s32 @!p2 $0x0  }
0x16: {  	s3 =	sld [smem:$0x3FDB];
	s0 =	simm.s32 @p2 $0x1  }
0x17: {  	s4 =	simm.s32 $0x1BF5;
	[smem:$0x3FB5] =	sst s0  }
0x18: {  	s0 =	sld [smem:$0x3F98];
	_ =	swait.ge [sflag:s4], $0x0  }
0x19: {  	s7 =	sld [smem:$0x3F99]  }
0x1a: {  	s8 =	sadd.s32 $0xFFFFE003, lr  }
0x1b: {  	s9 =	sadd.s32 $0xFFFFFEF7, lr;
	s5 =	simm.s32 $0xFFFFFFFF;
	p2 =	slt.u32 s8, $0xFFFFF086  }
0x1c: {  	p1 =	slt.u32 s9, $0xF7A;
	s5 =	simm.s32 @!p2 $0x0  }
0x1d: {  	s5 =	simm.s32 @p1 $0x1;
	p0 =	seq.s32 s7, s2  }
0x1e: {  	s7 =	smul.u32 @!p0 $0xF7A, s2;
	p2 =	seq.s32 @!p0 s5, $0x0  }
0x1f: {  	s9 =	smul.u32 $0xF7A, s1;
	s8 =	simm.s32 @!p0 $0x1BF5;
	p2 =	por !p2, p0  }
0x20: {  	[sflag:s8] =	ssyncset.s32 @!p0 $0xFFFFF086;
	s6 =	sadd.s32 @!p0 s3, s7;
	s7 =	simm.s32 @!p0 $0x108  }
0x21: {  	s3 =	sadd.s32 s3, s9;
	s6 =	sadd.s32 @!p0 $0x88, s6;
	s7 =	simm.s32 @p2 $0x1082  }
0x22: {  	[simem:s7], [sflag:s8] =	dma.local @!p0 [hbm:s6], $0xF7A  }
0x23: {  	s9 =	sor.u32 $0xD0000000, s2;
	s6 =	simm.s32 $0x108;
	_ =	swait.ge @!p0 [sflag:s8], $0x0  }
0x24: {  	s3 =	sadd.s32 $0x88, s3;
	s6 =	simm.s32 @!p1 $0x1082;
	[sflag:s4] =	ssyncset.s32 $0xFFFFF086  }
0x25: {  	[simem:s6], [sflag:s4] =	dma.local [hbm:s3], $0xF7A  }
0x26: {  	[smem:$0x3F99] =	sst s1;
	(tag) =	ssettag s2;
	_ =	strace s9  }
0x27: {  	s1 =	sld [smem:$0x3FA9]  }
0x28: {  	s2 =	sld [smem:$0x3FAA]  }
0x29: {  	s4 =	sld [smem:$0x3FAC]  }
0x2a: {  	p0 =	seq.s32 s5, $0x0;
	s5 =	sld [smem:$0x3FAD]  }
0x2b: {  	s6 =	sld [smem:$0x3FAE]  }
0x2c: {  	s7 =	sld [smem:$0x3FAF]  }
0x2d: {  	s3 =	simm.s32 $0x108;
	s8 =	sld [smem:$0x3FB0]  }
0x2e: {  	s3 =	simm.s32 @!p0 $0x1082;
	s9 =	sld [smem:$0x3FB1]  }
0x2f: {  	lr =	sadd.s32 s0, s3;
	s0 =	sld [smem:$0x3FA8]  }
0x30: {  	s3 =	sld [smem:$0x3FAB]  }
0x31: {  	[smem:$0x3FB4] =	sst s10  }
0x32: {  	s10 =	sld [smem:$0x3FB2];
	_ =	sdelay $0x3  }
0x33: {  	p0 =	seq.s32 s10, $0x1;
	s10 =	sld [smem:$0x3FB4];
	_ =	sdelay $0x3  }
0x34: {  	[smem:$0x3FB4] =	sst s10  }
0x35: {  	s10 =	sld [smem:$0x3FB3];
	_ =	sdelay $0x3  }
0x36: {  	p1 =	seq.s32 s10, $0x1;
	s10 =	sld [smem:$0x3FB4];
	_ =	sdelay $0x3  }
0x37: {  	[smem:$0x3FB4] =	sst s10  }
0x38: {  	s10 =	sld [smem:$0x3FB5]  }
0x39: {  	_ = 	snop;
	(pc) =	sbr.ind lr, $3  }
0x3a: {  	_ = 	snop  }
0x3b: {  	_ = 	snop  }
0x3c: {  	p2 =	seq.s32 s10, $0x1;
	s10 =	sld [smem:$0x3FB4]  }
0x3d: {  	_ =	shalt  }
0x3e: {  	_ =	shalt  }
0x3f: {  	_ =	shalt  }
0x40: {  	_ =	shalt  }
0x41: {  	_ =	shalt  }
0x42: {  	_ =	shalt  }
0x43: {  	_ =	shalt  }
0x44: {  	_ =	shalt  }
0x45: {  	_ =	shalt  }
0x46: {  	_ =	shalt  }
0x47: {  	_ =	shalt  }
0x48: {  	_ =	shalt  }
0x49: {  	_ =	shalt  }
0x4a: {  	_ =	shalt  }
0x4b: {  	_ =	shalt  }
0x4c: {  	_ =	shalt  }
0x4d: {  	_ =	shalt  }
0x4e: {  	_ =	shalt  }
0x4f: {  	_ =	shalt  }
0x50: {  	_ =	shalt  }
0x51: {  	_ =	shalt  }
0x52: {  	_ =	shalt  }
0x53: {  	_ =	shalt  }
0x54: {  	_ =	shalt  }
0x55: {  	_ =	shalt  }
0x56: {  	_ =	shalt  }
0x57: {  	_ =	shalt  }
0x58: {  	_ =	shalt  }
0x59: {  	_ =	shalt  }
0x5a: {  	_ =	shalt  }
0x5b: {  	_ =	shalt  }
0x5c: {  	_ =	shalt  }
0x5d: {  	_ =	shalt  }
0x5e: {  	_ =	shalt  }
0x5f: {  	_ =	shalt  }
0x60: {  	_ =	shalt  }
0x61: {  	_ =	shalt  }
0x62: {  	_ =	shalt  }
0x63: {  	_ =	shalt  }
0x64: {  	_ =	shalt  }
0x65: {  	_ =	shalt  }
0x66: {  	_ =	shalt  }
0x67: {  	_ =	shalt  }
0x68: {  	_ =	shalt  }
0x69: {  	_ =	shalt  }
0x6a: {  	_ =	shalt  }
0x6b: {  	_ =	shalt  }
0x6c: {  	_ =	shalt  }
0x6d: {  	_ =	shalt  }
0x6e: {  	_ =	shalt  }
0x6f: {  	_ =	shalt  }
0x70: {  	_ =	shalt  }
0x71: {  	_ =	shalt  }
0x72: {  	_ =	shalt  }
0x73: {  	_ =	shalt  }
0x74: {  	_ =	shalt  }
0x75: {  	_ =	shalt  }
0x76: {  	_ =	shalt  }
0x77: {  	_ =	shalt  }
0x78: {  	_ =	shalt  }
0x79: {  	_ =	shalt  }
0x7a: {  	_ =	shalt  }
0x7b: {  	_ =	shalt  }
0x7c: {  	_ =	shalt  }
0x7d: {  	_ =	shalt  }
0x7e: {  	_ =	shalt  }
0x7f: {  	_ =	shalt  }
0x80: {  	_ =	shalt  }
0x81: {  	_ =	shalt  }
0x82: {  	_ =	shalt  }
0x83: {  	_ =	shalt  }
0x84: {  	_ =	shalt  }
0x85: {  	_ =	shalt  }
0x86: {  	_ =	shalt  }
0x87: {  	_ =	shalt  }
.Lfunc_end0:
.L_simem_size_0:
called_computation_lowered:
.L_overlay_start_0:
0x88: {  	s2 =	sld [smem:$0x3FD9]  }
0x89: {  	s3 =	sld [smem:$0x3FFE];
	_ =	sdelay $0x1  }
0x8a: {  	s1 =	srdreg.scid  }
0x8b: {  	s0 =	sand.u32 $0x1, s1  }
0x8c: {  	s17 =	sshll.u32 s0, $0xA;
	s2 =	sadd.s32 s3, s2  }
0x8d: {  	s2 =	sadd.s32 s2, s17  }
0x8e: {  	[smem:$0x3FC0] =	sst s2  }
0x8f: {  	_ = 	snop  }
0x90: {  	s2 =	sld [smem:$0x3FD0];
	(tm) =	ssettm $0x1  }
0x91: {  	s18 =	sld [smem:$0x3FFB];
	_ =	sdelay $0x3  }
0x92: {  	_ =	strace s18  }
0x93: {  	s3 =	sld [smem:$0x3FFC];
	_ =	sdelay $0x3  }
0x94: {  	_ =	strace s3  }
0x95: {  	s3 =	sld [smem:$0x3FFD];
	_ =	sdelay $0x3  }
0x96: {  	_ =	strace s3  }
0x97: {  	_ =	strace $0x8FFFFFFF  }
0x98: {  	s19 =	sld [smem:$0x3FDB];
	_ =	sdelay $0x1  }
0x99: {  	s4 =	simm.s32 $_scs_section_size  }
0x9a: {  	s5 =	simm.s32 $_size__tile_overlayer_lowered;
	s6 =	simm.s32 $_tile_overlayer_lowered  }
0x9b: {  	s22 =	simm.s32 $0x1BFF;
	s21 =	sshll.u32 s6, $0x1;
	s3 =	sadd.s32 s4, s19  }
0x9c: {  	s7 =	simm.s32 $0x0;
	s20 =	sshll.u32 s5, $0x1;
	s5 =	sadd.s32 s21, s3  }
0x9d: {  	[timem:s7], [sflag:s22] =	dma.local [hbm:s5], s20  }
0x9e: {  	_ =	swait.ge [sflag:s22], s20  }
0x9f: {  	s4 =	ssub.s32 $0x0, s20;
	[sflag:s22] =	ssyncset.done $0x0  }
0xa0: {  	[sflag:s22] =	ssyncadd.s32 s4;
	_ =	sdelay $0x1  }
0xa1: {  	s23 =	simm.s32 $0x1B8B  }
0xa2: {  	_ =	swait.ge [sflag:s23], $0x1  }
0xa3: {  	[sflag:s23] =	ssyncset.done $0x0  }
0xa4: {  	s25 =	simm.s32 $0x1B8E;
	s24 =	sld [smem:$0x3FFE];
	[sflag:s23] =	ssyncadd.s32 $0xFFFFFFFF  }
0xa5: {  	s26 =	simm.s32 $execute0_lowered;
	[smem:$0x3FD2] =	sst s25  }
0xa6: {  	s5 =	sshll.u32 s26, $0x1;
	_ =	strace $0x80000046;
	[dreg:$0x1] =	wrdreg $0xFFFFFFFF  }
0xa7: {  	s28 =	simm.s32 $_size_execute0_lowered;
	s3 =	sadd.s32 s3, s5;
	[dreg:$0x0] =	wrdreg $0x0  }
0xa8: {  	s5 =	sshll.u32 s28, $0x1;
	[dreg:$0x2] =	wrdreg s3  }
0xa9: {  	[dreg:$0x3] =	wrdreg s5  }
0xaa: {  	[dreg:$0x4] =	wrdreg $0xC0  }
0xab: {  	_ =	task [dreg:s7], $0x5FFFF  }
0xac: {  	[dreg:$0x1] =	wrdreg $0xFFFFFFFF  }
0xad: {  	[dreg:$0x0] =	wrdreg $0x60  }
0xae: {  	[dreg:$0x2] =	wrdreg s24  }
0xaf: {  	[dreg:$0x3] =	wrdreg s2  }
0xb0: {  	[dreg:$0x4] =	wrdreg $0x2BC00  }
0xb1: {  	[dreg:$0x5] =	wrdreg $0x9  }
0xb2: {  	_ =	task.clear_ibuf [dreg:s7], $0x6FFFF;
	_ =	strace $0x90000046  }
0xb3: {  	s29 =	simm.s32 $0x9;
	_ =	strace $0x80000048  }
0xb4: {  	_ =	swait.ge [sflag:s29], $0x1  }
0xb5: {  	[sflag:s29] =	ssyncadd.s32 $0xFFFFFFFF  }
0xb6: {  	_ =	strace $0x90000048  }
0xb7: {  	_ =	sfence  }
0xb8: {  	s30 =	sld [smem:$0x0];
	_ =	sdelay $0x2  }
0xb9: {  	s31 =	sshll.u32 s1, $0xD;
	s1 =	sshrl.u32 s1, $0x2  }
0xba: {  	s3 =	sand.u32 $0x4000, s31;
	s1 =	sadd.s32 s1, s30  }
0xbb: {  	s0 =	sor.u32 s3, s0;
	s1 =	sshll.u32 s1, $0x11  }
0xbc: {  	s0 =	sor.u32 s1, s0  }
0xbd: {  	s0 =	sadd.s32 $0x8F2B, s0  }
0xbe: {  	[sflag:s0] =	ssyncadd.remote.s32 $0x1  }
0xbf: {  	_ =	sfence.sel $0xFFFF  }
0xc0: {  	[dreg:$0x0] =	wrdreg $0xFFFFFFFF;
	(pc) =	sbr.abs _section_cstart, $3  }
0xc1: {  	[dreg:$0x1] =	wrdreg $0xFFFFFFFF  }
0xc2: {  	_ =	task.clear_ibuf [dreg:s7], $0x2FFFF;
	_ =	strace $0x9FFFFFFF  }
0xc3: {  	(tm) =	ssettm $0x7FFFFFFF  }
tec
execute0_lowered:
.L_overlay_start_1:
0x0: {  	(tag) =	ssettag $0x1  }
0x1: {  	s5 =	rddreg [dreg:$0x0]  }
0x2: {  	s0 =	srdreg.scid;
	s6 =	rddreg [dreg:$0x1]  }
0x3: {  	s2 =	rddreg [dreg:$0x2];
	s3 =	simm.s32 $0x0;
	s12 =	simm.s32 $0x40  }
0x4: {  	s13 =	simm.s32 $0x27C0;
	s4 =	sand.u32 $0x1, s0;
	s0 =	stileid.u32  }
0x5: {  	[smem:$0x7FF] =	sst s3;
	s1 =	sshll.u32 s4, $0x4;
	s8 =	smul.u32 $0x4E20, s4  }
0x6: {  	s4 =	ssub.s32 $0x2, s4;
	s9 =	smul.u32 $0x2800, s0;
	s1 =	sor.u32 s0, s1  }
0x7: {  	p0 =	seq.s32 s0, $0xF;
	s10 =	sshrl.u32 s4, $0x1;
	s7 =	smul.u32 $0x4F8, s1  }
0x8: {  	s1 =	rddreg [dreg:$0x3];
	_ =	strace $0x80000047;
	s8 =	sadd.s32 s8, s5  }
0x9: {  	s10 =	ssub.s32 s4, s10;
	s15 =	sshrl.u32 s9, $0x3;
	s11 =	sadd.s32 s9, s2  }
0xa: {  	s9 =	sadd.s32 $0x25800, s2;
	s16 =	sadd.s32 $0xD200, s8;
	s8 =	simm.s32 $0x1  }
0xb: {  	s9 =	sshrl.u32 @p0 s9, $0x3;
	s11 =	sshrl.u32 @!p0 s11, $0x3;
	s7 =	sadd.s32 s7, s5  }
0xc: {  	s5 =	sadd.s32 s6, s15;
	s6 =	sadd.s32 $0x4B00, s6;
	s14 =	sadd.s32 @p0 $0x4B00, s16  }
0xd: {  	s4 =	sadd.s32 $0x3200, s7;
	s7 =	smax.u32 s10, $0x1;
	s10 =	sshll.u32 @!p0 s0, $0x6  }
0xe: {  	v0 =	vimm.f32 $1.000000000e+00;
	s15 =	sadd.s32 @!p0 s15, s16;
	s16 =	simm.s32 $0x0;
	s10 =	sor.u32 @!p0 $0x1C01, s10  }
.LBB2_1:
0xf: {  	[tilespmem:s3], [sflag:$0x1] =	stream.linear.gather [hbm4b:s4+s3], $0x27C0, $0x38;
	[tilespmem:$0x52E0] =	vst v63  }
0x10: {  	_ =	swait.ge [sflag:s8], $0x27C0  }
0x11: {  	[sflag:s8] =	ssyncset.done $0x0  }
0x12: {  	s17 =	simm.s32 @p0 $0x1FC1;
	[sflag:s8] =	ssyncadd.s32 $0xFFFFD840  }
0x13: {  	[spmem:s9], [sflag:s17] =	dma.local @p0 [hbm:s6], $0x320  }
0x14: {  	s17 =	simm.s32 @p0 $0x1  }
0x15: {  	_ =	swait.ge @p0 [sflag:s17], $0x320  }
0x16: {  	[sflag:s17] =	ssyncset.done @p0 $0x0  }
0x17: {  	[sflag:s17] =	ssyncadd.s32 @p0 $0xFFFFFCE0;
	s17 =	simm.s32 @!p0 $0x1  }
0x18: {  	[spmem:s11], [sflag:s10] =	dma.local @!p0 [hbm:s5], $0x500  }
0x19: {  	_ =	swait.ge @!p0 [sflag:s17], $0x500  }
0x1a: {  	[sflag:s17] =	ssyncset.done @!p0 $0x0  }
0x1b: {  	[sflag:s17] =	ssyncadd.s32 @!p0 $0xFFFFFB00  }
0x1c: {  	[tilespmem:$0x27C0] =	vst v0  }
0x1d: {  	[tilespmem:$0x27D0] =	vst v0  }
0x1e: {  	[tilespmem:$0x27E0] =	vst v0  }
0x1f: {  	[tilespmem:$0x27F0] =	vst v0  }
0x20: {  	[tilespmem:$0x2800] =	vst v0  }
0x21: {  	[tilespmem:$0x2810] =	vst v0  }
0x22: {  	[tilespmem:$0x2820] =	vst v0  }
0x23: {  	[tilespmem:$0x2830] =	vst v0  }
0x24: {  	[tilespmem:$0x2840] =	vst v0  }
0x25: {  	[tilespmem:$0x2850] =	vst v0  }
0x26: {  	[tilespmem:$0x2860] =	vst v0  }
0x27: {  	[tilespmem:$0x2870] =	vst v0  }
0x28: {  	[tilespmem:$0x2880] =	vst v0  }
0x29: {  	[tilespmem:$0x2890] =	vst v0  }
0x2a: {  	[tilespmem:$0x28A0] =	vst v0  }
0x2b: {  	[tilespmem:$0x28B0] =	vst v0  }
0x2c: {  	[tilespmem:$0x28C0] =	vst v0  }
0x2d: {  	[tilespmem:$0x28D0] =	vst v0  }
0x2e: {  	[tilespmem:$0x28E0] =	vst v0  }
0x2f: {  	[tilespmem:$0x28F0] =	vst v0  }
0x30: {  	[tilespmem:$0x2900] =	vst v0  }
0x31: {  	[tilespmem:$0x2910] =	vst v0  }
0x32: {  	[tilespmem:$0x2920] =	vst v0  }
0x33: {  	[tilespmem:$0x2930] =	vst v0  }
0x34: {  	[tilespmem:$0x2940] =	vst v0  }
0x35: {  	[tilespmem:$0x2950] =	vst v0  }
0x36: {  	[tilespmem:$0x2960] =	vst v0  }
0x37: {  	[tilespmem:$0x2970] =	vst v0  }
0x38: {  	[tilespmem:$0x2980] =	vst v0  }
0x39: {  	[tilespmem:$0x2990] =	vst v0  }
0x3a: {  	[tilespmem:$0x29A0] =	vst v0  }
0x3b: {  	[tilespmem:$0x29B0] =	vst v0  }
0x3c: {  	[tilespmem:$0x29C0] =	vst v0  }
0x3d: {  	[tilespmem:$0x29D0] =	vst v0  }
0x3e: {  	[tilespmem:$0x29E0] =	vst v0  }
0x3f: {  	[tilespmem:$0x29F0] =	vst v0  }
0x40: {  	[tilespmem:$0x2A00] =	vst v0  }
0x41: {  	[tilespmem:$0x2A10] =	vst v0  }
0x42: {  	[tilespmem:$0x2A20] =	vst v0  }
0x43: {  	[tilespmem:$0x2A30] =	vst v0  }
0x44: {  	[tilespmem:$0x2A40] =	vst v0  }
0x45: {  	[tilespmem:$0x2A50] =	vst v0  }
0x46: {  	[tilespmem:$0x2A60] =	vst v0  }
0x47: {  	[tilespmem:$0x2A70] =	vst v0  }
0x48: {  	[tilespmem:$0x2A80] =	vst v0  }
0x49: {  	[tilespmem:$0x2A90] =	vst v0  }
0x4a: {  	[tilespmem:$0x2AA0] =	vst v0  }
0x4b: {  	[tilespmem:$0x2AB0] =	vst v0  }
0x4c: {  	[tilespmem:$0x2AC0] =	vst v0  }
0x4d: {  	[tilespmem:$0x2AD0] =	vst v0  }
0x4e: {  	[tilespmem:$0x2AE0] =	vst v0  }
0x4f: {  	[tilespmem:$0x2AF0] =	vst v0  }
0x50: {  	[tilespmem:$0x2B00] =	vst v0  }
0x51: {  	[tilespmem:$0x2B10] =	vst v0  }
0x52: {  	[tilespmem:$0x2B20] =	vst v0  }
0x53: {  	[tilespmem:$0x2B30] =	vst v0  }
0x54: {  	[tilespmem:$0x2B40] =	vst v0  }
0x55: {  	[tilespmem:$0x2B50] =	vst v0  }
0x56: {  	[tilespmem:$0x2B60] =	vst v0  }
0x57: {  	[tilespmem:$0x2B70] =	vst v0  }
0x58: {  	[tilespmem:$0x2B80] =	vst v0  }
0x59: {  	[tilespmem:$0x2B90] =	vst v0  }
0x5a: {  	[tilespmem:$0x2BA0] =	vst v0  }
0x5b: {  	[tilespmem:$0x2BB0] =	vst v0  }
0x5c: {  	s31 =	simm.s32 $0x0;
	[bflag:$0x0] =	sbarrier.arrive $0xFFFF  }
0x5d: {  	[spmem:s2] =	stream.indirect.scatter.add.f32 [tilespmem:s13], [sflag:$0x1], $0x10, s31, s12, $0xb8;
	[tilespmem:$0x52E0] =	vst v63  }
0x5e: {  	_ =	swait.ge [sflag:s8], $0x400  }
0x5f: {  	s17 =	simm.s32 $0x100;
	[sflag:s8] =	ssyncset.done $0x0  }
.LBB2_2:
0x60: {  	s18 =	sshra.s32 s17, $0x2;
	[sflag:s8] =	ssyncadd.s32 $0xFFFFFC00;
	p1 =	sne.s32 s17, $0x9E00  }
0x61: {  	[spmem:s2] =	stream.indirect.scatter.add.f32 [tilespmem:s13], [sflag:$0x1], $0x10, s18, s12, $0xb8;
	[tilespmem:$0x52E0] =	vst v63  }
.Ltmp0:
0x62: {  	_ = 	snop;
	(pc) =	sbr.rel @p1 .LBB2_2-.Ltmp0, $4  }
0x63: {  	_ = 	snop  }
0x64: {  	s17 =	sadd.s32 $0x100, s17  }
0x65: {  	_ =	swait.ge [sflag:s8], $0x400  }
0x66: {  	[sflag:s8] =	ssyncset.done $0x0  }
0x67: {  	[sflag:s8] =	ssyncadd.s32 $0xFFFFFC00  }
0x68: {  	s17 =	simm.s32 @p0 $0x1FC1;
	[bflag:$0x0] =	sbarrier.arrive $0xFFFF  }
0x69: {  	[hbm:s14], [sflag:s17] =	dma.local @p0 [spmem:s9], $0x320  }
0x6a: {  	s17 =	simm.s32 @p0 $0x1  }
0x6b: {  	s16 =	sadd.s32 $0x1, s16;
	_ =	swait.ge @p0 [sflag:s17], $0x320  }
0x6c: {  	p1 =	sne.s32 s16, s7;
	[sflag:s17] =	ssyncset.done @p0 $0x0  }
.Ltmp1:
0x6d: {  	[sflag:s17] =	ssyncadd.s32 @p0 $0xFFFFFCE0;
	s17 =	simm.s32 @!p0 $0x1;
	(pc) =	sbr.rel @p1 .LBB2_1-.Ltmp1, $4  }
0x6e: {  	[hbm:s15], [sflag:s10] =	dma.local @!p0 [spmem:s11], $0x500  }
0x6f: {  	_ =	swait.ge @!p0 [sflag:s17], $0x500  }
0x70: {  	[sflag:s17] =	ssyncset.done @!p0 $0x0  }
0x71: {  	[sflag:s17] =	ssyncadd.s32 @!p0 $0xFFFFFB00  }
0x72: {  	_ =	sfence.sel $0x180000  }
0x73: {  	[bflag:$0x0] =	sbarrier.arrive $0xFFFF  }
0x74: {  	p0 =	sne.s32 s0, $0x0;
	_ =	strace $0x90000047  }
0x75: {  	s0 =	sadd.s32 @!p0 $0x100000, s1;
	[bflag:$0x2] =	sbarrier.arrive $0xFFFF  }
0x76: {  	[sflag:s0] =	ssyncadd.tile.s32 @!p0 $0x1;
	_ =	shalt  }
.Lfunc_end2:
_tile_overlayer_lowered:
.L_overlay_start_2:
0x77: {  	(tag) =	ssettag $0x2  }
0x78: {  	s0 =	rddreg [dreg:$0x0];
	s2 =	stileid.u32  }
0x79: {  	s1 =	rddreg [dreg:$0x1];
	p0 =	sne.s32 s2, $0x0  }
0x7a: {  	s3 =	rddreg [dreg:$0x2];
	[bflag:$0x3] =	sbarrier.arrive $0xFFFF;
	s2 =	simm.s32 @!p0 $0x1C01  }
0x7b: {  	[timem:s3], [sflag:s2] =	dma.local @!p0 [hbm:s0], s1  }
0x7c: {  	s0 =	simm.s32 @!p0 $0x1  }
0x7d: {  	_ =	swait.ge @!p0 [sflag:s0], s1  }
0x7e: {  	s1 =	ssub.s32 @!p0 $0x0, s1;
	[sflag:s0] =	ssyncset.done @!p0 $0x0  }
0x7f: {  	[sflag:s0] =	ssyncadd.s32 @!p0 s1  }
0x80: {  	[bflag:$0x3] =	sbarrier.arrive $0xFFFF  }
0x81: {  	_ =	shalt  }

// kernel: kernel.13.cloned.1.call-start
scs
__scs_entry_jumppad:
0x0: {  	(pc) =	sbr.rel $0x88, $3  }
0x1: {  	(tag) =	ssettag $0x0;
	lr =	simm.s32 $0x1  }
0x2: {  	[smem:$0x3F99] =	sst lr;
	_ =	strace $0xD0000000  }
0x3: {  	_ = 	snop  }
0x4: {  	_ = 	snop  }
0x5: {  	_ = 	snop  }
0x6: {  	_ = 	snop  }
0x7: {  	_ = 	snop  }
__scs_overlays_trampoline_lowered:
0x8: {  	[smem:$0x3FA8] =	sst s0  }
0x9: {  	[smem:$0x3FA9] =	sst s1  }
0xa: {  	[smem:$0x3FAA] =	sst s2  }
0xb: {  	[smem:$0x3FAB] =	sst s3  }
0xc: {  	[smem:$0x3FAC] =	sst s4  }
0xd: {  	[smem:$0x3FAD] =	sst s5  }
0xe: {  	[smem:$0x3FAE] =	sst s6  }
0xf: {  	[smem:$0x3FAF] =	sst s7  }
0x10: {  	[smem:$0x3FB0] =	sst s8  }
0x11: {  	[smem:$0x3FB1] =	sst s9;
	s0 =	simm.s32 @!p0 $0x0  }
0x12: {  	s1 =	sld [smem:$0x3F97];
	s0 =	simm.s32 @p0 $0x1  }
0x13: {  	[smem:$0x3FB2] =	sst s0;
	s0 =	simm.s32 @!p1 $0x0  }
0x14: {  	s2 =	sld [smem:$0x3F96];
	s0 =	simm.s32 @p1 $0x1  }
0x15: {  	[smem:$0x3FB3] =	sst s0;
	s0 =	simm.s32 @!p2 $0x0  }
0x16: {  	s3 =	sld [smem:$0x3FDB];
	s0 =	simm.s32 @p2 $0x1  }
0x17: {  	s4 =	simm.s32 $0x1BF5;
	[smem:$0x3FB5] =	sst s0  }
0x18: {  	s0 =	sld [smem:$0x3F98];
	_ =	swait.ge [sflag:s4], $0x0  }
0x19: {  	s7 =	sld [smem:$0x3F99]  }
0x1a: {  	s8 =	sadd.s32 $0xFFFFE003, lr  }
0x1b: {  	s9 =	sadd.s32 $0xFFFFFEF7, lr;
	s5 =	simm.s32 $0xFFFFFFFF;
	p2 =	slt.u32 s8, $0xFFFFF086  }
0x1c: {  	p1 =	slt.u32 s9, $0xF7A;
	s5 =	simm.s32 @!p2 $0x0  }
0x1d: {  	s5 =	simm.s32 @p1 $0x1;
	p0 =	seq.s32 s7, s2  }
0x1e: {  	s7 =	smul.u32 @!p0 $0xF7A, s2;
	p2 =	seq.s32 @!p0 s5, $0x0  }
0x1f: {  	s9 =	smul.u32 $0xF7A, s1;
	s8 =	simm.s32 @!p0 $0x1BF5;
	p2 =	por !p2, p0  }
0x20: {  	[sflag:s8] =	ssyncset.s32 @!p0 $0xFFFFF086;
	s6 =	sadd.s32 @!p0 s3, s7;
	s7 =	simm.s32 @!p0 $0x108  }
0x21: {  	s3 =	sadd.s32 s3, s9;
	s6 =	sadd.s32 @!p0 $0x88, s6;
	s7 =	simm.s32 @p2 $0x1082  }
0x22: {  	[simem:s7], [sflag:s8] =	dma.local @!p0 [hbm:s6], $0xF7A  }
0x23: {  	s9 =	sor.u32 $0xD0000000, s2;
	s6 =	simm.s32 $0x108;
	_ =	swait.ge @!p0 [sflag:s8], $0x0  }
0x24: {  	s3 =	sadd.s32 $0x88, s3;
	s6 =	simm.s32 @!p1 $0x1082;
	[sflag:s4] =	ssyncset.s32 $0xFFFFF086  }
0x25: {  	[simem:s6], [sflag:s4] =	dma.local [hbm:s3], $0xF7A  }
0x26: {  	[smem:$0x3F99] =	sst s1;
	(tag) =	ssettag s2;
	_ =	strace s9  }
0x27: {  	s1 =	sld [smem:$0x3FA9]  }
0x28: {  	s2 =	sld [smem:$0x3FAA]  }
0x29: {  	s4 =	sld [smem:$0x3FAC]  }
0x2a: {  	p0 =	seq.s32 s5, $0x0;
	s5 =	sld [smem:$0x3FAD]  }
0x2b: {  	s6 =	sld [smem:$0x3FAE]  }
0x2c: {  	s7 =	sld [smem:$0x3FAF]  }
0x2d: {  	s3 =	simm.s32 $0x108;
	s8 =	sld [smem:$0x3FB0]  }
0x2e: {  	s3 =	simm.s32 @!p0 $0x1082;
	s9 =	sld [smem:$0x3FB1]  }
0x2f: {  	lr =	sadd.s32 s0, s3;
	s0 =	sld [smem:$0x3FA8]  }
0x30: {  	s3 =	sld [smem:$0x3FAB]  }
0x31: {  	[smem:$0x3FB4] =	sst s10  }
0x32: {  	s10 =	sld [smem:$0x3FB2];
	_ =	sdelay $0x3  }
0x33: {  	p0 =	seq.s32 s10, $0x1;
	s10 =	sld [smem:$0x3FB4];
	_ =	sdelay $0x3  }
0x34: {  	[smem:$0x3FB4] =	sst s10  }
0x35: {  	s10 =	sld [smem:$0x3FB3];
	_ =	sdelay $0x3  }
0x36: {  	p1 =	seq.s32 s10, $0x1;
	s10 =	sld [smem:$0x3FB4];
	_ =	sdelay $0x3  }
0x37: {  	[smem:$0x3FB4] =	sst s10  }
0x38: {  	s10 =	sld [smem:$0x3FB5]  }
0x39: {  	_ = 	snop;
	(pc) =	sbr.ind lr, $3  }
0x3a: {  	_ = 	snop  }
0x3b: {  	_ = 	snop  }
0x3c: {  	p2 =	seq.s32 s10, $0x1;
	s10 =	sld [smem:$0x3FB4]  }
0x3d: {  	_ =	shalt  }
0x3e: {  	_ =	shalt  }
0x3f: {  	_ =	shalt  }
0x40: {  	_ =	shalt  }
0x41: {  	_ =	shalt  }
0x42: {  	_ =	shalt  }
0x43: {  	_ =	shalt  }
0x44: {  	_ =	shalt  }
0x45: {  	_ =	shalt  }
0x46: {  	_ =	shalt  }
0x47: {  	_ =	shalt  }
0x48: {  	_ =	shalt  }
0x49: {  	_ =	shalt  }
0x4a: {  	_ =	shalt  }
0x4b: {  	_ =	shalt  }
0x4c: {  	_ =	shalt  }
0x4d: {  	_ =	shalt  }
0x4e: {  	_ =	shalt  }
0x4f: {  	_ =	shalt  }
0x50: {  	_ =	shalt  }
0x51: {  	_ =	shalt  }
0x52: {  	_ =	shalt  }
0x53: {  	_ =	shalt  }
0x54: {  	_ =	shalt  }
0x55: {  	_ =	shalt  }
0x56: {  	_ =	shalt  }
0x57: {  	_ =	shalt  }
0x58: {  	_ =	shalt  }
0x59: {  	_ =	shalt  }
0x5a: {  	_ =	shalt  }
0x5b: {  	_ =	shalt  }
0x5c: {  	_ =	shalt  }
0x5d: {  	_ =	shalt  }
0x5e: {  	_ =	shalt  }
0x5f: {  	_ =	shalt  }
0x60: {  	_ =	shalt  }
0x61: {  	_ =	shalt  }
0x62: {  	_ =	shalt  }
0x63: {  	_ =	shalt  }
0x64: {  	_ =	shalt  }
0x65: {  	_ =	shalt  }
0x66: {  	_ =	shalt  }
0x67: {  	_ =	shalt  }
0x68: {  	_ =	shalt  }
0x69: {  	_ =	shalt  }
0x6a: {  	_ =	shalt  }
0x6b: {  	_ =	shalt  }
0x6c: {  	_ =	shalt  }
0x6d: {  	_ =	shalt  }
0x6e: {  	_ =	shalt  }
0x6f: {  	_ =	shalt  }
0x70: {  	_ =	shalt  }
0x71: {  	_ =	shalt  }
0x72: {  	_ =	shalt  }
0x73: {  	_ =	shalt  }
0x74: {  	_ =	shalt  }
0x75: {  	_ =	shalt  }
0x76: {  	_ =	shalt  }
0x77: {  	_ =	shalt  }
0x78: {  	_ =	shalt  }
0x79: {  	_ =	shalt  }
0x7a: {  	_ =	shalt  }
0x7b: {  	_ =	shalt  }
0x7c: {  	_ =	shalt  }
0x7d: {  	_ =	shalt  }
0x7e: {  	_ =	shalt  }
0x7f: {  	_ =	shalt  }
0x80: {  	_ =	shalt  }
0x81: {  	_ =	shalt  }
0x82: {  	_ =	shalt  }
0x83: {  	_ =	shalt  }
0x84: {  	_ =	shalt  }
0x85: {  	_ =	shalt  }
0x86: {  	_ =	shalt  }
0x87: {  	_ =	shalt  }
.Lfunc_end0:
.L_simem_size_0:
called_computation.1_lowered:
.L_overlay_start_0:
0x88: {  	s2 =	sld [smem:$0x3FD9]  }
0x89: {  	s3 =	sld [smem:$0x3FFE];
	_ =	sdelay $0x1  }
0x8a: {  	s1 =	srdreg.scid  }
0x8b: {  	s0 =	sand.u32 $0x1, s1  }
0x8c: {  	s16 =	sshll.u32 s0, $0xA;
	s2 =	sadd.s32 s3, s2  }
0x8d: {  	s2 =	sadd.s32 s2, s16  }
0x8e: {  	[smem:$0x3FC0] =	sst s2  }
0x8f: {  	_ = 	snop  }
0x90: {  	(tm) =	ssettm $0x1  }
0x91: {  	s17 =	sld [smem:$0x3FFB];
	_ =	sdelay $0x3  }
0x92: {  	_ =	strace s17  }
0x93: {  	s2 =	sld [smem:$0x3FFC];
	_ =	sdelay $0x3  }
0x94: {  	_ =	strace s2  }
0x95: {  	s2 =	sld [smem:$0x3FFD];
	_ =	sdelay $0x3  }
0x96: {  	_ =	strace s2  }
0x97: {  	_ =	strace $0x8FFFFFFF  }
0x98: {  	s18 =	sld [smem:$0x3FDB];
	_ =	sdelay $0x1  }
0x99: {  	s19 =	simm.s32 $_scs_section_size  }
0x9a: {  	s4 =	simm.s32 $_size__tile_overlayer_lowered;
	s5 =	simm.s32 $_tile_overlayer_lowered  }
0x9b: {  	s22 =	simm.s32 $0x1BFF;
	s21 =	sshll.u32 s5, $0x1;
	s2 =	sadd.s32 s19, s18  }
0x9c: {  	s6 =	simm.s32 $0x0;
	s20 =	sshll.u32 s4, $0x1;
	s4 =	sadd.s32 s21, s2  }
0x9d: {  	[timem:s6], [sflag:s22] =	dma.local [hbm:s4], s20  }
0x9e: {  	_ =	swait.ge [sflag:s22], s20  }
0x9f: {  	s3 =	ssub.s32 $0x0, s20;
	[sflag:s22] =	ssyncset.done $0x0  }
0xa0: {  	[sflag:s22] =	ssyncadd.s32 s3;
	_ =	sdelay $0x1  }
0xa1: {  	s23 =	simm.s32 $0x1B8B  }
0xa2: {  	_ =	swait.ge [sflag:s23], $0x1  }
0xa3: {  	[sflag:s23] =	ssyncset.done $0x0  }
0xa4: {  	s25 =	simm.s32 $0x1B8E;
	s24 =	sld [smem:$0x3FFE];
	[sflag:s23] =	ssyncadd.s32 $0xFFFFFFFF  }
0xa5: {  	s26 =	simm.s32 $execute0_lowered;
	[smem:$0x3FD2] =	sst s25  }
0xa6: {  	s4 =	sshll.u32 s26, $0x1;
	_ =	strace $0x80000049;
	[dreg:$0x1] =	wrdreg $0xFFFFFFFF  }
0xa7: {  	s28 =	simm.s32 $_size_execute0_lowered;
	s2 =	sadd.s32 s2, s4;
	[dreg:$0x0] =	wrdreg $0x0  }
0xa8: {  	s4 =	sshll.u32 s28, $0x1;
	[dreg:$0x2] =	wrdreg s2  }
0xa9: {  	[dreg:$0x3] =	wrdreg s4  }
0xaa: {  	[dreg:$0x4] =	wrdreg $0xC0  }
0xab: {  	_ =	task [dreg:s6], $0x5FFFF  }
0xac: {  	[dreg:$0x1] =	wrdreg $0xFFFFFFFF  }
0xad: {  	[dreg:$0x0] =	wrdreg $0x60  }
0xae: {  	[dreg:$0x2] =	wrdreg s24  }
0xaf: {  	[dreg:$0x3] =	wrdreg $0xAF800  }
0xb0: {  	[dreg:$0x4] =	wrdreg $0x9  }
0xb1: {  	_ =	task.clear_ibuf [dreg:s6], $0x5FFFF;
	_ =	strace $0x90000049  }
0xb2: {  	s29 =	simm.s32 $0x9;
	_ =	strace $0x8000004B  }
0xb3: {  	_ =	swait.ge [sflag:s29], $0x1  }
0xb4: {  	[sflag:s29] =	ssyncadd.s32 $0xFFFFFFFF  }
0xb5: {  	_ =	strace $0x9000004B  }
0xb6: {  	_ =	sfence  }
0xb7: {  	s30 =	sld [smem:$0x0];
	_ =	sdelay $0x2  }
0xb8: {  	s31 =	sshll.u32 s1, $0xD;
	s1 =	sshrl.u32 s1, $0x2  }
0xb9: {  	s3 =	sand.u32 $0x4000, s31;
	s1 =	sadd.s32 s1, s30  }
0xba: {  	s0 =	sor.u32 s3, s0;
	s1 =	sshll.u32 s1, $0x11  }
0xbb: {  	s0 =	sor.u32 s1, s0  }
0xbc: {  	s0 =	sadd.s32 $0x8F2B, s0  }
0xbd: {  	[sflag:s0] =	ssyncadd.remote.s32 $0x1  }
0xbe: {  	_ =	sfence.sel $0xFFFF  }
0xbf: {  	[dreg:$0x0] =	wrdreg $0xFFFFFFFF;
	(pc) =	sbr.abs _section_cstart, $3  }
0xc0: {  	[dreg:$0x1] =	wrdreg $0xFFFFFFFF  }
0xc1: {  	_ =	task.clear_ibuf [dreg:s6], $0x2FFFF;
	_ =	strace $0x9FFFFFFF  }
0xc2: {  	(tm) =	ssettm $0x7FFFFFFF  }
0xc3: {  	_ =	shalt  }
tec
execute0_lowered:
.L_overlay_start_1:
0x0: {  	(tag) =	ssettag $0x1  }
0x1: {  	s9 =	rddreg [dreg:$0x0]  }
0x2: {  	s0 =	srdreg.scid;
	s2 =	rddreg [dreg:$0x1]  }
0x3: {  	s1 =	stileid.u32;
	s3 =	simm.s32 $0x0;
	s18 =	simm.s32 $0x4F80  }
0x4: {  	s19 =	simm.s32 $0x6F80;
	s20 =	simm.s32 $0x80;
	s21 =	simm.s32 $0x8F80  }
0x5: {  	s22 =	simm.s32 $0x1;
	s23 =	simm.s32 $0x2;
	s24 =	simm.s32 $0x3  }
0x6: {  	s25 =	simm.s32 $0x4EC0;
	s26 =	simm.s32 $0x4F00;
	s28 =	simm.s32 $0x4F40  }
0x7: {  	s29 =	simm.s32 $0x0;
	s5 =	sand.u32 $0x1, s0;
	[smem:$0x7FF] =	sst s3  }
0x8: {  	s8 =	smul.u32 $0x14000, s1;
	s15 =	sadd.s32 $0x12C000, s2;
	p0 =	seq.s32 s1, $0xF  }
0x9: {  	s4 =	sshll.u32 s5, $0x4;
	_ =	strace $0x8000004A;
	s7 =	smul.u32 $0x27100, s5  }
0xa: {  	s10 =	ssub.s32 $0x2, s5;
	s17 =	sshll.u32 @!p0 s1, $0x6;
	s4 =	sor.u32 s1, s4  }
0xb: {  	s5 =	sshrl.u32 s8, $0x3;
	s31 =	sshrl.u32 s10, $0x1;
	s16 =	sadd.s32 s8, s2  }
0xc: {  	s6 =	smul.u32 $0x4F8, s4;
	s4 =	sadd.s32 $0x21000, s9;
	s12 =	sadd.s32 s5, s9  }
0xd: {  	s13 =	sadd.s32 s7, s9;
	s14 =	ssub.s32 s10, s31;
	s16 =	sshrl.u32 @!p0 s16, $0x3  }
0xe: {  	s8 =	sadd.s32 $0x48200, s12;
	s10 =	sadd.s32 $0x6F400, s13;
	s12 =	simm.s32 $0x4  }
0xf: {  	s13 =	simm.s32 $0x27C0;
	s11 =	sadd.s32 s6, s9;
	s9 =	sadd.s32 $0x6DA00, s9  }
0x10: {  	s6 =	sadd.s32 $0x17000, s11;
	s7 =	sadd.s32 $0x3200, s11;
	s11 =	smax.u32 s14, $0x1  }
0x11: {  	s14 =	sshrl.u32 @p0 s15, $0x3;
	s15 =	sor.u32 @!p0 $0x1C04, s17;
	s17 =	simm.s32 $0x40  }
.LBB2_1:
0x12: {  	[tilespmem:s3], [sflag:$0x4] =	stream.linear.gather [hbm4b:s6+s3], $0x27C0, $0x38;
	[tilespmem:$0x1E880] =	vst v63  }
0x13: {  	_ =	swait.ge [sflag:s12], $0x27C0  }
0x14: {  	[sflag:s12] =	ssyncset.done $0x0  }
0x15: {  	[sflag:s12] =	ssyncadd.s32 $0xFFFFD840  }
0x16: {  	[tilespmem:s13], [sflag:$0x4] =	stream.linear.gather [hbm4b:s7+s3], $0x27C0, $0x38;
	[tilespmem:$0x1E880] =	vst v63  }
0x17: {  	_ =	swait.ge [sflag:s12], $0x27C0  }
0x18: {  	[sflag:s12] =	ssyncset.done $0x0  }
0x19: {  	s30 =	simm.s32 @p0 $0x1FC4;
	[sflag:s12] =	ssyncadd.s32 $0xFFFFD840  }
0x1a: {  	[spmem:s14], [sflag:s30] =	dma.local @p0 [hbm:s9], $0x1900  }
0x1b: {  	s30 =	simm.s32 @p0 $0x4  }
0x1c: {  	_ =	swait.ge @p0 [sflag:s30], $0x1900  }
0x1d: {  	[sflag:s30] =	ssyncset.done @p0 $0x0  }
0x1e: {  	[sflag:s30] =	ssyncadd.s32 @p0 $0xFFFFE700;
	s30 =	simm.s32 @!p0 $0x4  }
0x1f: {  	[spmem:s16], [sflag:s15] =	dma.local @!p0 [hbm:s8], $0x2800  }
0x20: {  	_ =	swait.ge @!p0 [sflag:s30], $0x2800  }
0x21: {  	[sflag:s30] =	ssyncset.done @!p0 $0x0  }
0x22: {  	[sflag:s30] =	ssyncadd.s32 @!p0 $0xFFFFD800  }
0x23: {  	[bflag:$0x0] =	sbarrier.arrive $0xFFFF  }
0x24: {  	[tilespmem:s18], [sflag:$0x1] =	stream.indirect.gather [hbm4b:s4+s17], $0x80, s3, s17, $0xb8;
	[tilespmem:$0x1E880] =	vst v63  }
0x25: {  	_ = 	snop  }
0x26: {  	[tilespmem:s19], [sflag:$0x2] =	stream.indirect.gather [hbm4b:s4+s17], $0x80, s17, s17, $0xb8;
	[tilespmem:$0x1E880] =	vst v63  }
0x27: {  	_ = 	snop  }
0x28: {  	[tilespmem:s21], [sflag:$0x3] =	stream.indirect.gather [hbm4b:s4+s17], $0x80, s20, s17, $0xb8;
	[tilespmem:$0x1E880] =	vst v63  }
0x29: {  	_ =	swait.ge [sflag:s22], $0x2000  }
0x2a: {  	[sflag:s22] =	ssyncset.done $0x0  }
0x2b: {  	s30 =	simm.s32 $0x27C0;
	[sflag:s22] =	ssyncadd.s32 $0xFFFFE000  }
0x2c: {  	[spmem:s2] =	stream.indirect.scatter.add.f32 [tilespmem:s18], [sflag:$0x4], $0x80, s30, s17, $0xb8;
	[tilespmem:$0x1E880] =	vst v63  }
0x2d: {  	_ =	swait.ge [sflag:s12], $0x2000  }
0x2e: {  	[sflag:s12] =	ssyncset.done $0x0  }
0x2f: {  	s30 =	simm.s32 $0xC0;
	[sflag:s12] =	ssyncadd.s32 $0xFFFFE000  }
0x30: {  	[tilespmem:s18], [sflag:$0x1] =	stream.indirect.gather [hbm4b:s4+s17], $0x80, s30, s17, $0xb8;
	[tilespmem:$0x1E880] =	vst v63  }
0x31: {  	_ =	swait.ge [sflag:s23], $0x2000  }
0x32: {  	[sflag:s23] =	ssyncset.done $0x0  }
0x33: {  	s30 =	simm.s32 $0x2800;
	[sflag:s23] =	ssyncadd.s32 $0xFFFFE000  }
0x34: {  	[spmem:s2] =	stream.indirect.scatter.add.f32 [tilespmem:s19], [sflag:$0x4], $0x80, s30, s17, $0xb8;
	[tilespmem:$0x1E880] =	vst v63  }
0x35: {  	_ =	swait.ge [sflag:s12], $0x2000  }
0x36: {  	[sflag:s12] =	ssyncset.done $0x0  }
0x37: {  	s30 =	simm.s32 $0x100;
	[sflag:s12] =	ssyncadd.s32 $0xFFFFE000  }
0x38: {  	[tilespmem:s19], [sflag:$0x2] =	stream.indirect.gather [hbm4b:s4+s17], $0x80, s30, s17, $0xb8;
	[tilespmem:$0x1E880] =	vst v63  }
0x39: {  	_ =	swait.ge [sflag:s24], $0x2000  }
0x3a: {  	[sflag:s24] =	ssyncset.done $0x0  }
0x3b: {  	s30 =	simm.s32 $0x2840;
	[sflag:s24] =	ssyncadd.s32 $0xFFFFE000  }
0x3c: {  	[spmem:s2] =	stream.indirect.scatter.add.f32 [tilespmem:s21], [sflag:$0x4], $0x80, s30, s17, $0xb8;
	[tilespmem:$0x1E880] =	vst v63  }
0x3d: {  	_ =	swait.ge [sflag:s12], $0x2000  }
0x3e: {  	[sflag:s12] =	ssyncset.done $0x0  }
0x3f: {  	s31 =	simm.s32 $0x140;
	s30 =	simm.s32 $0x300;
	[sflag:s12] =	ssyncadd.s32 $0xFFFFE000  }
.LBB2_2:
0x40: {  	[tilespmem:s21], [sflag:$0x3] =	stream.indirect.gather [hbm4b:s4+s17], $0x80, s31, s17, $0xb8;
	[tilespmem:$0x1E880] =	vst v63  }
0x41: {  	s31 =	smov.u32 s30  }
0x42: {  	p1 =	sne.s32 s30, $0x9900;
	s30 =	sadd.s32 $0x300, s30;
	_ =	swait.ge [sflag:s22], $0x2000  }
0x43: {  	s31 =	sshra.s32 s31, $0x2;
	[sflag:s22] =	ssyncset.done $0x0  }
0x44: {  	s0 =	sadd.s32 $0x27C0, s31;
	[sflag:s22] =	ssyncadd.s32 $0xFFFFE000  }
0x45: {  	[spmem:s2] =	stream.indirect.scatter.add.f32 [tilespmem:s18], [sflag:$0x4], $0x80, s0, s17, $0xb8;
	[tilespmem:$0x1E880] =	vst v63  }
0x46: {  	_ =	swait.ge [sflag:s12], $0x2000  }
0x47: {  	[sflag:s12] =	ssyncset.done $0x0  }
0x48: {  	s0 =	sadd.s32 $0xC0, s31;
	[sflag:s12] =	ssyncadd.s32 $0xFFFFE000  }
0x49: {  	[tilespmem:s18], [sflag:$0x1] =	stream.indirect.gather [hbm4b:s4+s17], $0x80, s0, s17, $0xb8;
	[tilespmem:$0x1E880] =	vst v63  }
0x4a: {  	_ =	swait.ge [sflag:s23], $0x2000  }
0x4b: {  	[sflag:s23] =	ssyncset.done $0x0  }
0x4c: {  	s0 =	sadd.s32 $0x2800, s31;
	[sflag:s23] =	ssyncadd.s32 $0xFFFFE000  }
0x4d: {  	[spmem:s2] =	stream.indirect.scatter.add.f32 [tilespmem:s19], [sflag:$0x4], $0x80, s0, s17, $0xb8;
	[tilespmem:$0x1E880] =	vst v63  }
0x4e: {  	_ =	swait.ge [sflag:s12], $0x2000  }
0x4f: {  	[sflag:s12] =	ssyncset.done $0x0  }
0x50: {  	s0 =	sadd.s32 $0x100, s31;
	[sflag:s12] =	ssyncadd.s32 $0xFFFFE000  }
0x51: {  	[tilespmem:s19], [sflag:$0x2] =	stream.indirect.gather [hbm4b:s4+s17], $0x80, s0, s17, $0xb8;
	[tilespmem:$0x1E880] =	vst v63  }
0x52: {  	_ =	swait.ge [sflag:s24], $0x2000  }
0x53: {  	[sflag:s24] =	ssyncset.done $0x0  }
.Ltmp0:
0x54: {  	s0 =	sadd.s32 $0x2840, s31;
	[sflag:s24] =	ssyncadd.s32 $0xFFFFE000;
	(pc) =	sbr.rel @p1 .LBB2_2-.Ltmp0, $4  }
0x55: {  	[spmem:s2] =	stream.indirect.scatter.add.f32 [tilespmem:s21], [sflag:$0x4], $0x80, s0, s17, $0xb8;
	[tilespmem:$0x1E880] =	vst v63  }
0x56: {  	_ =	swait.ge [sflag:s12], $0x2000  }
0x57: {  	[sflag:s12] =	ssyncset.done $0x0  }
0x58: {  	s31 =	sadd.s32 $0x140, s31;
	[sflag:s12] =	ssyncadd.s32 $0xFFFFE000  }
0x59: {  	[tilespmem:s21], [sflag:$0x3] =	stream.indirect.gather [hbm4b:s4+s17], $0x80, s31, s17, $0xb8;
	[tilespmem:$0x1E880] =	vst v63  }
0x5a: {  	_ =	swait.ge [sflag:s22], $0x2000  }
0x5b: {  	[sflag:s22] =	ssyncset.done $0x0  }
0x5c: {  	[sflag:s22] =	ssyncadd.s32 $0xFFFFE000  }
0x5d: {  	[spmem:s2] =	stream.indirect.scatter.add.f32 [tilespmem:s18], [sflag:$0x4], $0x80, s25, s17, $0xb8;
	[tilespmem:$0x1E880] =	vst v63  }
0x5e: {  	_ =	swait.ge [sflag:s12], $0x2000  }
0x5f: {  	[sflag:s12] =	ssyncset.done $0x0  }
0x60: {  	[sflag:s12] =	ssyncadd.s32 $0xFFFFE000  }
0x61: {  	_ =	swait.ge [sflag:s23], $0x2000  }
0x62: {  	[sflag:s23] =	ssyncset.done $0x0  }
0x63: {  	[sflag:s23] =	ssyncadd.s32 $0xFFFFE000  }
0x64: {  	[spmem:s2] =	stream.indirect.scatter.add.f32 [tilespmem:s19], [sflag:$0x4], $0x80, s26, s17, $0xb8;
	[tilespmem:$0x1E880] =	vst v63  }
0x65: {  	_ =	swait.ge [sflag:s12], $0x2000  }
0x66: {  	[sflag:s12] =	ssyncset.done $0x0  }
0x67: {  	[sflag:s12] =	ssyncadd.s32 $0xFFFFE000  }
0x68: {  	_ =	swait.ge [sflag:s24], $0x2000  }
0x69: {  	[sflag:s24] =	ssyncset.done $0x0  }
0x6a: {  	[sflag:s24] =	ssyncadd.s32 $0xFFFFE000  }
0x6b: {  	[spmem:s2] =	stream.indirect.scatter.add.f32 [tilespmem:s21], [sflag:$0x4], $0x80, s28, s17, $0xb8;
	[tilespmem:$0x1E880] =	vst v63  }
0x6c: {  	_ =	swait.ge [sflag:s12], $0x2000  }
0x6d: {  	[sflag:s12] =	ssyncset.done $0x0  }
0x6e: {  	[sflag:s12] =	ssyncadd.s32 $0xFFFFE000  }
0x6f: {  	s0 =	sadd.s32 @p0 $0x25800, s10;
	s30 =	simm.s32 @p0 $0x1FC4;
	[bflag:$0x0] =	sbarrier.arrive $0xFFFF  }
0x70: {  	[hbm:s0], [sflag:s30] =	dma.local @p0 [spmem:s14], $0x1900  }
0x71: {  	s0 =	simm.s32 @p0 $0x4  }
0x72: {  	_ =	swait.ge @p0 [sflag:s0], $0x1900  }
0x73: {  	s29 =	sadd.s32 $0x1, s29;
	[sflag:s0] =	ssyncset.done @p0 $0x0  }
0x74: {  	p1 =	sne.s32 s29, s11;
	[sflag:s0] =	ssyncadd.s32 @p0 $0xFFFFE700;
	s0 =	sadd.s32 @!p0 s5, s10  }
0x75: {  	[hbm:s0], [sflag:s15] =	dma.local @!p0 [spmem:s16], $0x2800  }
.Ltmp1:
0x76: {  	_ = 	snop;
	(pc) =	sbr.rel @p1 .LBB2_1-.Ltmp1, $4  }
0x77: {  	s0 =	simm.s32 @!p0 $0x4  }
0x78: {  	_ =	swait.ge @!p0 [sflag:s0], $0x2800  }
0x79: {  	[sflag:s0] =	ssyncset.done @!p0 $0x0  }
0x7a: {  	[sflag:s0] =	ssyncadd.s32 @!p0 $0xFFFFD800  }
0x7b: {  	_ =	sfence.sel $0x180000  }
0x7c: {  	[bflag:$0x0] =	sbarrier.arrive $0xFFFF  }
0x7d: {  	_ =	strace $0x9000004A  }
0x7e: {  	[bflag:$0x2] =	sbarrier.arrive $0xFFFF  }
0x7f: {  	p0 =	sne.s32 s1, $0x0;
	s0 =	rddreg [dreg:$0x2]  }
0x80: {  	s0 =	sadd.s32 @!p0 $0x100000, s0  }
0x81: {  	[sflag:s0] =	ssyncadd.tile.s32 @!p0 $0x1;
	_ =	shalt  }
.Lfunc_end2:
_tile_overlayer_lowered:
.L_overlay_start_2:
0x82: {  	(tag) =	ssettag $0x2  }
0x83: {  	s0 =	rddreg [dreg:$0x0];
	s2 =	stileid.u32  }
0x84: {  	s1 =	rddreg [dreg:$0x1];
	p0 =	sne.s32 s2, $0x0  }
0x85: {  	s3 =	rddreg [dreg:$0x2];
	[bflag:$0x3] =	sbarrier.arrive $0xFFFF;
	s2 =	simm.s32 @!p0 $0x1C04  }
0x86: {  	[timem:s3], [sflag:s2] =	dma.local @!p0 [hbm:s0], s1  }
0x87: {  	s0 =	simm.s32 @!p0 $0x4  }
0x88: {  	_ =	swait.ge @!p0 [sflag:s0], s1  }
0x89: {  	s1 =	ssub.s32 @!p0 $0x0, s1;
	[sflag:s0] =	ssyncset.done @!p0 $0x0  }
0x8a: {  	[sflag:s0] =	ssyncadd.s32 @!p0 s1  }
0x8b: {  	[bflag:$0x3] =	sbarrier.arrive $0xFFFF  }
0x8c: {  	_ =	shalt  }

// kernel: kernel.16.cloned.1.call-start
scs
__scs_entry_jumppad:
0x0: {  	(pc) =	sbr.rel $0x88, $3  }
0x1: {  	(tag) =	ssettag $0x0;
	lr =	simm.s32 $0x1  }
0x2: {  	[smem:$0x3F99] =	sst lr;
	_ =	strace $0xD0000000  }
0x3: {  	_ = 	snop  }
0x4: {  	_ = 	snop  }
0x5: {  	_ = 	snop  }
0x6: {  	_ = 	snop  }
0x7: {  	_ = 	snop  }
__scs_overlays_trampoline_lowered:
0x8: {  	[smem:$0x3FA8] =	sst s0  }
0x9: {  	[smem:$0x3FA9] =	sst s1  }
0xa: {  	[smem:$0x3FAA] =	sst s2  }
0xb: {  	[smem:$0x3FAB] =	sst s3  }
0xc: {  	[smem:$0x3FAC] =	sst s4  }
0xd: {  	[smem:$0x3FAD] =	sst s5  }
0xe: {  	[smem:$0x3FAE] =	sst s6  }
0xf: {  	[smem:$0x3FAF] =	sst s7  }
0x10: {  	[smem:$0x3FB0] =	sst s8  }
0x11: {  	[smem:$0x3FB1] =	sst s9;
	s0 =	simm.s32 @!p0 $0x0  }
0x12: {  	s1 =	sld [smem:$0x3F97];
	s0 =	simm.s32 @p0 $0x1  }
0x13: {  	[smem:$0x3FB2] =	sst s0;
	s0 =	simm.s32 @!p1 $0x0  }
0x14: {  	s2 =	sld [smem:$0x3F96];
	s0 =	simm.s32 @p1 $0x1  }
0x15: {  	[smem:$0x3FB3] =	sst s0;
	s0 =	simm.s32 @!p2 $0x0  }
0x16: {  	s3 =	sld [smem:$0x3FDB];
	s0 =	simm.s32 @p2 $0x1  }
0x17: {  	s4 =	simm.s32 $0x1BF5;
	[smem:$0x3FB5] =	sst s0  }
0x18: {  	s0 =	sld [smem:$0x3F98];
	_ =	swait.ge [sflag:s4], $0x0  }
0x19: {  	s7 =	sld [smem:$0x3F99]  }
0x1a: {  	s8 =	sadd.s32 $0xFFFFE003, lr  }
0x1b: {  	s9 =	sadd.s32 $0xFFFFFEF7, lr;
	s5 =	simm.s32 $0xFFFFFFFF;
	p2 =	slt.u32 s8, $0xFFFFF086  }
0x1c: {  	p1 =	slt.u32 s9, $0xF7A;
	s5 =	simm.s32 @!p2 $0x0  }
0x1d: {  	s5 =	simm.s32 @p1 $0x1;
	p0 =	seq.s32 s7, s2  }
0x1e: {  	s7 =	smul.u32 @!p0 $0xF7A, s2;
	p2 =	seq.s32 @!p0 s5, $0x0  }
0x1f: {  	s9 =	smul.u32 $0xF7A, s1;
	s8 =	simm.s32 @!p0 $0x1BF5;
	p2 =	por !p2, p0  }
0x20: {  	[sflag:s8] =	ssyncset.s32 @!p0 $0xFFFFF086;
	s6 =	sadd.s32 @!p0 s3, s7;
	s7 =	simm.s32 @!p0 $0x108  }
0x21: {  	s3 =	sadd.s32 s3, s9;
	s6 =	sadd.s32 @!p0 $0x88, s6;
	s7 =	simm.s32 @p2 $0x1082  }
0x22: {  	[simem:s7], [sflag:s8] =	dma.local @!p0 [hbm:s6], $0xF7A  }
0x23: {  	s9 =	sor.u32 $0xD0000000, s2;
	s6 =	simm.s32 $0x108;
	_ =	swait.ge @!p0 [sflag:s8], $0x0  }
0x24: {  	s3 =	sadd.s32 $0x88, s3;
	s6 =	simm.s32 @!p1 $0x1082;
	[sflag:s4] =	ssyncset.s32 $0xFFFFF086  }
0x25: {  	[simem:s6], [sflag:s4] =	dma.local [hbm:s3], $0xF7A  }
0x26: {  	[smem:$0x3F99] =	sst s1;
	(tag) =	ssettag s2;
	_ =	strace s9  }
0x27: {  	s1 =	sld [smem:$0x3FA9]  }
0x28: {  	s2 =	sld [smem:$0x3FAA]  }
0x29: {  	s4 =	sld [smem:$0x3FAC]  }
0x2a: {  	p0 =	seq.s32 s5, $0x0;
	s5 =	sld [smem:$0x3FAD]  }
0x2b: {  	s6 =	sld [smem:$0x3FAE]  }
0x2c: {  	s7 =	sld [smem:$0x3FAF]  }
0x2d: {  	s3 =	simm.s32 $0x108;
	s8 =	sld [smem:$0x3FB0]  }
0x2e: {  	s3 =	simm.s32 @!p0 $0x1082;
	s9 =	sld [smem:$0x3FB1]  }
0x2f: {  	lr =	sadd.s32 s0, s3;
	s0 =	sld [smem:$0x3FA8]  }
0x30: {  	s3 =	sld [smem:$0x3FAB]  }
0x31: {  	[smem:$0x3FB4] =	sst s10  }
0x32: {  	s10 =	sld [smem:$0x3FB2];
	_ =	sdelay $0x3  }
0x33: {  	p0 =	seq.s32 s10, $0x1;
	s10 =	sld [smem:$0x3FB4];
	_ =	sdelay $0x3  }
0x34: {  	[smem:$0x3FB4] =	sst s10  }
0x35: {  	s10 =	sld [smem:$0x3FB3];
	_ =	sdelay $0x3  }
0x36: {  	p1 =	seq.s32 s10, $0x1;
	s10 =	sld [smem:$0x3FB4];
	_ =	sdelay $0x3  }
0x37: {  	[smem:$0x3FB4] =	sst s10  }
0x38: {  	s10 =	sld [smem:$0x3FB5]  }
0x39: {  	_ = 	snop;
	(pc) =	sbr.ind lr, $3  }
0x3a: {  	_ = 	snop  }
0x3b: {  	_ = 	snop  }
0x3c: {  	p2 =	seq.s32 s10, $0x1;
	s10 =	sld [smem:$0x3FB4]  }
0x3d: {  	_ =	shalt  }
0x3e: {  	_ =	shalt  }
0x3f: {  	_ =	shalt  }
0x40: {  	_ =	shalt  }
0x41: {  	_ =	shalt  }
0x42: {  	_ =	shalt  }
0x43: {  	_ =	shalt  }
0x44: {  	_ =	shalt  }
0x45: {  	_ =	shalt  }
0x46: {  	_ =	shalt  }
0x47: {  	_ =	shalt  }
0x48: {  	_ =	shalt  }
0x49: {  	_ =	shalt  }
0x4a: {  	_ =	shalt  }
0x4b: {  	_ =	shalt  }
0x4c: {  	_ =	shalt  }
0x4d: {  	_ =	shalt  }
0x4e: {  	_ =	shalt  }
0x4f: {  	_ =	shalt  }
0x50: {  	_ =	shalt  }
0x51: {  	_ =	shalt  }
0x52: {  	_ =	shalt  }
0x53: {  	_ =	shalt  }
0x54: {  	_ =	shalt  }
0x55: {  	_ =	shalt  }
0x56: {  	_ =	shalt  }
0x57: {  	_ =	shalt  }
0x58: {  	_ =	shalt  }
0x59: {  	_ =	shalt  }
0x5a: {  	_ =	shalt  }
0x5b: {  	_ =	shalt  }
0x5c: {  	_ =	shalt  }
0x5d: {  	_ =	shalt  }
0x5e: {  	_ =	shalt  }
0x5f: {  	_ =	shalt  }
0x60: {  	_ =	shalt  }
0x61: {  	_ =	shalt  }
0x62: {  	_ =	shalt  }
0x63: {  	_ =	shalt  }
0x64: {  	_ =	shalt  }
0x65: {  	_ =	shalt  }
0x66: {  	_ =	shalt  }
0x67: {  	_ =	shalt  }
0x68: {  	_ =	shalt  }
0x69: {  	_ =	shalt  }
0x6a: {  	_ =	shalt  }
0x6b: {  	_ =	shalt  }
0x6c: {  	_ =	shalt  }
0x6d: {  	_ =	shalt  }
0x6e: {  	_ =	shalt  }
0x6f: {  	_ =	shalt  }
0x70: {  	_ =	shalt  }
0x71: {  	_ =	shalt  }
0x72: {  	_ =	shalt  }
0x73: {  	_ =	shalt  }
0x74: {  	_ =	shalt  }
0x75: {  	_ =	shalt  }
0x76: {  	_ =	shalt  }
0x77: {  	_ =	shalt  }
0x78: {  	_ =	shalt  }
0x79: {  	_ =	shalt  }
0x7a: {  	_ =	shalt  }
0x7b: {  	_ =	shalt  }
0x7c: {  	_ =	shalt  }
0x7d: {  	_ =	shalt  }
0x7e: {  	_ =	shalt  }
0x7f: {  	_ =	shalt  }
0x80: {  	_ =	shalt  }
0x81: {  	_ =	shalt  }
0x82: {  	_ =	shalt  }
0x83: {  	_ =	shalt  }
0x84: {  	_ =	shalt  }
0x85: {  	_ =	shalt  }
0x86: {  	_ =	shalt  }
0x87: {  	_ =	shalt  }
.Lfunc_end0:
.L_simem_size_0:
called_computation.2_lowered:
.L_overlay_start_0:
0x88: {  	s2 =	sld [smem:$0x3FD9]  }
0x89: {  	s3 =	sld [smem:$0x3FFE];
	_ =	sdelay $0x1  }
0x8a: {  	s1 =	srdreg.scid  }
0x8b: {  	s0 =	sand.u32 $0x1, s1  }
0x8c: {  	s16 =	sshll.u32 s0, $0xA;
	s2 =	sadd.s32 s3, s2  }
0x8d: {  	s2 =	sadd.s32 s2, s16  }
0x8e: {  	[smem:$0x3FC0] =	sst s2  }
0x8f: {  	_ = 	snop  }
0x90: {  	(tm) =	ssettm $0x1  }
0x91: {  	s17 =	sld [smem:$0x3FFB];
	_ =	sdelay $0x3  }
0x92: {  	_ =	strace s17  }
0x93: {  	s2 =	sld [smem:$0x3FFC];
	_ =	sdelay $0x3  }
0x94: {  	_ =	strace s2  }
0x95: {  	s2 =	sld [smem:$0x3FFD];
	_ =	sdelay $0x3  }
0x96: {  	_ =	strace s2  }
0x97: {  	_ =	strace $0x8FFFFFFF  }
0x98: {  	s18 =	sld [smem:$0x3FDB];
	_ =	sdelay $0x1  }
0x99: {  	s19 =	simm.s32 $_scs_section_size  }
0x9a: {  	s4 =	simm.s32 $_size__tile_overlayer_lowered;
	s5 =	simm.s32 $_tile_overlayer_lowered  }
0x9b: {  	s22 =	simm.s32 $0x1BFF;
	s21 =	sshll.u32 s5, $0x1;
	s2 =	sadd.s32 s19, s18  }
0x9c: {  	s6 =	simm.s32 $0x0;
	s20 =	sshll.u32 s4, $0x1;
	s4 =	sadd.s32 s21, s2  }
0x9d: {  	[timem:s6], [sflag:s22] =	dma.local [hbm:s4], s20  }
0x9e: {  	_ =	swait.ge [sflag:s22], s20  }
0x9f: {  	s3 =	ssub.s32 $0x0, s20;
	[sflag:s22] =	ssyncset.done $0x0  }
0xa0: {  	[sflag:s22] =	ssyncadd.s32 s3;
	_ =	sdelay $0x1  }
0xa1: {  	s23 =	simm.s32 $0x1B8B  }
0xa2: {  	_ =	swait.ge [sflag:s23], $0x1  }
0xa3: {  	[sflag:s23] =	ssyncset.done $0x0  }
0xa4: {  	s25 =	simm.s32 $0x1B8E;
	s24 =	sld [smem:$0x3FFE];
	[sflag:s23] =	ssyncadd.s32 $0xFFFFFFFF  }
0xa5: {  	s26 =	simm.s32 $execute0_lowered;
	[smem:$0x3FD2] =	sst s25  }
0xa6: {  	s4 =	sshll.u32 s26, $0x1;
	_ =	strace $0x8000004C;
	[dreg:$0x1] =	wrdreg $0xFFFFFFFF  }
0xa7: {  	s28 =	simm.s32 $_size_execute0_lowered;
	s2 =	sadd.s32 s2, s4;
	[dreg:$0x0] =	wrdreg $0x0  }
0xa8: {  	s4 =	sshll.u32 s28, $0x1;
	[dreg:$0x2] =	wrdreg s2  }
0xa9: {  	[dreg:$0x3] =	wrdreg s4  }
0xaa: {  	[dreg:$0x4] =	wrdreg $0xC0  }
0xab: {  	_ =	task [dreg:s6], $0x5FFFF  }
0xac: {  	[dreg:$0x1] =	wrdreg $0xFFFFFFFF  }
0xad: {  	[dreg:$0x0] =	wrdreg $0x60  }
0xae: {  	[dreg:$0x2] =	wrdreg s24  }
0xaf: {  	[dreg:$0x3] =	wrdreg $0xAF800  }
0xb0: {  	[dreg:$0x4] =	wrdreg $0x9  }
0xb1: {  	_ =	task.clear_ibuf [dreg:s6], $0x5FFFF;
	_ =	strace $0x9000004C  }
0xb2: {  	s29 =	simm.s32 $0x9;
	_ =	strace $0x8000004E  }
0xb3: {  	_ =	swait.ge [sflag:s29], $0x1  }
0xb4: {  	[sflag:s29] =	ssyncadd.s32 $0xFFFFFFFF  }
0xb5: {  	_ =	strace $0x9000004E  }
0xb6: {  	_ =	sfence  }
0xb7: {  	s30 =	sld [smem:$0x0];
	_ =	sdelay $0x2  }
0xb8: {  	s31 =	sshll.u32 s1, $0xD;
	s1 =	sshrl.u32 s1, $0x2  }
0xb9: {  	s3 =	sand.u32 $0x4000, s31;
	s1 =	sadd.s32 s1, s30  }
0xba: {  	s0 =	sor.u32 s3, s0;
	s1 =	sshll.u32 s1, $0x11  }
0xbb: {  	s0 =	sor.u32 s1, s0  }
0xbc: {  	s0 =	sadd.s32 $0x8F2B, s0  }
0xbd: {  	[sflag:s0] =	ssyncadd.remote.s32 $0x1  }
0xbe: {  	_ =	sfence.sel $0xFFFF  }
0xbf: {  	[dreg:$0x0] =	wrdreg $0xFFFFFFFF;
	(pc) =	sbr.abs _section_cstart, $3  }
0xc0: {  	[dreg:$0x1] =	wrdreg $0xFFFFFFFF  }
0xc1: {  	_ =	task.clear_ibuf [dreg:s6], $0x2FFFF;
	_ =	strace $0x9FFFFFFF  }
0xc2: {  	(tm) =	ssettm $0x7FFFFFFF  }
0xc3: {  	_ =	shalt  }
tec
execute0_lowered:
.L_overlay_start_1:
0x0: {  	(tag) =	ssettag $0x1  }
0x1: {  	s9 =	rddreg [dreg:$0x0]  }
0x2: {  	s0 =	srdreg.scid;
	s2 =	rddreg [dreg:$0x1]  }
0x3: {  	s1 =	stileid.u32;
	s3 =	simm.s32 $0x0;
	s18 =	simm.s32 $0x4F80  }
0x4: {  	s19 =	simm.s32 $0x6F80;
	s20 =	simm.s32 $0x80;
	s21 =	simm.s32 $0x8F80  }
0x5: {  	s22 =	simm.s32 $0x1;
	s23 =	simm.s32 $0x2;
	s24 =	simm.s32 $0x3  }
0x6: {  	s25 =	simm.s32 $0x4EC0;
	s26 =	simm.s32 $0x4F00;
	s28 =	simm.s32 $0x4F40  }
0x7: {  	s29 =	simm.s32 $0x0;
	s5 =	sand.u32 $0x1, s0;
	[smem:$0x7FF] =	sst s3  }
0x8: {  	s8 =	smul.u32 $0x14000, s1;
	s15 =	sadd.s32 $0x12C000, s2;
	p0 =	seq.s32 s1, $0xF  }
0x9: {  	s4 =	sshll.u32 s5, $0x4;
	_ =	strace $0x8000004D;
	s7 =	smul.u32 $0x27100, s5  }
0xa: {  	s10 =	ssub.s32 $0x2, s5;
	s17 =	sshll.u32 @!p0 s1, $0x6;
	s4 =	sor.u32 s1, s4  }
0xb: {  	s5 =	sshrl.u32 s8, $0x3;
	s31 =	sshrl.u32 s10, $0x1;
	s16 =	sadd.s32 s8, s2  }
0xc: {  	s6 =	smul.u32 $0x4F8, s4;
	s4 =	sadd.s32 $0x21000, s9;
	s12 =	sadd.s32 s5, s9  }
0xd: {  	s13 =	sadd.s32 s7, s9;
	s14 =	ssub.s32 s10, s31;
	s16 =	sshrl.u32 @!p0 s16, $0x3  }
0xe: {  	s8 =	sadd.s32 $0x48200, s12;
	s10 =	sadd.s32 $0x6F400, s13;
	s12 =	simm.s32 $0x4  }
0xf: {  	s13 =	simm.s32 $0x27C0;
	s11 =	sadd.s32 s6, s9;
	s9 =	sadd.s32 $0x6DA00, s9  }
0x10: {  	s6 =	sadd.s32 $0x17000, s11;
	s7 =	sadd.s32 $0x3200, s11;
	s11 =	smax.u32 s14, $0x1  }
0x11: {  	s14 =	sshrl.u32 @p0 s15, $0x3;
	s15 =	sor.u32 @!p0 $0x1C04, s17;
	s17 =	simm.s32 $0x40  }
.LBB2_1:
0x12: {  	[tilespmem:s3], [sflag:$0x4] =	stream.linear.gather [hbm4b:s6+s3], $0x27C0, $0x38;
	[tilespmem:$0x1E880] =	vst v63  }
0x13: {  	_ =	swait.ge [sflag:s12], $0x27C0  }
0x14: {  	[sflag:s12] =	ssyncset.done $0x0  }
0x15: {  	[sflag:s12] =	ssyncadd.s32 $0xFFFFD840  }
0x16: {  	[tilespmem:s13], [sflag:$0x4] =	stream.linear.gather [hbm4b:s7+s3], $0x27C0, $0x38;
	[tilespmem:$0x1E880] =	vst v63  }
0x17: {  	_ =	swait.ge [sflag:s12], $0x27C0  }
0x18: {  	[sflag:s12] =	ssyncset.done $0x0  }
0x19: {  	s30 =	simm.s32 @p0 $0x1FC4;
	[sflag:s12] =	ssyncadd.s32 $0xFFFFD840  }
0x1a: {  	[spmem:s14], [sflag:s30] =	dma.local @p0 [hbm:s9], $0x1900  }
0x1b: {  	s30 =	simm.s32 @p0 $0x4  }
0x1c: {  	_ =	swait.ge @p0 [sflag:s30], $0x1900  }
0x1d: {  	[sflag:s30] =	ssyncset.done @p0 $0x0  }
0x1e: {  	[sflag:s30] =	ssyncadd.s32 @p0 $0xFFFFE700;
	s30 =	simm.s32 @!p0 $0x4  }
0x1f: {  	[spmem:s16], [sflag:s15] =	dma.local @!p0 [hbm:s8], $0x2800  }
0x20: {  	_ =	swait.ge @!p0 [sflag:s30], $0x2800  }
0x21: {  	[sflag:s30] =	ssyncset.done @!p0 $0x0  }
0x22: {  	[sflag:s30] =	ssyncadd.s32 @!p0 $0xFFFFD800  }
0x23: {  	[bflag:$0x0] =	sbarrier.arrive $0xFFFF  }
0x24: {  	[tilespmem:s18], [sflag:$0x1] =	stream.indirect.gather [hbm4b:s4+s17], $0x80, s3, s17, $0xb8;
	[tilespmem:$0x1E880] =	vst v63  }
0x25: {  	_ = 	snop  }
0x26: {  	[tilespmem:s19], [sflag:$0x2] =	stream.indirect.gather [hbm4b:s4+s17], $0x80, s17, s17, $0xb8;
	[tilespmem:$0x1E880] =	vst v63  }
0x27: {  	_ = 	snop  }
0x28: {  	[tilespmem:s21], [sflag:$0x3] =	stream.indirect.gather [hbm4b:s4+s17], $0x80, s20, s17, $0xb8;
	[tilespmem:$0x1E880] =	vst v63  }
0x29: {  	_ =	swait.ge [sflag:s22], $0x2000  }
0x2a: {  	[sflag:s22] =	ssyncset.done $0x0  }
0x2b: {  	s30 =	simm.s32 $0x27C0;
	[sflag:s22] =	ssyncadd.s32 $0xFFFFE000  }
0x2c: {  	[spmem:s2] =	stream.indirect.scatter.add.f32 [tilespmem:s18], [sflag:$0x4], $0x80, s30, s17, $0xb8;
	[tilespmem:$0x1E880] =	vst v63  }
0x2d: {  	_ =	swait.ge [sflag:s12], $0x2000  }
0x2e: {  	[sflag:s12] =	ssyncset.done $0x0  }
0x2f: {  	s30 =	simm.s32 $0xC0;
	[sflag:s12] =	ssyncadd.s32 $0xFFFFE000  }
0x30: {  	[tilespmem:s18], [sflag:$0x1] =	stream.indirect.gather [hbm4b:s4+s17], $0x80, s30, s17, $0xb8;
	[tilespmem:$0x1E880] =	vst v63  }
0x31: {  	_ =	swait.ge [sflag:s23], $0x2000  }
0x32: {  	[sflag:s23] =	ssyncset.done $0x0  }
0x33: {  	s30 =	simm.s32 $0x2800;
	[sflag:s23] =	ssyncadd.s32 $0xFFFFE000  }
0x34: {  	[spmem:s2] =	stream.indirect.scatter.add.f32 [tilespmem:s19], [sflag:$0x4], $0x80, s30, s17, $0xb8;
	[tilespmem:$0x1E880] =	vst v63  }
0x35: {  	_ =	swait.ge [sflag:s12], $0x2000  }
0x36: {  	[sflag:s12] =	ssyncset.done $0x0  }
0x37: {  	s30 =	simm.s32 $0x100;
	[sflag:s12] =	ssyncadd.s32 $0xFFFFE000  }
0x38: {  	[tilespmem:s19], [sflag:$0x2] =	stream.indirect.gather [hbm4b:s4+s17], $0x80, s30, s17, $0xb8;
	[tilespmem:$0x1E880] =	vst v63  }
0x39: {  	_ =	swait.ge [sflag:s24], $0x2000  }
0x3a: {  	[sflag:s24] =	ssyncset.done $0x0  }
0x3b: {  	s30 =	simm.s32 $0x2840;
	[sflag:s24] =	ssyncadd.s32 $0xFFFFE000  }
0x3c: {  	[spmem:s2] =	stream.indirect.scatter.add.f32 [tilespmem:s21], [sflag:$0x4], $0x80, s30, s17, $0xb8;
	[tilespmem:$0x1E880] =	vst v63  }
0x3d: {  	_ =	swait.ge [sflag:s12], $0x2000  }
0x3e: {  	[sflag:s12] =	ssyncset.done $0x0  }
0x3f: {  	s31 =	simm.s32 $0x140;
	s30 =	simm.s32 $0x300;
	[sflag:s12] =	ssyncadd.s32 $0xFFFFE000  }
.LBB2_2:
0x40: {  	[tilespmem:s21], [sflag:$0x3] =	stream.indirect.gather [hbm4b:s4+s17], $0x80, s31, s17, $0xb8;
	[tilespmem:$0x1E880] =	vst v63  }
0x41: {  	s31 =	smov.u32 s30  }
0x42: {  	p1 =	sne.s32 s30, $0x9900;
	s30 =	sadd.s32 $0x300, s30;
	_ =	swait.ge [sflag:s22], $0x2000  }
0x43: {  	s31 =	sshra.s32 s31, $0x2;
	[sflag:s22] =	ssyncset.done $0x0  }
0x44: {  	s0 =	sadd.s32 $0x27C0, s31;
	[sflag:s22] =	ssyncadd.s32 $0xFFFFE000  }
0x45: {  	[spmem:s2] =	stream.indirect.scatter.add.f32 [tilespmem:s18], [sflag:$0x4], $0x80, s0, s17, $0xb8;
	[tilespmem:$0x1E880] =	vst v63  }
0x46: {  	_ =	swait.ge [sflag:s12], $0x2000  }
0x47: {  	[sflag:s12] =	ssyncset.done $0x0  }
0x48: {  	s0 =	sadd.s32 $0xC0, s31;
	[sflag:s12] =	ssyncadd.s32 $0xFFFFE000  }
0x49: {  	[tilespmem:s18], [sflag:$0x1] =	stream.indirect.gather [hbm4b:s4+s17], $0x80, s0, s17, $0xb8;
	[tilespmem:$0x1E880] =	vst v63  }
0x4a: {  	_ =	swait.ge [sflag:s23], $0x2000  }
0x4b: {  	[sflag:s23] =	ssyncset.done $0x0  }
0x4c: {  	s0 =	sadd.s32 $0x2800, s31;
	[sflag:s23] =	ssyncadd.s32 $0xFFFFE000  }
0x4d: {  	[spmem:s2] =	stream.indirect.scatter.add.f32 [tilespmem:s19], [sflag:$0x4], $0x80, s0, s17, $0xb8;
	[tilespmem:$0x1E880] =	vst v63  }
0x4e: {  	_ =	swait.ge [sflag:s12], $0x2000  }
0x4f: {  	[sflag:s12] =	ssyncset.done $0x0  }
0x50: {  	s0 =	sadd.s32 $0x100, s31;
	[sflag:s12] =	ssyncadd.s32 $0xFFFFE000  }
0x51: {  	[tilespmem:s19], [sflag:$0x2] =	stream.indirect.gather [hbm4b:s4+s17], $0x80, s0, s17, $0xb8;
	[tilespmem:$0x1E880] =	vst v63  }
0x52: {  	_ =	swait.ge [sflag:s24], $0x2000  }
0x53: {  	[sflag:s24] =	ssyncset.done $0x0  }
.Ltmp0:
0x54: {  	s0 =	sadd.s32 $0x2840, s31;
	[sflag:s24] =	ssyncadd.s32 $0xFFFFE000;
	(pc) =	sbr.rel @p1 .LBB2_2-.Ltmp0, $4  }
0x55: {  	[spmem:s2] =	stream.indirect.scatter.add.f32 [tilespmem:s21], [sflag:$0x4], $0x80, s0, s17, $0xb8;
	[tilespmem:$0x1E880] =	vst v63  }
0x56: {  	_ =	swait.ge [sflag:s12], $0x2000  }
0x57: {  	[sflag:s12] =	ssyncset.done $0x0  }
0x58: {  	s31 =	sadd.s32 $0x140, s31;
	[sflag:s12] =	ssyncadd.s32 $0xFFFFE000  }
0x59: {  	[tilespmem:s21], [sflag:$0x3] =	stream.indirect.gather [hbm4b:s4+s17], $0x80, s31, s17, $0xb8;
	[tilespmem:$0x1E880] =	vst v63  }
0x5a: {  	_ =	swait.ge [sflag:s22], $0x2000  }
0x5b: {  	[sflag:s22] =	ssyncset.done $0x0  }
0x5c: {  	[sflag:s22] =	ssyncadd.s32 $0xFFFFE000  }
0x5d: {  	[spmem:s2] =	stream.indirect.scatter.add.f32 [tilespmem:s18], [sflag:$0x4], $0x80, s25, s17, $0xb8;
	[tilespmem:$0x1E880] =	vst v63  }
0x5e: {  	_ =	swait.ge [sflag:s12], $0x2000  }
0x5f: {  	[sflag:s12] =	ssyncset.done $0x0  }
0x60: {  	[sflag:s12] =	ssyncadd.s32 $0xFFFFE000  }
0x61: {  	_ =	swait.ge [sflag:s23], $0x2000  }
0x62: {  	[sflag:s23] =	ssyncset.done $0x0  }
0x63: {  	[sflag:s23] =	ssyncadd.s32 $0xFFFFE000  }
0x64: {  	[spmem:s2] =	stream.indirect.scatter.add.f32 [tilespmem:s19], [sflag:$0x4], $0x80, s26, s17, $0xb8;
	[tilespmem:$0x1E880] =	vst v63  }
0x65: {  	_ =	swait.ge [sflag:s12], $0x2000  }
0x66: {  	[sflag:s12] =	ssyncset.done $0x0  }
0x67: {  	[sflag:s12] =	ssyncadd.s32 $0xFFFFE000  }
0x68: {  	_ =	swait.ge [sflag:s24], $0x2000  }
0x69: {  	[sflag:s24] =	ssyncset.done $0x0  }
0x6a: {  	[sflag:s24] =	ssyncadd.s32 $0xFFFFE000  }
0x6b: {  	[spmem:s2] =	stream.indirect.scatter.add.f32 [tilespmem:s21], [sflag:$0x4], $0x80, s28, s17, $0xb8;
	[tilespmem:$0x1E880] =	vst v63  }
0x6c: {  	_ =	swait.ge [sflag:s12], $0x2000  }
0x6d: {  	[sflag:s12] =	ssyncset.done $0x0  }
0x6e: {  	[sflag:s12] =	ssyncadd.s32 $0xFFFFE000  }
0x6f: {  	s0 =	sadd.s32 @p0 $0x25800, s10;
	s30 =	simm.s32 @p0 $0x1FC4;
	[bflag:$0x0] =	sbarrier.arrive $0xFFFF  }
0x70: {  	[hbm:s0], [sflag:s30] =	dma.local @p0 [spmem:s14], $0x1900  }
0x71: {  	s0 =	simm.s32 @p0 $0x4  }
0x72: {  	_ =	swait.ge @p0 [sflag:s0], $0x1900  }
0x73: {  	s29 =	sadd.s32 $0x1, s29;
	[sflag:s0] =	ssyncset.done @p0 $0x0  }
0x74: {  	p1 =	sne.s32 s29, s11;
	[sflag:s0] =	ssyncadd.s32 @p0 $0xFFFFE700;
	s0 =	sadd.s32 @!p0 s5, s10  }
0x75: {  	[hbm:s0], [sflag:s15] =	dma.local @!p0 [spmem:s16], $0x2800  }
.Ltmp1:
0x76: {  	_ = 	snop;
	(pc) =	sbr.rel @p1 .LBB2_1-.Ltmp1, $4  }
0x77: {  	s0 =	simm.s32 @!p0 $0x4  }
0x78: {  	_ =	swait.ge @!p0 [sflag:s0], $0x2800  }
0x79: {  	[sflag:s0] =	ssyncset.done @!p0 $0x0  }
0x7a: {  	[sflag:s0] =	ssyncadd.s32 @!p0 $0xFFFFD800  }
0x7b: {  	_ =	sfence.sel $0x180000  }
0x7c: {  	[bflag:$0x0] =	sbarrier.arrive $0xFFFF  }
0x7d: {  	_ =	strace $0x9000004D  }
0x7e: {  	[bflag:$0x2] =	sbarrier.arrive $0xFFFF  }
0x7f: {  	p0 =	sne.s32 s1, $0x0;
	s0 =	rddreg [dreg:$0x2]  }
0x80: {  	s0 =	sadd.s32 @!p0 $0x100000, s0  }
0x81: {  	[sflag:s0] =	ssyncadd.tile.s32 @!p0 $0x1;
	_ =	shalt  }
.Lfunc_end2:
_tile_overlayer_lowered:
.L_overlay_start_2:
0x82: {  	(tag) =	ssettag $0x2  }
0x83: {  	s0 =	rddreg [dreg:$0x0];
	s2 =	stileid.u32  }
0x84: {  	s1 =	rddreg [dreg:$0x1];
	p0 =	sne.s32 s2, $0x0  }
0x85: {  	s3 =	rddreg [dreg:$0x2];
	[bflag:$0x3] =	sbarrier.arrive $0xFFFF;
	s2 =	simm.s32 @!p0 $0x1C04  }
0x86: {  	[timem:s3], [sflag:s2] =	dma.local @!p0 [hbm:s0], s1  }
0x87: {  	s0 =	simm.s32 @!p0 $0x4  }
0x88: {  	_ =	swait.ge @!p0 [sflag:s0], s1  }
0x89: {  	s1 =	ssub.s32 @!p0 $0x0, s1;
	[sflag:s0] =	ssyncset.done @!p0 $0x0  }
0x8a: {  	[sflag:s0] =	ssyncadd.s32 @!p0 s1  }
0x8b: {  	[bflag:$0x3] =	sbarrier.arrive $0xFFFF  }
0x8c: {  	_ =	shalt  }

// kernel: kernel.19.cloned.1.call-start
scs
__scs_entry_jumppad:
0x0: {  	(pc) =	sbr.rel $0x88, $3  }
0x1: {  	(tag) =	ssettag $0x0;
	lr =	simm.s32 $0x1  }
0x2: {  	[smem:$0x3F99] =	sst lr;
	_ =	strace $0xD0000000  }
0x3: {  	_ = 	snop  }
0x4: {  	_ = 	snop  }
0x5: {  	_ = 	snop  }
0x6: {  	_ = 	snop  }
0x7: {  	_ = 	snop  }
__scs_overlays_trampoline_lowered:
0x8: {  	[smem:$0x3FA8] =	sst s0  }
0x9: {  	[smem:$0x3FA9] =	sst s1  }
0xa: {  	[smem:$0x3FAA] =	sst s2  }
0xb: {  	[smem:$0x3FAB] =	sst s3  }
0xc: {  	[smem:$0x3FAC] =	sst s4  }
0xd: {  	[smem:$0x3FAD] =	sst s5  }
0xe: {  	[smem:$0x3FAE] =	sst s6  }
0xf: {  	[smem:$0x3FAF] =	sst s7  }
0x10: {  	[smem:$0x3FB0] =	sst s8  }
0x11: {  	[smem:$0x3FB1] =	sst s9;
	s0 =	simm.s32 @!p0 $0x0  }
0x12: {  	s1 =	sld [smem:$0x3F97];
	s0 =	simm.s32 @p0 $0x1  }
0x13: {  	[smem:$0x3FB2] =	sst s0;
	s0 =	simm.s32 @!p1 $0x0  }
0x14: {  	s2 =	sld [smem:$0x3F96];
	s0 =	simm.s32 @p1 $0x1  }
0x15: {  	[smem:$0x3FB3] =	sst s0;
	s0 =	simm.s32 @!p2 $0x0  }
0x16: {  	s3 =	sld [smem:$0x3FDB];
	s0 =	simm.s32 @p2 $0x1  }
0x17: {  	s4 =	simm.s32 $0x1BF5;
	[smem:$0x3FB5] =	sst s0  }
0x18: {  	s0 =	sld [smem:$0x3F98];
	_ =	swait.ge [sflag:s4], $0x0  }
0x19: {  	s7 =	sld [smem:$0x3F99]  }
0x1a: {  	s8 =	sadd.s32 $0xFFFFE003, lr  }
0x1b: {  	s9 =	sadd.s32 $0xFFFFFEF7, lr;
	s5 =	simm.s32 $0xFFFFFFFF;
	p2 =	slt.u32 s8, $0xFFFFF086  }
0x1c: {  	p1 =	slt.u32 s9, $0xF7A;
	s5 =	simm.s32 @!p2 $0x0  }
0x1d: {  	s5 =	simm.s32 @p1 $0x1;
	p0 =	seq.s32 s7, s2  }
0x1e: {  	s7 =	smul.u32 @!p0 $0xF7A, s2;
	p2 =	seq.s32 @!p0 s5, $0x0  }
0x1f: {  	s9 =	smul.u32 $0xF7A, s1;
	s8 =	simm.s32 @!p0 $0x1BF5;
	p2 =	por !p2, p0  }
0x20: {  	[sflag:s8] =	ssyncset.s32 @!p0 $0xFFFFF086;
	s6 =	sadd.s32 @!p0 s3, s7;
	s7 =	simm.s32 @!p0 $0x108  }
0x21: {  	s3 =	sadd.s32 s3, s9;
	s6 =	sadd.s32 @!p0 $0x88, s6;
	s7 =	simm.s32 @p2 $0x1082  }
0x22: {  	[simem:s7], [sflag:s8] =	dma.local @!p0 [hbm:s6], $0xF7A  }
0x23: {  	s9 =	sor.u32 $0xD0000000, s2;
	s6 =	simm.s32 $0x108;
	_ =	swait.ge @!p0 [sflag:s8], $0x0  }
0x24: {  	s3 =	sadd.s32 $0x88, s3;
	s6 =	simm.s32 @!p1 $0x1082;
	[sflag:s4] =	ssyncset.s32 $0xFFFFF086  }
0x25: {  	[simem:s6], [sflag:s4] =	dma.local [hbm:s3], $0xF7A  }
0x26: {  	[smem:$0x3F99] =	sst s1;
	(tag) =	ssettag s2;
	_ =	strace s9  }
0x27: {  	s1 =	sld [smem:$0x3FA9]  }
0x28: {  	s2 =	sld [smem:$0x3FAA]  }
0x29: {  	s4 =	sld [smem:$0x3FAC]  }
0x2a: {  	p0 =	seq.s32 s5, $0x0;
	s5 =	sld [smem:$0x3FAD]  }
0x2b: {  	s6 =	sld [smem:$0x3FAE]  }
0x2c: {  	s7 =	sld [smem:$0x3FAF]  }
0x2d: {  	s3 =	simm.s32 $0x108;
	s8 =	sld [smem:$0x3FB0]  }
0x2e: {  	s3 =	simm.s32 @!p0 $0x1082;
	s9 =	sld [smem:$0x3FB1]  }
0x2f: {  	lr =	sadd.s32 s0, s3;
	s0 =	sld [smem:$0x3FA8]  }
0x30: {  	s3 =	sld [smem:$0x3FAB]  }
0x31: {  	[smem:$0x3FB4] =	sst s10  }
0x32: {  	s10 =	sld [smem:$0x3FB2];
	_ =	sdelay $0x3  }
0x33: {  	p0 =	seq.s32 s10, $0x1;
	s10 =	sld [smem:$0x3FB4];
	_ =	sdelay $0x3  }
0x34: {  	[smem:$0x3FB4] =	sst s10  }
0x35: {  	s10 =	sld [smem:$0x3FB3];
	_ =	sdelay $0x3  }
0x36: {  	p1 =	seq.s32 s10, $0x1;
	s10 =	sld [smem:$0x3FB4];
	_ =	sdelay $0x3  }
0x37: {  	[smem:$0x3FB4] =	sst s10  }
0x38: {  	s10 =	sld [smem:$0x3FB5]  }
0x39: {  	_ = 	snop;
	(pc) =	sbr.ind lr, $3  }
0x3a: {  	_ = 	snop  }
0x3b: {  	_ = 	snop  }
0x3c: {  	p2 =	seq.s32 s10, $0x1;
	s10 =	sld [smem:$0x3FB4]  }
0x3d: {  	_ =	shalt  }
0x3e: {  	_ =	shalt  }
0x3f: {  	_ =	shalt  }
0x40: {  	_ =	shalt  }
0x41: {  	_ =	shalt  }
0x42: {  	_ =	shalt  }
0x43: {  	_ =	shalt  }
0x44: {  	_ =	shalt  }
0x45: {  	_ =	shalt  }
0x46: {  	_ =	shalt  }
0x47: {  	_ =	shalt  }
0x48: {  	_ =	shalt  }
0x49: {  	_ =	shalt  }
0x4a: {  	_ =	shalt  }
0x4b: {  	_ =	shalt  }
0x4c: {  	_ =	shalt  }
0x4d: {  	_ =	shalt  }
0x4e: {  	_ =	shalt  }
0x4f: {  	_ =	shalt  }
0x50: {  	_ =	shalt  }
0x51: {  	_ =	shalt  }
0x52: {  	_ =	shalt  }
0x53: {  	_ =	shalt  }
0x54: {  	_ =	shalt  }
0x55: {  	_ =	shalt  }
0x56: {  	_ =	shalt  }
0x57: {  	_ =	shalt  }
0x58: {  	_ =	shalt  }
0x59: {  	_ =	shalt  }
0x5a: {  	_ =	shalt  }
0x5b: {  	_ =	shalt  }
0x5c: {  	_ =	shalt  }
0x5d: {  	_ =	shalt  }
0x5e: {  	_ =	shalt  }
0x5f: {  	_ =	shalt  }
0x60: {  	_ =	shalt  }
0x61: {  	_ =	shalt  }
0x62: {  	_ =	shalt  }
0x63: {  	_ =	shalt  }
0x64: {  	_ =	shalt  }
0x65: {  	_ =	shalt  }
0x66: {  	_ =	shalt  }
0x67: {  	_ =	shalt  }
0x68: {  	_ =	shalt  }
0x69: {  	_ =	shalt  }
0x6a: {  	_ =	shalt  }
0x6b: {  	_ =	shalt  }
0x6c: {  	_ =	shalt  }
0x6d: {  	_ =	shalt  }
0x6e: {  	_ =	shalt  }
0x6f: {  	_ =	shalt  }
0x70: {  	_ =	shalt  }
0x71: {  	_ =	shalt  }
0x72: {  	_ =	shalt  }
0x73: {  	_ =	shalt  }
0x74: {  	_ =	shalt  }
0x75: {  	_ =	shalt  }
0x76: {  	_ =	shalt  }
0x77: {  	_ =	shalt  }
0x78: {  	_ =	shalt  }
0x79: {  	_ =	shalt  }
0x7a: {  	_ =	shalt  }
0x7b: {  	_ =	shalt  }
0x7c: {  	_ =	shalt  }
0x7d: {  	_ =	shalt  }
0x7e: {  	_ =	shalt  }
0x7f: {  	_ =	shalt  }
0x80: {  	_ =	shalt  }
0x81: {  	_ =	shalt  }
0x82: {  	_ =	shalt  }
0x83: {  	_ =	shalt  }
0x84: {  	_ =	shalt  }
0x85: {  	_ =	shalt  }
0x86: {  	_ =	shalt  }
0x87: {  	_ =	shalt  }
.Lfunc_end0:
.L_simem_size_0:
called_computation.3_lowered:
.L_overlay_start_0:
0x88: {  	s2 =	sld [smem:$0x3FD9]  }
0x89: {  	s3 =	sld [smem:$0x3FFE];
	_ =	sdelay $0x1  }
0x8a: {  	s1 =	srdreg.scid  }
0x8b: {  	s0 =	sand.u32 $0x1, s1  }
0x8c: {  	s17 =	sshll.u32 s0, $0xA;
	s2 =	sadd.s32 s3, s2  }
0x8d: {  	s2 =	sadd.s32 s2, s17  }
0x8e: {  	[smem:$0x3FC0] =	sst s2  }
0x8f: {  	_ = 	snop  }
0x90: {  	s2 =	sld [smem:$0x3FD0];
	(tm) =	ssettm $0x1  }
0x91: {  	s18 =	sld [smem:$0x3FFB];
	_ =	sdelay $0x3  }
0x92: {  	_ =	strace s18  }
0x93: {  	s3 =	sld [smem:$0x3FFC];
	_ =	sdelay $0x3  }
0x94: {  	_ =	strace s3  }
0x95: {  	s3 =	sld [smem:$0x3FFD];
	_ =	sdelay $0x3  }
0x96: {  	_ =	strace s3  }
0x97: {  	_ =	strace $0x8FFFFFFF  }
0x98: {  	s19 =	sld [smem:$0x3FDB];
	_ =	sdelay $0x1  }
0x99: {  	s4 =	simm.s32 $_scs_section_size  }
0x9a: {  	s5 =	simm.s32 $_size__tile_overlayer_lowered;
	s6 =	simm.s32 $_tile_overlayer_lowered  }
0x9b: {  	s22 =	simm.s32 $0x1BFF;
	s21 =	sshll.u32 s6, $0x1;
	s3 =	sadd.s32 s4, s19  }
0x9c: {  	s7 =	simm.s32 $0x0;
	s20 =	sshll.u32 s5, $0x1;
	s5 =	sadd.s32 s21, s3  }
0x9d: {  	[timem:s7], [sflag:s22] =	dma.local [hbm:s5], s20  }
0x9e: {  	_ =	swait.ge [sflag:s22], s20  }
0x9f: {  	s4 =	ssub.s32 $0x0, s20;
	[sflag:s22] =	ssyncset.done $0x0  }
0xa0: {  	[sflag:s22] =	ssyncadd.s32 s4;
	_ =	sdelay $0x1  }
0xa1: {  	s23 =	simm.s32 $0x1B8B  }
0xa2: {  	_ =	swait.ge [sflag:s23], $0x1  }
0xa3: {  	[sflag:s23] =	ssyncset.done $0x0  }
0xa4: {  	s25 =	simm.s32 $0x1B8E;
	s24 =	sld [smem:$0x3FFE];
	[sflag:s23] =	ssyncadd.s32 $0xFFFFFFFF  }
0xa5: {  	s26 =	simm.s32 $execute0_lowered;
	[smem:$0x3FD2] =	sst s25  }
0xa6: {  	s5 =	sshll.u32 s26, $0x1;
	_ =	strace $0x8000004F;
	[dreg:$0x1] =	wrdreg $0xFFFFFFFF  }
0xa7: {  	s28 =	simm.s32 $_size_execute0_lowered;
	s3 =	sadd.s32 s3, s5;
	[dreg:$0x0] =	wrdreg $0x0  }
0xa8: {  	s5 =	sshll.u32 s28, $0x1;
	[dreg:$0x2] =	wrdreg s3  }
0xa9: {  	[dreg:$0x3] =	wrdreg s5  }
0xaa: {  	[dreg:$0x4] =	wrdreg $0xC0  }
0xab: {  	_ =	task [dreg:s7], $0x5FFFF  }
0xac: {  	[dreg:$0x1] =	wrdreg $0xFFFFFFFF  }
0xad: {  	[dreg:$0x0] =	wrdreg $0x60  }
0xae: {  	[dreg:$0x2] =	wrdreg s24  }
0xaf: {  	[dreg:$0x3] =	wrdreg s2  }
0xb0: {  	[dreg:$0x4] =	wrdreg $0x5B800  }
0xb1: {  	[dreg:$0x5] =	wrdreg $0x9  }
0xb2: {  	_ =	task.clear_ibuf [dreg:s7], $0x6FFFF;
	_ =	strace $0x9000004F  }
0xb3: {  	s29 =	simm.s32 $0x9;
	_ =	strace $0x80000051  }
0xb4: {  	_ =	swait.ge [sflag:s29], $0x1  }
0xb5: {  	[sflag:s29] =	ssyncadd.s32 $0xFFFFFFFF  }
0xb6: {  	_ =	strace $0x90000051  }
0xb7: {  	_ =	sfence  }
0xb8: {  	s30 =	sld [smem:$0x0];
	_ =	sdelay $0x2  }
0xb9: {  	s31 =	sshll.u32 s1, $0xD;
	s1 =	sshrl.u32 s1, $0x2  }
0xba: {  	s3 =	sand.u32 $0x4000, s31;
	s1 =	sadd.s32 s1, s30  }
0xbb: {  	s0 =	sor.u32 s3, s0;
	s1 =	sshll.u32 s1, $0x11  }
0xbc: {  	s0 =	sor.u32 s1, s0  }
0xbd: {  	s0 =	sadd.s32 $0x8F2B, s0  }
0xbe: {  	[sflag:s0] =	ssyncadd.remote.s32 $0x1  }
0xbf: {  	_ =	sfence.sel $0xFFFF  }
0xc0: {  	[dreg:$0x0] =	wrdreg $0xFFFFFFFF;
	(pc) =	sbr.abs _section_cstart, $3  }
0xc1: {  	[dreg:$0x1] =	wrdreg $0xFFFFFFFF  }
0xc2: {  	_ =	task.clear_ibuf [dreg:s7], $0x2FFFF;
	_ =	strace $0x9FFFFFFF  }
0xc3: {  	(tm) =	ssettm $0x7FFFFFFF  }
tec
execute0_lowered:
.L_overlay_start_1:
0x0: {  	(tag) =	ssettag $0x1  }
0x1: {  	s5 =	rddreg [dreg:$0x0]  }
0x2: {  	s9 =	rddreg [dreg:$0x1]  }
0x3: {  	s1 =	rddreg [dreg:$0x2]  }
0x4: {  	s2 =	srdreg.scid;
	s3 =	simm.s32 $0x0;
	s17 =	simm.s32 $0x40  }
0x5: {  	s18 =	simm.s32 $0x4F80;
	s19 =	simm.s32 $0x5380;
	s20 =	simm.s32 $0x80  }
0x6: {  	s21 =	simm.s32 $0x5780;
	s22 =	simm.s32 $0x1;
	s23 =	simm.s32 $0x2  }
0x7: {  	s24 =	simm.s32 $0x3;
	s25 =	simm.s32 $0x4EC0;
	s26 =	simm.s32 $0x4F00  }
0x8: {  	s28 =	simm.s32 $0x4F40;
	s29 =	simm.s32 $0x0;
	s6 =	sand.u32 $0x1, s2  }
0x9: {  	s2 =	stileid.u32;
	[smem:$0x7FF] =	sst s3;
	s14 =	sadd.s32 $0x25800, s1  }
0xa: {  	s4 =	sshll.u32 s6, $0x4;
	_ =	strace $0x80000050;
	s8 =	smul.u32 $0x4E20, s6  }
0xb: {  	s6 =	ssub.s32 $0x2, s6;
	s11 =	smul.u32 $0x2800, s2;
	p0 =	seq.s32 s2, $0xF  }
0xc: {  	s4 =	sor.u32 s2, s4;
	s10 =	sshrl.u32 s6, $0x1;
	s15 =	sshll.u32 @!p0 s2, $0x6  }
0xd: {  	s14 =	sshrl.u32 @p0 s14, $0x3;
	s7 =	smul.u32 $0x4F8, s4;
	s4 =	sadd.s32 $0xD200, s5  }
0xe: {  	s12 =	sadd.s32 s8, s5;
	s13 =	ssub.s32 s6, s10;
	s16 =	sadd.s32 s11, s1  }
0xf: {  	s15 =	sor.u32 @!p0 $0x1C04, s15;
	s10 =	sadd.s32 $0x21000, s12;
	s7 =	sadd.s32 s7, s5  }
0x10: {  	s12 =	simm.s32 $0x4;
	s16 =	sshrl.u32 @!p0 s16, $0x3;
	s5 =	sadd.s32 $0x17000, s7  }
0x11: {  	s6 =	sadd.s32 $0x3200, s7;
	s7 =	sshrl.u32 s11, $0x3;
	s11 =	smax.u32 s13, $0x1  }
0x12: {  	s13 =	simm.s32 $0x27C0;
	s8 =	sadd.s32 s9, s7;
	s9 =	sadd.s32 $0x4B00, s9  }
.LBB2_1:
0x13: {  	[tilespmem:s3], [sflag:$0x4] =	stream.linear.gather [hbm4b:s5+s3], $0x27C0, $0x38;
	[tilespmem:$0x82A0] =	vst v63  }
0x14: {  	_ =	swait.ge [sflag:s12], $0x27C0  }
0x15: {  	[sflag:s12] =	ssyncset.done $0x0  }
0x16: {  	[sflag:s12] =	ssyncadd.s32 $0xFFFFD840  }
0x17: {  	[tilespmem:s13], [sflag:$0x4] =	stream.linear.gather [hbm4b:s6+s3], $0x27C0, $0x38;
	[tilespmem:$0x82A0] =	vst v63  }
0x18: {  	_ =	swait.ge [sflag:s12], $0x27C0  }
0x19: {  	[sflag:s12] =	ssyncset.done $0x0  }
0x1a: {  	s30 =	simm.s32 @p0 $0x1FC4;
	[sflag:s12] =	ssyncadd.s32 $0xFFFFD840  }
0x1b: {  	[spmem:s14], [sflag:s30] =	dma.local @p0 [hbm:s9], $0x320  }
0x1c: {  	s30 =	simm.s32 @p0 $0x4  }
0x1d: {  	_ =	swait.ge @p0 [sflag:s30], $0x320  }
0x1e: {  	[sflag:s30] =	ssyncset.done @p0 $0x0  }
0x1f: {  	[sflag:s30] =	ssyncadd.s32 @p0 $0xFFFFFCE0;
	s30 =	simm.s32 @!p0 $0x4  }
0x20: {  	[spmem:s16], [sflag:s15] =	dma.local @!p0 [hbm:s8], $0x500  }
0x21: {  	_ =	swait.ge @!p0 [sflag:s30], $0x500  }
0x22: {  	[sflag:s30] =	ssyncset.done @!p0 $0x0  }
0x23: {  	[sflag:s30] =	ssyncadd.s32 @!p0 $0xFFFFFB00  }
0x24: {  	[bflag:$0x0] =	sbarrier.arrive $0xFFFF  }
0x25: {  	[tilespmem:s18], [sflag:$0x1] =	stream.indirect.gather [hbm4b:s4+s17], $0x10, s3, s17, $0xb8;
	[tilespmem:$0x82A0] =	vst v63  }
0x26: {  	_ = 	snop  }
0x27: {  	[tilespmem:s19], [sflag:$0x2] =	stream.indirect.gather [hbm4b:s4+s17], $0x10, s17, s17, $0xb8;
	[tilespmem:$0x82A0] =	vst v63  }
0x28: {  	_ = 	snop  }
0x29: {  	[tilespmem:s21], [sflag:$0x3] =	stream.indirect.gather [hbm4b:s4+s17], $0x10, s20, s17, $0xb8;
	[tilespmem:$0x82A0] =	vst v63  }
0x2a: {  	_ =	swait.ge [sflag:s22], $0x400  }
0x2b: {  	[sflag:s22] =	ssyncset.done $0x0  }
0x2c: {  	s30 =	simm.s32 $0x27C0;
	[sflag:s22] =	ssyncadd.s32 $0xFFFFFC00  }
0x2d: {  	[spmem:s1] =	stream.indirect.scatter.add.f32 [tilespmem:s18], [sflag:$0x4], $0x10, s30, s17, $0xb8;
	[tilespmem:$0x82A0] =	vst v63  }
0x2e: {  	_ =	swait.ge [sflag:s12], $0x400  }
0x2f: {  	[sflag:s12] =	ssyncset.done $0x0  }
0x30: {  	s30 =	simm.s32 $0xC0;
	[sflag:s12] =	ssyncadd.s32 $0xFFFFFC00  }
0x31: {  	[tilespmem:s18], [sflag:$0x1] =	stream.indirect.gather [hbm4b:s4+s17], $0x10, s30, s17, $0xb8;
	[tilespmem:$0x82A0] =	vst v63  }
0x32: {  	_ =	swait.ge [sflag:s23], $0x400  }
0x33: {  	[sflag:s23] =	ssyncset.done $0x0  }
0x34: {  	s30 =	simm.s32 $0x2800;
	[sflag:s23] =	ssyncadd.s32 $0xFFFFFC00  }
0x35: {  	[spmem:s1] =	stream.indirect.scatter.add.f32 [tilespmem:s19], [sflag:$0x4], $0x10, s30, s17, $0xb8;
	[tilespmem:$0x82A0] =	vst v63  }
0x36: {  	_ =	swait.ge [sflag:s12], $0x400  }
0x37: {  	[sflag:s12] =	ssyncset.done $0x0  }
0x38: {  	s30 =	simm.s32 $0x100;
	[sflag:s12] =	ssyncadd.s32 $0xFFFFFC00  }
0x39: {  	[tilespmem:s19], [sflag:$0x2] =	stream.indirect.gather [hbm4b:s4+s17], $0x10, s30, s17, $0xb8;
	[tilespmem:$0x82A0] =	vst v63  }
0x3a: {  	_ =	swait.ge [sflag:s24], $0x400  }
0x3b: {  	[sflag:s24] =	ssyncset.done $0x0  }
0x3c: {  	s30 =	simm.s32 $0x2840;
	[sflag:s24] =	ssyncadd.s32 $0xFFFFFC00  }
0x3d: {  	[spmem:s1] =	stream.indirect.scatter.add.f32 [tilespmem:s21], [sflag:$0x4], $0x10, s30, s17, $0xb8;
	[tilespmem:$0x82A0] =	vst v63  }
0x3e: {  	_ =	swait.ge [sflag:s12], $0x400  }
0x3f: {  	[sflag:s12] =	ssyncset.done $0x0  }
0x40: {  	s31 =	simm.s32 $0x140;
	s30 =	simm.s32 $0x300;
	[sflag:s12] =	ssyncadd.s32 $0xFFFFFC00  }
.LBB2_2:
0x41: {  	[tilespmem:s21], [sflag:$0x3] =	stream.indirect.gather [hbm4b:s4+s17], $0x10, s31, s17, $0xb8;
	[tilespmem:$0x82A0] =	vst v63  }
0x42: {  	s31 =	smov.u32 s30  }
0x43: {  	p1 =	sne.s32 s30, $0x9900;
	s30 =	sadd.s32 $0x300, s30;
	_ =	swait.ge [sflag:s22], $0x400  }
0x44: {  	s31 =	sshra.s32 s31, $0x2;
	[sflag:s22] =	ssyncset.done $0x0  }
0x45: {  	s0 =	sadd.s32 $0x27C0, s31;
	[sflag:s22] =	ssyncadd.s32 $0xFFFFFC00  }
0x46: {  	[spmem:s1] =	stream.indirect.scatter.add.f32 [tilespmem:s18], [sflag:$0x4], $0x10, s0, s17, $0xb8;
	[tilespmem:$0x82A0] =	vst v63  }
0x47: {  	_ =	swait.ge [sflag:s12], $0x400  }
0x48: {  	[sflag:s12] =	ssyncset.done $0x0  }
0x49: {  	s0 =	sadd.s32 $0xC0, s31;
	[sflag:s12] =	ssyncadd.s32 $0xFFFFFC00  }
0x4a: {  	[tilespmem:s18], [sflag:$0x1] =	stream.indirect.gather [hbm4b:s4+s17], $0x10, s0, s17, $0xb8;
	[tilespmem:$0x82A0] =	vst v63  }
0x4b: {  	_ =	swait.ge [sflag:s23], $0x400  }
0x4c: {  	[sflag:s23] =	ssyncset.done $0x0  }
0x4d: {  	s0 =	sadd.s32 $0x2800, s31;
	[sflag:s23] =	ssyncadd.s32 $0xFFFFFC00  }
0x4e: {  	[spmem:s1] =	stream.indirect.scatter.add.f32 [tilespmem:s19], [sflag:$0x4], $0x10, s0, s17, $0xb8;
	[tilespmem:$0x82A0] =	vst v63  }
0x4f: {  	_ =	swait.ge [sflag:s12], $0x400  }
0x50: {  	[sflag:s12] =	ssyncset.done $0x0  }
0x51: {  	s0 =	sadd.s32 $0x100, s31;
	[sflag:s12] =	ssyncadd.s32 $0xFFFFFC00  }
0x52: {  	[tilespmem:s19], [sflag:$0x2] =	stream.indirect.gather [hbm4b:s4+s17], $0x10, s0, s17, $0xb8;
	[tilespmem:$0x82A0] =	vst v63  }
0x53: {  	_ =	swait.ge [sflag:s24], $0x400  }
0x54: {  	[sflag:s24] =	ssyncset.done $0x0  }
.Ltmp0:
0x55: {  	s0 =	sadd.s32 $0x2840, s31;
	[sflag:s24] =	ssyncadd.s32 $0xFFFFFC00;
	(pc) =	sbr.rel @p1 .LBB2_2-.Ltmp0, $4  }
0x56: {  	[spmem:s1] =	stream.indirect.scatter.add.f32 [tilespmem:s21], [sflag:$0x4], $0x10, s0, s17, $0xb8;
	[tilespmem:$0x82A0] =	vst v63  }
0x57: {  	_ =	swait.ge [sflag:s12], $0x400  }
0x58: {  	[sflag:s12] =	ssyncset.done $0x0  }
0x59: {  	s31 =	sadd.s32 $0x140, s31;
	[sflag:s12] =	ssyncadd.s32 $0xFFFFFC00  }
0x5a: {  	[tilespmem:s21], [sflag:$0x3] =	stream.indirect.gather [hbm4b:s4+s17], $0x10, s31, s17, $0xb8;
	[tilespmem:$0x82A0] =	vst v63  }
0x5b: {  	_ =	swait.ge [sflag:s22], $0x400  }
0x5c: {  	[sflag:s22] =	ssyncset.done $0x0  }
0x5d: {  	[sflag:s22] =	ssyncadd.s32 $0xFFFFFC00  }
0x5e: {  	[spmem:s1] =	stream.indirect.scatter.add.f32 [tilespmem:s18], [sflag:$0x4], $0x10, s25, s17, $0xb8;
	[tilespmem:$0x82A0] =	vst v63  }
0x5f: {  	_ =	swait.ge [sflag:s12], $0x400  }
0x60: {  	[sflag:s12] =	ssyncset.done $0x0  }
0x61: {  	[sflag:s12] =	ssyncadd.s32 $0xFFFFFC00  }
0x62: {  	_ =	swait.ge [sflag:s23], $0x400  }
0x63: {  	[sflag:s23] =	ssyncset.done $0x0  }
0x64: {  	[sflag:s23] =	ssyncadd.s32 $0xFFFFFC00  }
0x65: {  	[spmem:s1] =	stream.indirect.scatter.add.f32 [tilespmem:s19], [sflag:$0x4], $0x10, s26, s17, $0xb8;
	[tilespmem:$0x82A0] =	vst v63  }
0x66: {  	_ =	swait.ge [sflag:s12], $0x400  }
0x67: {  	[sflag:s12] =	ssyncset.done $0x0  }
0x68: {  	[sflag:s12] =	ssyncadd.s32 $0xFFFFFC00  }
0x69: {  	_ =	swait.ge [sflag:s24], $0x400  }
0x6a: {  	[sflag:s24] =	ssyncset.done $0x0  }
0x6b: {  	[sflag:s24] =	ssyncadd.s32 $0xFFFFFC00  }
0x6c: {  	[spmem:s1] =	stream.indirect.scatter.add.f32 [tilespmem:s21], [sflag:$0x4], $0x10, s28, s17, $0xb8;
	[tilespmem:$0x82A0] =	vst v63  }
0x6d: {  	_ =	swait.ge [sflag:s12], $0x400  }
0x6e: {  	[sflag:s12] =	ssyncset.done $0x0  }
0x6f: {  	[sflag:s12] =	ssyncadd.s32 $0xFFFFFC00  }
0x70: {  	s0 =	sadd.s32 @p0 $0x4B00, s10;
	s30 =	simm.s32 @p0 $0x1FC4;
	[bflag:$0x0] =	sbarrier.arrive $0xFFFF  }
0x71: {  	[hbm:s0], [sflag:s30] =	dma.local @p0 [spmem:s14], $0x320  }
0x72: {  	s0 =	simm.s32 @p0 $0x4  }
0x73: {  	_ =	swait.ge @p0 [sflag:s0], $0x320  }
0x74: {  	s29 =	sadd.s32 $0x1, s29;
	[sflag:s0] =	ssyncset.done @p0 $0x0  }
0x75: {  	p1 =	sne.s32 s29, s11;
	[sflag:s0] =	ssyncadd.s32 @p0 $0xFFFFFCE0;
	s0 =	sadd.s32 @!p0 s7, s10  }
0x76: {  	[hbm:s0], [sflag:s15] =	dma.local @!p0 [spmem:s16], $0x500  }
.Ltmp1:
0x77: {  	_ = 	snop;
	(pc) =	sbr.rel @p1 .LBB2_1-.Ltmp1, $4  }
0x78: {  	s0 =	simm.s32 @!p0 $0x4  }
0x79: {  	_ =	swait.ge @!p0 [sflag:s0], $0x500  }
0x7a: {  	[sflag:s0] =	ssyncset.done @!p0 $0x0  }
0x7b: {  	[sflag:s0] =	ssyncadd.s32 @!p0 $0xFFFFFB00  }
0x7c: {  	_ =	sfence.sel $0x180000  }
0x7d: {  	[bflag:$0x0] =	sbarrier.arrive $0xFFFF  }
0x7e: {  	_ =	strace $0x90000050  }
0x7f: {  	[bflag:$0x2] =	sbarrier.arrive $0xFFFF  }
0x80: {  	p0 =	sne.s32 s2, $0x0;
	s0 =	rddreg [dreg:$0x3]  }
0x81: {  	s0 =	sadd.s32 @!p0 $0x100000, s0  }
0x82: {  	[sflag:s0] =	ssyncadd.tile.s32 @!p0 $0x1;
	_ =	shalt  }
.Lfunc_end2:
_tile_overlayer_lowered:
.L_overlay_start_2:
0x83: {  	(tag) =	ssettag $0x2  }
0x84: {  	s0 =	rddreg [dreg:$0x0];
	s2 =	stileid.u32  }
0x85: {  	s1 =	rddreg [dreg:$0x1];
	p0 =	sne.s32 s2, $0x0  }
0x86: {  	s3 =	rddreg [dreg:$0x2];
	[bflag:$0x3] =	sbarrier.arrive $0xFFFF;
	s2 =	simm.s32 @!p0 $0x1C04  }
0x87: {  	[timem:s3], [sflag:s2] =	dma.local @!p0 [hbm:s0], s1  }
0x88: {  	s0 =	simm.s32 @!p0 $0x4  }
0x89: {  	_ =	swait.ge @!p0 [sflag:s0], s1  }
0x8a: {  	s1 =	ssub.s32 @!p0 $0x0, s1;
	[sflag:s0] =	ssyncset.done @!p0 $0x0  }
0x8b: {  	[sflag:s0] =	ssyncadd.s32 @!p0 s1  }
0x8c: {  	[bflag:$0x3] =	sbarrier.arrive $0xFFFF  }
0x8d: {  	_ =	shalt  }

</sc_bundles>
